<compile_context>
chip_gen: v7x
topology: tpu7x:2x2x1
jax: 0.10.2.dev20260603
libtpu: 0.0.44.dev20260713+nightly
codegen_flags: <defaults>
</compile_context>

<pallas_src>
import functools

import jax
import jax.numpy as jnp
from jax import lax
from jax.experimental import pallas as pl
from jax.experimental.pallas import tpu as pltpu
from jax.experimental.pallas import tpu_sc as plsc

N, P2, TOPK, W2, CKV = 8, 49, 8, 16, 768
SEC = P2 * TOPK
ROWS = N * SEC
NC, NS = 2, 16
NGRP = 27
TSP_ROWS = 8
SPM_ROWS = 9
CACHED = 4 * TSP_ROWS + SPM_ROWS
SPS = 4

_mesh = plsc.VectorSubcoreMesh(core_axis_name="c", subcore_axis_name="s")


@functools.partial(
    pl.kernel,
    mesh=_mesh,
    out_type=jax.ShapeDtypeStruct((ROWS, W2, CKV), jnp.float32),
    scratch_types=[
        pltpu.VMEM((16 * NGRP,), jnp.int32),
        pltpu.VMEM((TSP_ROWS, W2, CKV), jnp.float32),
        pltpu.VMEM_SHARED((SPS, SPM_ROWS, W2, CKV), jnp.float32),
        pltpu.SemaphoreType.DMA,
        pltpu.SemaphoreType.DMA,
        pltpu.SemaphoreType.DMA,
        pltpu.SemaphoreType.DMA,
        pltpu.SemaphoreType.DMA,
    ],
)
def _gather_kernel(idx_hbm, tbl_hbm, out_hbm, idx_v, tsp, spm, gsem, s2sem,
                   wsem, wsem2, wsem3):
    wid = lax.axis_index("c") * NS + lax.axis_index("s")
    sec = wid // 4
    q = lax.rem(wid, 4)
    slot = lax.rem(sec, SPS)
    sec_row = sec * SEC
    tbl_base = sec * P2
    g0 = jnp.where(q == 0, 0, 6 * q + 1)
    g1 = g0 + jnp.where(q == 0, 7, 6)

    pltpu.async_copy(tbl_hbm.at[pl.ds(tbl_base + TSP_ROWS * q, TSP_ROWS)],
                     tsp, gsem)

    @pl.when(q == 0)
    def _():
        pltpu.async_copy(tbl_hbm.at[pl.ds(tbl_base + 4 * TSP_ROWS, SPM_ROWS)],
                         spm.at[slot], s2sem)

    pltpu.sync_copy(idx_hbm.at[pl.ds(sec_row, SEC)], idx_v.at[pl.ds(0, SEC)])
    lanes = lax.iota(jnp.int32, 16)
    neg1 = jnp.full((16,), -1, jnp.int32)
    tail = idx_v[pl.ds(384, 16)]
    idx_v[pl.ds(384, 16)] = jnp.where(lanes < 8, tail, neg1)
    idx_v[pl.ds(400, 16)] = neg1
    idx_v[pl.ds(416, 16)] = neg1

    pltpu.make_async_copy(tbl_hbm.at[pl.ds(0, TSP_ROWS)], tsp, gsem).wait()

    @pl.when(q == 0)
    def _():
        pltpu.make_async_copy(tbl_hbm.at[pl.ds(0, SPM_ROWS)], spm.at[slot],
                              s2sem).wait()

    plsc.subcore_barrier()

    def scan_group(gi, counts):
        nw, nw2 = counts
        v = idx_v[pl.ds(16 * gi, 16)]
        for j in range(16):
            t = v[j]
            p = gi * 16 + j
            loc = t - TSP_ROWS * q
            mine = jnp.logical_and(gi >= g0, gi < g1)
            own_tsp = jnp.logical_and(loc >= 0, loc < TSP_ROWS)
            own_spm = jnp.logical_and(
                jnp.logical_and(t >= 4 * TSP_ROWS, t < CACHED), mine)

            @pl.when(own_tsp)
            def _():
                pltpu.async_copy(tsp.at[loc], out_hbm.at[sec_row + p], wsem)

            @pl.when(own_spm)
            def _():
                pltpu.async_copy(spm.at[slot, t - 4 * TSP_ROWS],
                                 out_hbm.at[sec_row + p], wsem2)

            nw = nw + jnp.where(own_tsp, 1, 0)
            nw2 = nw2 + jnp.where(own_spm, 1, 0)
        return (nw, nw2)

    nw, nw2 = lax.fori_loop(0, 25, scan_group,
                            (jnp.int32(0), jnp.int32(0)))

    def drain2(j, c):
        pltpu.make_async_copy(spm.at[slot, 0], out_hbm.at[0], wsem2).wait()
        return c

    lax.fori_loop(0, nw2, drain2, 0)
    plsc.subcore_barrier()
    pltpu.async_copy(tbl_hbm.at[pl.ds(tbl_base + CACHED + 2 * q, 2)],
                     spm.at[slot, pl.ds(2 * q, 2)], wsem3)
    pltpu.make_async_copy(tbl_hbm.at[pl.ds(0, 2)],
                          spm.at[slot, pl.ds(0, 2)], wsem3).wait()
    plsc.subcore_barrier()

    def tail_group(gi, nw3):
        v = idx_v[pl.ds(16 * gi, 16)]
        for j in range(16):
            t = v[j]
            p = gi * 16 + j
            own = t >= CACHED

            @pl.when(own)
            def _():
                pltpu.async_copy(spm.at[slot, t - CACHED],
                                 out_hbm.at[sec_row + p], wsem2)

            nw3 = nw3 + jnp.where(own, 1, 0)
        return nw3

    nw3 = lax.fori_loop(g0, g1, tail_group, jnp.int32(0))
    lax.fori_loop(0, nw3, drain2, 0)

    def drain1(j, c):
        pltpu.make_async_copy(tsp.at[0], out_hbm.at[0], wsem).wait()
        return c

    lax.fori_loop(0, nw, drain1, 0)


def kernel(r_idx, r_weight, kv):
    del r_weight
    idx = r_idx.reshape(ROWS).astype(jnp.int32)
    tbl = kv.reshape(N * P2, W2, CKV)
    out = _gather_kernel(idx, tbl)
    return out.reshape(N, P2, TOPK, W2, CKV)

# --- scband reference (transcript-rebuilt; emitter-appended) ---
"""Pipeline reference for scband-kvgather-1700807049484 (READ-ONLY COPY).

The authoritative reference and input builder live on the scoring server;
editing this copy changes nothing except your own understanding.
"""

import jax, jax.numpy as jnp
import numpy as np


def setup_inputs(seed: int = 0) -> dict:
    key = jax.random.key(seed)
    k1, k2, k3 = jax.random.split(key, 3)
    n, p2, topk, w2, c_kv = 8, 49, 8, 16, 768
    r_idx = jax.random.randint(k1, (n, p2, topk), 0, p2).astype(jnp.int64)
    r_weight = jax.random.uniform(k2, (n, p2, topk), dtype=jnp.float32)
    kv = jax.random.normal(k3, (n, p2, w2, c_kv), dtype=jnp.float32)
    return {"r_idx": r_idx, "r_weight": r_weight, "kv": kv}


def reference(r_idx, r_weight, kv):
    # torch.gather(kv.view(n,1,p2,w2,c).expand(-1,p2,-1,-1,-1), dim=2,
    #              index=r_idx.view(n,p2,topk,1,1).expand(-1,-1,-1,w2,c))
    # is equivalent to batched fancy indexing of kv along its p2 axis:
    n = kv.shape[0]
    batch_idx = jnp.arange(n)[:, None, None]  # (n,1,1)
    topk_kv = kv[batch_idx, r_idx]  # (n, p2, topk, w2, c_kv)
    return topk_kv

if __name__ == "__main__":
    import jax
    _d = setup_inputs()
    print(jax.jit(kernel)(*tuple(_d.values())))

</pallas_src>

<mosaic_0001>
#map = affine_map<(d0, d1) -> (0)>
#map1 = affine_map<(d0, d1) -> (0, 0, 0)>
module attributes {stable_mosaic.version = 14 : i64} {
  func.func @_gather_kernel(%arg0: i32, %arg1: i32, %arg2: memref<3136xi32, #tpu.memory_space<hbm>>, %arg3: memref<392x16x768xf32, #tpu.memory_space<hbm>>, %arg4: memref<3136x16x768xf32, #tpu.memory_space<hbm>>, %arg5: memref<432xi32, #tpu.memory_space<vmem>>, %arg6: memref<8x16x768xf32, #tpu.memory_space<vmem>>, %arg7: memref<4x9x16x768xf32, #tpu.memory_space<vmem_shared>>, %arg8: memref<!tpu.dma_semaphore, #tpu.memory_space<semaphore_mem>>, %arg9: memref<!tpu.dma_semaphore, #tpu.memory_space<semaphore_mem>>, %arg10: memref<!tpu.dma_semaphore, #tpu.memory_space<semaphore_mem>>, %arg11: memref<!tpu.dma_semaphore, #tpu.memory_space<semaphore_mem>>, %arg12: memref<!tpu.dma_semaphore, #tpu.memory_space<semaphore_mem>>) attributes {dimension_semantics = [#tpu.dimension_semantics<core_parallel>, #tpu.dimension_semantics<subcore_parallel>], iteration_bounds = array<i64: 2, 16>, scalar_prefetch = 0 : i64, scratch_operands = 8 : i64, tpu.core_type = #tpu.core_type<sc_vector_subcore>, window_params = [{transform_indices = #map}, {transform_indices = #map1}, {transform_indices = #map1}]} {
    %mul3A = arith.constant 16 : i32
    %mul3A_0 = arith.muli %arg0, %mul3A : i32
    %add3A = arith.addi %mul3A_0, %arg1 : i32
    %jit3A = arith.constant 4 : i32
    %div3A = arith.divsi %add3A, %jit3A : i32
    %sign3A = arith.constant 0 : i32
    %sign3A_1 = arith.cmpi sgt, %add3A, %sign3A : i32
    %sign3A_2 = arith.extui %sign3A_1 : i1 to i32
    %sign3A_3 = arith.constant 0 : i32
    %sign3A_4 = arith.cmpi slt, %add3A, %sign3A_3 : i32
    %sign3A_5 = arith.extui %sign3A_4 : i1 to i32
    %sign3A_6 = arith.subi %sign3A_2, %sign3A_5 : i32
    %sign3A_7 = arith.constant 0 : i32
    %sign3A_8 = arith.cmpi sgt, %jit3A, %sign3A_7 : i32
    %sign3A_9 = arith.extui %sign3A_8 : i1 to i32
    %sign3A_10 = arith.constant 0 : i32
    %sign3A_11 = arith.cmpi slt, %jit3A, %sign3A_10 : i32
    %sign3A_12 = arith.extui %sign3A_11 : i1 to i32
    %sign3A_13 = arith.subi %sign3A_9, %sign3A_12 : i32
    %ne3A = arith.cmpi ne, %sign3A_6, %sign3A_13 : i32
    %rem3A = arith.remsi %add3A, %jit3A : i32
    %ne3A_14 = arith.constant 0 : i32
    %ne3A_15 = arith.cmpi ne, %rem3A, %ne3A_14 : i32
    %and3A = arith.andi %ne3A, %ne3A_15 : i1
    %sub3A = arith.constant 1 : i32
    %sub3A_16 = arith.subi %div3A, %sub3A : i32
    %select_n3A = arith.select %and3A, %sub3A_16, %div3A : i32
    %rem3A_17 = arith.constant 4 : i32
    %rem3A_18 = arith.remsi %add3A, %rem3A_17 : i32
    %rem3A_19 = arith.constant 4 : i32
    %rem3A_20 = arith.remsi %select_n3A, %rem3A_19 : i32
    %mul3A_21 = arith.constant 392 : i32
    %mul3A_22 = arith.muli %select_n3A, %mul3A_21 : i32
    %mul3A_23 = arith.constant 49 : i32
    %mul3A_24 = arith.muli %select_n3A, %mul3A_23 : i32
    %eq3A = arith.constant 0 : i32
    %eq3A_25 = arith.cmpi eq, %rem3A_18, %eq3A : i32
    %mul3A_26 = arith.constant 6 : i32
    %mul3A_27 = arith.muli %mul3A_26, %rem3A_18 : i32
    %add3A_28 = arith.constant 1 : i32
    %add3A_29 = arith.addi %mul3A_27, %add3A_28 : i32
    %jit3A_30 = arith.constant 0 : i32
    %select_n3A_31 = arith.select %eq3A_25, %jit3A_30, %add3A_29 : i32
    %eq3A_32 = arith.constant 0 : i32
    %eq3A_33 = arith.cmpi eq, %rem3A_18, %eq3A_32 : i32
    %jit3A_34 = arith.constant 7 : i32
    %jit3A_35 = arith.constant 6 : i32
    %select_n3A_36 = arith.select %eq3A_33, %jit3A_34, %jit3A_35 : i32
    %add3A_37 = arith.addi %select_n3A_31, %select_n3A_36 : i32
    %mul3A_38 = arith.constant 8 : i32
    %mul3A_39 = arith.muli %mul3A_38, %rem3A_18 : i32
    %add3A_40 = arith.addi %mul3A_24, %mul3A_39 : i32
    %dma_start3A = arith.constant 0 : i32
    %dma_start3A_41 = arith.constant 0 : i32
    %dma_start3A_42 = tpu.memref_slice %arg3[%add3A_40, %dma_start3A, %dma_start3A_41] : memref<392x16x768xf32, #tpu.memory_space<hbm>> -> memref<8x16x768xf32, #tpu.memory_space<hbm>>
    %dma_start3A_43 = arith.constant 0 : i32
    %dma_start3A_44 = arith.constant 0 : i32
    %dma_start3A_45 = tpu.memref_slice %arg3[%add3A_40, %dma_start3A_43, %dma_start3A_44] : memref<392x16x768xf32, #tpu.memory_space<hbm>> -> memref<8x16x768xf32, #tpu.memory_space<hbm>>
    tpu.enqueue_dma source(%dma_start3A_45 : memref<8x16x768xf32, #tpu.memory_space<hbm>>) target(%arg6 : memref<8x16x768xf32, #tpu.memory_space<vmem>>) target_semaphore(%arg8 : memref<!tpu.dma_semaphore, #tpu.memory_space<semaphore_mem>>)
    %eq3A_46 = arith.constant 0 : i32
    %eq3A_47 = arith.cmpi eq, %rem3A_18, %eq3A_46 : i32
    %convert_element_type3A = arith.extui %eq3A_47 : i1 to i32
    %cond3A = arith.constant 0 : i32
    %cond3A_48 = arith.cmpi ne, %convert_element_type3A, %cond3A : i32
    scf.if %cond3A_48 {
      %add3A_150 = arith.constant 32 : i32
      %add3A_151 = arith.addi %mul3A_24, %add3A_150 : i32
      %dma_start3A_152 = arith.constant 0 : i32
      %dma_start3A_153 = arith.constant 0 : i32
      %dma_start3A_154 = arith.constant 0 : i32
      %dma_start3A_155 = tpu.memref_slice %arg7[%rem3A_20, %dma_start3A_152, %dma_start3A_153, %dma_start3A_154] : memref<4x9x16x768xf32, #tpu.memory_space<vmem_shared>> -> memref<1x9x16x768xf32, #tpu.memory_space<vmem_shared>>
      %dma_start3A_156 = tpu.memref_squeeze %dma_start3A_155 : memref<1x9x16x768xf32, #tpu.memory_space<vmem_shared>> -> memref<9x16x768xf32, #tpu.memory_space<vmem_shared>>
      %dma_start3A_157 = arith.constant 0 : i32
      %dma_start3A_158 = arith.constant 0 : i32
      %dma_start3A_159 = tpu.memref_slice %arg3[%add3A_151, %dma_start3A_157, %dma_start3A_158] : memref<392x16x768xf32, #tpu.memory_space<hbm>> -> memref<9x16x768xf32, #tpu.memory_space<hbm>>
      tpu.enqueue_dma source(%dma_start3A_159 : memref<9x16x768xf32, #tpu.memory_space<hbm>>) target(%dma_start3A_156 : memref<9x16x768xf32, #tpu.memory_space<vmem_shared>>) target_semaphore(%arg9 : memref<!tpu.dma_semaphore, #tpu.memory_space<semaphore_mem>>)
    } else {
    }
    "tpu.region"() ({
      %run_scoped3A = tpu.sem_alloc : memref<!tpu.dma_semaphore, #tpu.memory_space<semaphore_mem>>
      %dma_start3A_150 = arith.constant 0 : i32
      %dma_start3A_151 = tpu.memref_slice %arg5[%dma_start3A_150] : memref<432xi32, #tpu.memory_space<vmem>> -> memref<392xi32, #tpu.memory_space<vmem>>
      %dma_start3A_152 = tpu.memref_slice %arg2[%mul3A_22] : memref<3136xi32, #tpu.memory_space<hbm>> -> memref<392xi32, #tpu.memory_space<hbm>>
      %dma_start3A_153 = arith.constant 0 : i32
      %dma_start3A_154 = tpu.memref_slice %arg5[%dma_start3A_153] : memref<432xi32, #tpu.memory_space<vmem>> -> memref<392xi32, #tpu.memory_space<vmem>>
      %dma_start3A_155 = tpu.memref_slice %arg2[%mul3A_22] : memref<3136xi32, #tpu.memory_space<hbm>> -> memref<392xi32, #tpu.memory_space<hbm>>
      tpu.enqueue_dma source(%dma_start3A_155 : memref<392xi32, #tpu.memory_space<hbm>>) target(%dma_start3A_154 : memref<392xi32, #tpu.memory_space<vmem>>) target_semaphore(%run_scoped3A : memref<!tpu.dma_semaphore, #tpu.memory_space<semaphore_mem>>)
      %dma_wait3A_156 = arith.constant 0 : i32
      %dma_wait3A_157 = tpu.memref_slice %arg5[%dma_wait3A_156] : memref<432xi32, #tpu.memory_space<vmem>> -> memref<392xi32, #tpu.memory_space<vmem>>
      %dma_wait3A_158 = tpu.memref_slice %arg2[%mul3A_22] : memref<3136xi32, #tpu.memory_space<hbm>> -> memref<392xi32, #tpu.memory_space<hbm>>
      %dma_wait3A_159 = arith.constant 0 : i32
      %dma_wait3A_160 = tpu.memref_slice %arg5[%dma_wait3A_159] : memref<432xi32, #tpu.memory_space<vmem>> -> memref<392xi32, #tpu.memory_space<vmem>>
      %dma_wait3A_161 = tpu.memref_slice %arg2[%mul3A_22] : memref<3136xi32, #tpu.memory_space<hbm>> -> memref<392xi32, #tpu.memory_space<hbm>>
      tpu.wait_dma2 semaphore(%run_scoped3A : memref<!tpu.dma_semaphore, #tpu.memory_space<semaphore_mem>>) src(%dma_wait3A_161 : memref<392xi32, #tpu.memory_space<hbm>>) dst(%dma_wait3A_160 : memref<392xi32, #tpu.memory_space<vmem>>)
      tpu.yield
    }) : () -> ()
    %iota3A = tpu.iota {dimensions = array<i32: 0>} : vector<16xi32>
    %broadcast_in_dim3A = arith.constant -1 : i32
    %broadcast_in_dim3A_49 = vector.broadcast %broadcast_in_dim3A : i32 to vector<16xi32>
    %get3A = arith.constant 384 : index
    %get3A_50 = tpu.vector_load %arg5[%get3A] {strides = array<i32>} : memref<432xi32, #tpu.memory_space<vmem>>, vector<16xi32>,
    %get3A_51 = vector.shape_cast %get3A_50 : vector<16xi32> to vector<16xi32>
    %lt3A = arith.constant 8 : i32
    %lt3A_52 = vector.broadcast %lt3A : i32 to vector<16xi32>
    %lt3A_53 = arith.cmpi slt, %iota3A, %lt3A_52 : vector<16xi32>
    %select_n3A_54 = arith.select %lt3A_53, %get3A_51, %broadcast_in_dim3A_49 : vector<16xi1>, vector<16xi32>
    %swap3A = arith.constant 384 : index
    %swap3A_55 = tpu.vector_load %arg5[%swap3A] {strides = array<i32>} : memref<432xi32, #tpu.memory_space<vmem>>, vector<16xi32>,
    %swap3A_56 = vector.shape_cast %swap3A_55 : vector<16xi32> to vector<16xi32>
    %swap3A_57 = vector.shape_cast %select_n3A_54 : vector<16xi32> to vector<16xi32>
    tpu.vector_store %arg5[%swap3A], %swap3A_57 {strides = array<i32>} : memref<432xi32, #tpu.memory_space<vmem>>, vector<16xi32>,
    %swap3A_58 = arith.constant 400 : index
    %swap3A_59 = tpu.vector_load %arg5[%swap3A_58] {strides = array<i32>} : memref<432xi32, #tpu.memory_space<vmem>>, vector<16xi32>,
    %swap3A_60 = vector.shape_cast %swap3A_59 : vector<16xi32> to vector<16xi32>
    %swap3A_61 = vector.shape_cast %broadcast_in_dim3A_49 : vector<16xi32> to vector<16xi32>
    tpu.vector_store %arg5[%swap3A_58], %swap3A_61 {strides = array<i32>} : memref<432xi32, #tpu.memory_space<vmem>>, vector<16xi32>,
    %swap3A_62 = arith.constant 416 : index
    %swap3A_63 = tpu.vector_load %arg5[%swap3A_62] {strides = array<i32>} : memref<432xi32, #tpu.memory_space<vmem>>, vector<16xi32>,
    %swap3A_64 = vector.shape_cast %swap3A_63 : vector<16xi32> to vector<16xi32>
    %swap3A_65 = vector.shape_cast %broadcast_in_dim3A_49 : vector<16xi32> to vector<16xi32>
    tpu.vector_store %arg5[%swap3A_62], %swap3A_65 {strides = array<i32>} : memref<432xi32, #tpu.memory_space<vmem>>, vector<16xi32>,
    %dma_wait3A = arith.constant 0 : i32
    %dma_wait3A_66 = arith.constant 0 : i32
    %dma_wait3A_67 = arith.constant 0 : i32
    %dma_wait3A_68 = tpu.memref_slice %arg3[%dma_wait3A, %dma_wait3A_66, %dma_wait3A_67] : memref<392x16x768xf32, #tpu.memory_space<hbm>> -> memref<8x16x768xf32, #tpu.memory_space<hbm>>
    %dma_wait3A_69 = arith.constant 0 : i32
    %dma_wait3A_70 = arith.constant 0 : i32
    %dma_wait3A_71 = arith.constant 0 : i32
    %dma_wait3A_72 = tpu.memref_slice %arg3[%dma_wait3A_69, %dma_wait3A_70, %dma_wait3A_71] : memref<392x16x768xf32, #tpu.memory_space<hbm>> -> memref<8x16x768xf32, #tpu.memory_space<hbm>>
    tpu.wait_dma2 semaphore(%arg8 : memref<!tpu.dma_semaphore, #tpu.memory_space<semaphore_mem>>) src(%dma_wait3A_72 : memref<8x16x768xf32, #tpu.memory_space<hbm>>) dst(%arg6 : memref<8x16x768xf32, #tpu.memory_space<vmem>>)
    %eq3A_73 = arith.constant 0 : i32
    %eq3A_74 = arith.cmpi eq, %rem3A_18, %eq3A_73 : i32
    %convert_element_type3A_75 = arith.extui %eq3A_74 : i1 to i32
    %cond3A_76 = arith.constant 0 : i32
    %cond3A_77 = arith.cmpi ne, %convert_element_type3A_75, %cond3A_76 : i32
    scf.if %cond3A_77 {
      %dma_wait3A_150 = arith.constant 0 : i32
      %dma_wait3A_151 = arith.constant 0 : i32
      %dma_wait3A_152 = arith.constant 0 : i32
      %dma_wait3A_153 = tpu.memref_slice %arg7[%rem3A_20, %dma_wait3A_150, %dma_wait3A_151, %dma_wait3A_152] : memref<4x9x16x768xf32, #tpu.memory_space<vmem_shared>> -> memref<1x9x16x768xf32, #tpu.memory_space<vmem_shared>>
      %dma_wait3A_154 = tpu.memref_squeeze %dma_wait3A_153 : memref<1x9x16x768xf32, #tpu.memory_space<vmem_shared>> -> memref<9x16x768xf32, #tpu.memory_space<vmem_shared>>
      %dma_wait3A_155 = arith.constant 0 : i32
      %dma_wait3A_156 = arith.constant 0 : i32
      %dma_wait3A_157 = arith.constant 0 : i32
      %dma_wait3A_158 = tpu.memref_slice %arg3[%dma_wait3A_155, %dma_wait3A_156, %dma_wait3A_157] : memref<392x16x768xf32, #tpu.memory_space<hbm>> -> memref<9x16x768xf32, #tpu.memory_space<hbm>>
      tpu.wait_dma2 semaphore(%arg9 : memref<!tpu.dma_semaphore, #tpu.memory_space<semaphore_mem>>) src(%dma_wait3A_158 : memref<9x16x768xf32, #tpu.memory_space<hbm>>) dst(%dma_wait3A_154 : memref<9x16x768xf32, #tpu.memory_space<vmem_shared>>)
    } else {
    }
    %barrier3A = arith.constant 0 : index
    tpu.barrier barrier_id(%barrier3A)
    %scan3A = arith.constant 0 : i32
    %scan3A_78 = arith.constant 0 : i32
    %scan3A_79 = arith.constant 0 : i32
    %scan3A_80 = arith.constant 25 : i32
    %scan3A_81 = arith.addi %scan3A_79, %scan3A_80 : i32
    %scan3A_82 = arith.constant 1 : i32
    %scan3A_83:2 = scf.for %scan3A_150 = %scan3A_79 to %scan3A_81 step %scan3A_82 iter_args(%scan3A_151 = %scan3A, %scan3A_152 = %scan3A_78) -> (i32, i32)  : i32 {
      %mul3A_153 = arith.constant 16 : i32
      %mul3A_154 = arith.muli %mul3A_153, %scan3A_150 : i32
      %get3A_155 = arith.index_cast %mul3A_154 : i32 to index
      %get3A_156 = tpu.vector_load %arg5[%get3A_155] {strides = array<i32>} : memref<432xi32, #tpu.memory_space<vmem>>, vector<16xi32>,
      %get3A_157 = vector.shape_cast %get3A_156 : vector<16xi32> to vector<16xi32>
      %slice3A = vector.extract_strided_slice %get3A_157 {offsets = [0], sizes = [1], strides = [1]} : vector<16xi32> to vector<1xi32>
      %squeeze3A = vector.extract %slice3A[0] : i32 from vector<1xi32>
      %mul3A_158 = arith.constant 16 : i32
      %mul3A_159 = arith.muli %scan3A_150, %mul3A_158 : i32
      %add3A_160 = arith.constant 0 : i32
      %add3A_161 = arith.addi %mul3A_159, %add3A_160 : i32
      %mul3A_162 = arith.constant 8 : i32
      %mul3A_163 = arith.muli %mul3A_162, %rem3A_18 : i32
      %sub3A_164 = arith.subi %squeeze3A, %mul3A_163 : i32
      %ge3A = arith.cmpi sge, %scan3A_150, %select_n3A_31 : i32
      %lt3A_165 = arith.cmpi slt, %scan3A_150, %add3A_37 : i32
      %and3A_166 = arith.andi %ge3A, %lt3A_165 : i1
      %ge3A_167 = arith.constant 0 : i32
      %ge3A_168 = arith.cmpi sge, %sub3A_164, %ge3A_167 : i32
      %lt3A_169 = arith.constant 8 : i32
      %lt3A_170 = arith.cmpi slt, %sub3A_164, %lt3A_169 : i32
      %and3A_171 = arith.andi %ge3A_168, %lt3A_170 : i1
      %ge3A_172 = arith.constant 32 : i32
      %ge3A_173 = arith.cmpi sge, %squeeze3A, %ge3A_172 : i32
      %lt3A_174 = arith.constant 41 : i32
      %lt3A_175 = arith.cmpi slt, %squeeze3A, %lt3A_174 : i32
      %and3A_176 = arith.andi %ge3A_173, %lt3A_175 : i1
      %and3A_177 = arith.andi %and3A_176, %and3A_166 : i1
      %convert_element_type3A_178 = arith.extui %and3A_171 : i1 to i32
      %cond3A_179 = arith.constant 0 : i32
      %cond3A_180 = arith.cmpi ne, %convert_element_type3A_178, %cond3A_179 : i32
      scf.if %cond3A_180 {
        %add3A_747 = arith.addi %mul3A_22, %add3A_161 : i32
        %dma_start3A_748 = arith.constant 0 : i32
        %dma_start3A_749 = arith.constant 0 : i32
        %dma_start3A_750 = tpu.memref_slice %arg6[%sub3A_164, %dma_start3A_748, %dma_start3A_749] : memref<8x16x768xf32, #tpu.memory_space<vmem>> -> memref<1x16x768xf32, #tpu.memory_space<vmem>>
        %dma_start3A_751 = tpu.memref_squeeze %dma_start3A_750 : memref<1x16x768xf32, #tpu.memory_space<vmem>> -> memref<16x768xf32, #tpu.memory_space<vmem>>
        %dma_start3A_752 = arith.constant 0 : i32
        %dma_start3A_753 = arith.constant 0 : i32
        %dma_start3A_754 = tpu.memref_slice %arg4[%add3A_747, %dma_start3A_752, %dma_start3A_753] : memref<3136x16x768xf32, #tpu.memory_space<hbm>> -> memref<1x16x768xf32, #tpu.memory_space<hbm>>
        %dma_start3A_755 = tpu.memref_squeeze %dma_start3A_754 : memref<1x16x768xf32, #tpu.memory_space<hbm>> -> memref<16x768xf32, #tpu.memory_space<hbm>>
        %dma_start3A_756 = arith.constant 0 : i32
        %dma_start3A_757 = arith.constant 0 : i32
        %dma_start3A_758 = tpu.memref_slice %arg4[%add3A_747, %dma_start3A_756, %dma_start3A_757] : memref<3136x16x768xf32, #tpu.memory_space<hbm>> -> memref<1x16x768xf32, #tpu.memory_space<hbm>>
        %dma_start3A_759 = tpu.memref_squeeze %dma_start3A_758 : memref<1x16x768xf32, #tpu.memory_space<hbm>> -> memref<16x768xf32, #tpu.memory_space<hbm>>
        %dma_start3A_760 = arith.constant 0 : i32
        %dma_start3A_761 = arith.constant 0 : i32
        %dma_start3A_762 = tpu.memref_slice %arg6[%sub3A_164, %dma_start3A_760, %dma_start3A_761] : memref<8x16x768xf32, #tpu.memory_space<vmem>> -> memref<1x16x768xf32, #tpu.memory_space<vmem>>
        %dma_start3A_763 = tpu.memref_squeeze %dma_start3A_762 : memref<1x16x768xf32, #tpu.memory_space<vmem>> -> memref<16x768xf32, #tpu.memory_space<vmem>>
        tpu.enqueue_dma source(%dma_start3A_763 : memref<16x768xf32, #tpu.memory_space<vmem>>) target(%dma_start3A_759 : memref<16x768xf32, #tpu.memory_space<hbm>>) target_semaphore(%arg10 : memref<!tpu.dma_semaphore, #tpu.memory_space<semaphore_mem>>)
      } else {
      }
      %convert_element_type3A_181 = arith.extui %and3A_177 : i1 to i32
      %cond3A_182 = arith.constant 0 : i32
      %cond3A_183 = arith.cmpi ne, %convert_element_type3A_181, %cond3A_182 : i32
      scf.if %cond3A_183 {
        %sub3A_747 = arith.constant 32 : i32
        %sub3A_748 = arith.subi %squeeze3A, %sub3A_747 : i32
        %add3A_749 = arith.addi %mul3A_22, %add3A_161 : i32
        %dma_start3A_750 = arith.constant 0 : i32
        %dma_start3A_751 = arith.constant 0 : i32
        %dma_start3A_752 = tpu.memref_slice %arg4[%add3A_749, %dma_start3A_750, %dma_start3A_751] : memref<3136x16x768xf32, #tpu.memory_space<hbm>> -> memref<1x16x768xf32, #tpu.memory_space<hbm>>
        %dma_start3A_753 = tpu.memref_squeeze %dma_start3A_752 : memref<1x16x768xf32, #tpu.memory_space<hbm>> -> memref<16x768xf32, #tpu.memory_space<hbm>>
        %dma_start3A_754 = arith.constant 0 : i32
        %dma_start3A_755 = arith.constant 0 : i32
        %dma_start3A_756 = tpu.memref_slice %arg7[%rem3A_20, %sub3A_748, %dma_start3A_754, %dma_start3A_755] : memref<4x9x16x768xf32, #tpu.memory_space<vmem_shared>> -> memref<1x1x16x768xf32, #tpu.memory_space<vmem_shared>>
        %dma_start3A_757 = tpu.memref_squeeze %dma_start3A_756 : memref<1x1x16x768xf32, #tpu.memory_space<vmem_shared>> -> memref<16x768xf32, #tpu.memory_space<vmem_shared>>
        tpu.enqueue_dma source(%dma_start3A_757 : memref<16x768xf32, #tpu.memory_space<vmem_shared>>) target(%dma_start3A_753 : memref<16x768xf32, #tpu.memory_space<hbm>>) target_semaphore(%arg11 : memref<!tpu.dma_semaphore, #tpu.memory_space<semaphore_mem>>)
      } else {
      }
      %jit3A_184 = arith.constant 1 : i32
      %jit3A_185 = arith.constant 0 : i32
      %select_n3A_186 = arith.select %and3A_171, %jit3A_184, %jit3A_185 : i32
      %add3A_187 = arith.addi %scan3A_151, %select_n3A_186 : i32
      %jit3A_188 = arith.constant 1 : i32
      %jit3A_189 = arith.constant 0 : i32
      %select_n3A_190 = arith.select %and3A_177, %jit3A_188, %jit3A_189 : i32
      %add3A_191 = arith.addi %scan3A_152, %select_n3A_190 : i32
      %slice3A_192 = vector.extract_strided_slice %get3A_157 {offsets = [1], sizes = [1], strides = [1]} : vector<16xi32> to vector<1xi32>
      %squeeze3A_193 = vector.extract %slice3A_192[0] : i32 from vector<1xi32>
      %mul3A_194 = arith.constant 16 : i32
      %mul3A_195 = arith.muli %scan3A_150, %mul3A_194 : i32
      %add3A_196 = arith.constant 1 : i32
      %add3A_197 = arith.addi %mul3A_195, %add3A_196 : i32
      %mul3A_198 = arith.constant 8 : i32
      %mul3A_199 = arith.muli %mul3A_198, %rem3A_18 : i32
      %sub3A_200 = arith.subi %squeeze3A_193, %mul3A_199 : i32
      %ge3A_201 = arith.cmpi sge, %scan3A_150, %select_n3A_31 : i32
      %lt3A_202 = arith.cmpi slt, %scan3A_150, %add3A_37 : i32
      %and3A_203 = arith.andi %ge3A_201, %lt3A_202 : i1
      %ge3A_204 = arith.constant 0 : i32
      %ge3A_205 = arith.cmpi sge, %sub3A_200, %ge3A_204 : i32
      %lt3A_206 = arith.constant 8 : i32
      %lt3A_207 = arith.cmpi slt, %sub3A_200, %lt3A_206 : i32
      %and3A_208 = arith.andi %ge3A_205, %lt3A_207 : i1
      %ge3A_209 = arith.constant 32 : i32
      %ge3A_210 = arith.cmpi sge, %squeeze3A_193, %ge3A_209 : i32
      %lt3A_211 = arith.constant 41 : i32
      %lt3A_212 = arith.cmpi slt, %squeeze3A_193, %lt3A_211 : i32
      %and3A_213 = arith.andi %ge3A_210, %lt3A_212 : i1
      %and3A_214 = arith.andi %and3A_213, %and3A_203 : i1
      %convert_element_type3A_215 = arith.extui %and3A_208 : i1 to i32
      %cond3A_216 = arith.constant 0 : i32
      %cond3A_217 = arith.cmpi ne, %convert_element_type3A_215, %cond3A_216 : i32
      scf.if %cond3A_217 {
        %add3A_747 = arith.addi %mul3A_22, %add3A_197 : i32
        %dma_start3A_748 = arith.constant 0 : i32
        %dma_start3A_749 = arith.constant 0 : i32
        %dma_start3A_750 = tpu.memref_slice %arg6[%sub3A_200, %dma_start3A_748, %dma_start3A_749] : memref<8x16x768xf32, #tpu.memory_space<vmem>> -> memref<1x16x768xf32, #tpu.memory_space<vmem>>
        %dma_start3A_751 = tpu.memref_squeeze %dma_start3A_750 : memref<1x16x768xf32, #tpu.memory_space<vmem>> -> memref<16x768xf32, #tpu.memory_space<vmem>>
        %dma_start3A_752 = arith.constant 0 : i32
        %dma_start3A_753 = arith.constant 0 : i32
        %dma_start3A_754 = tpu.memref_slice %arg4[%add3A_747, %dma_start3A_752, %dma_start3A_753] : memref<3136x16x768xf32, #tpu.memory_space<hbm>> -> memref<1x16x768xf32, #tpu.memory_space<hbm>>
        %dma_start3A_755 = tpu.memref_squeeze %dma_start3A_754 : memref<1x16x768xf32, #tpu.memory_space<hbm>> -> memref<16x768xf32, #tpu.memory_space<hbm>>
        %dma_start3A_756 = arith.constant 0 : i32
        %dma_start3A_757 = arith.constant 0 : i32
        %dma_start3A_758 = tpu.memref_slice %arg4[%add3A_747, %dma_start3A_756, %dma_start3A_757] : memref<3136x16x768xf32, #tpu.memory_space<hbm>> -> memref<1x16x768xf32, #tpu.memory_space<hbm>>
        %dma_start3A_759 = tpu.memref_squeeze %dma_start3A_758 : memref<1x16x768xf32, #tpu.memory_space<hbm>> -> memref<16x768xf32, #tpu.memory_space<hbm>>
        %dma_start3A_760 = arith.constant 0 : i32
        %dma_start3A_761 = arith.constant 0 : i32
        %dma_start3A_762 = tpu.memref_slice %arg6[%sub3A_200, %dma_start3A_760, %dma_start3A_761] : memref<8x16x768xf32, #tpu.memory_space<vmem>> -> memref<1x16x768xf32, #tpu.memory_space<vmem>>
        %dma_start3A_763 = tpu.memref_squeeze %dma_start3A_762 : memref<1x16x768xf32, #tpu.memory_space<vmem>> -> memref<16x768xf32, #tpu.memory_space<vmem>>
        tpu.enqueue_dma source(%dma_start3A_763 : memref<16x768xf32, #tpu.memory_space<vmem>>) target(%dma_start3A_759 : memref<16x768xf32, #tpu.memory_space<hbm>>) target_semaphore(%arg10 : memref<!tpu.dma_semaphore, #tpu.memory_space<semaphore_mem>>)
      } else {
      }
      %convert_element_type3A_218 = arith.extui %and3A_214 : i1 to i32
      %cond3A_219 = arith.constant 0 : i32
      %cond3A_220 = arith.cmpi ne, %convert_element_type3A_218, %cond3A_219 : i32
      scf.if %cond3A_220 {
        %sub3A_747 = arith.constant 32 : i32
        %sub3A_748 = arith.subi %squeeze3A_193, %sub3A_747 : i32
        %add3A_749 = arith.addi %mul3A_22, %add3A_197 : i32
        %dma_start3A_750 = arith.constant 0 : i32
        %dma_start3A_751 = arith.constant 0 : i32
        %dma_start3A_752 = tpu.memref_slice %arg4[%add3A_749, %dma_start3A_750, %dma_start3A_751] : memref<3136x16x768xf32, #tpu.memory_space<hbm>> -> memref<1x16x768xf32, #tpu.memory_space<hbm>>
        %dma_start3A_753 = tpu.memref_squeeze %dma_start3A_752 : memref<1x16x768xf32, #tpu.memory_space<hbm>> -> memref<16x768xf32, #tpu.memory_space<hbm>>
        %dma_start3A_754 = arith.constant 0 : i32
        %dma_start3A_755 = arith.constant 0 : i32
        %dma_start3A_756 = tpu.memref_slice %arg7[%rem3A_20, %sub3A_748, %dma_start3A_754, %dma_start3A_755] : memref<4x9x16x768xf32, #tpu.memory_space<vmem_shared>> -> memref<1x1x16x768xf32, #tpu.memory_space<vmem_shared>>
        %dma_start3A_757 = tpu.memref_squeeze %dma_start3A_756 : memref<1x1x16x768xf32, #tpu.memory_space<vmem_shared>> -> memref<16x768xf32, #tpu.memory_space<vmem_shared>>
        tpu.enqueue_dma source(%dma_start3A_757 : memref<16x768xf32, #tpu.memory_space<vmem_shared>>) target(%dma_start3A_753 : memref<16x768xf32, #tpu.memory_space<hbm>>) target_semaphore(%arg11 : memref<!tpu.dma_semaphore, #tpu.memory_space<semaphore_mem>>)
      } else {
      }
      %jit3A_221 = arith.constant 1 : i32
      %jit3A_222 = arith.constant 0 : i32
      %select_n3A_223 = arith.select %and3A_208, %jit3A_221, %jit3A_222 : i32
      %add3A_224 = arith.addi %add3A_187, %select_n3A_223 : i32
      %jit3A_225 = arith.constant 1 : i32
      %jit3A_226 = arith.constant 0 : i32
      %select_n3A_227 = arith.select %and3A_214, %jit3A_225, %jit3A_226 : i32
      %add3A_228 = arith.addi %add3A_191, %select_n3A_227 : i32
      %slice3A_229 = vector.extract_strided_slice %get3A_157 {offsets = [2], sizes = [1], strides = [1]} : vector<16xi32> to vector<1xi32>
      %squeeze3A_230 = vector.extract %slice3A_229[0] : i32 from vector<1xi32>
      %mul3A_231 = arith.constant 16 : i32
      %mul3A_232 = arith.muli %scan3A_150, %mul3A_231 : i32
      %add3A_233 = arith.constant 2 : i32
      %add3A_234 = arith.addi %mul3A_232, %add3A_233 : i32
      %mul3A_235 = arith.constant 8 : i32
      %mul3A_236 = arith.muli %mul3A_235, %rem3A_18 : i32
      %sub3A_237 = arith.subi %squeeze3A_230, %mul3A_236 : i32
      %ge3A_238 = arith.cmpi sge, %scan3A_150, %select_n3A_31 : i32
      %lt3A_239 = arith.cmpi slt, %scan3A_150, %add3A_37 : i32
      %and3A_240 = arith.andi %ge3A_238, %lt3A_239 : i1
      %ge3A_241 = arith.constant 0 : i32
      %ge3A_242 = arith.cmpi sge, %sub3A_237, %ge3A_241 : i32
      %lt3A_243 = arith.constant 8 : i32
      %lt3A_244 = arith.cmpi slt, %sub3A_237, %lt3A_243 : i32
      %and3A_245 = arith.andi %ge3A_242, %lt3A_244 : i1
      %ge3A_246 = arith.constant 32 : i32
      %ge3A_247 = arith.cmpi sge, %squeeze3A_230, %ge3A_246 : i32
      %lt3A_248 = arith.constant 41 : i32
      %lt3A_249 = arith.cmpi slt, %squeeze3A_230, %lt3A_248 : i32
      %and3A_250 = arith.andi %ge3A_247, %lt3A_249 : i1
      %and3A_251 = arith.andi %and3A_250, %and3A_240 : i1
      %convert_element_type3A_252 = arith.extui %and3A_245 : i1 to i32
      %cond3A_253 = arith.constant 0 : i32
      %cond3A_254 = arith.cmpi ne, %convert_element_type3A_252, %cond3A_253 : i32
      scf.if %cond3A_254 {
        %add3A_747 = arith.addi %mul3A_22, %add3A_234 : i32
        %dma_start3A_748 = arith.constant 0 : i32
        %dma_start3A_749 = arith.constant 0 : i32
        %dma_start3A_750 = tpu.memref_slice %arg6[%sub3A_237, %dma_start3A_748, %dma_start3A_749] : memref<8x16x768xf32, #tpu.memory_space<vmem>> -> memref<1x16x768xf32, #tpu.memory_space<vmem>>
        %dma_start3A_751 = tpu.memref_squeeze %dma_start3A_750 : memref<1x16x768xf32, #tpu.memory_space<vmem>> -> memref<16x768xf32, #tpu.memory_space<vmem>>
        %dma_start3A_752 = arith.constant 0 : i32
        %dma_start3A_753 = arith.constant 0 : i32
        %dma_start3A_754 = tpu.memref_slice %arg4[%add3A_747, %dma_start3A_752, %dma_start3A_753] : memref<3136x16x768xf32, #tpu.memory_space<hbm>> -> memref<1x16x768xf32, #tpu.memory_space<hbm>>
        %dma_start3A_755 = tpu.memref_squeeze %dma_start3A_754 : memref<1x16x768xf32, #tpu.memory_space<hbm>> -> memref<16x768xf32, #tpu.memory_space<hbm>>
        %dma_start3A_756 = arith.constant 0 : i32
        %dma_start3A_757 = arith.constant 0 : i32
        %dma_start3A_758 = tpu.memref_slice %arg4[%add3A_747, %dma_start3A_756, %dma_start3A_757] : memref<3136x16x768xf32, #tpu.memory_space<hbm>> -> memref<1x16x768xf32, #tpu.memory_space<hbm>>
        %dma_start3A_759 = tpu.memref_squeeze %dma_start3A_758 : memref<1x16x768xf32, #tpu.memory_space<hbm>> -> memref<16x768xf32, #tpu.memory_space<hbm>>
        %dma_start3A_760 = arith.constant 0 : i32
        %dma_start3A_761 = arith.constant 0 : i32
        %dma_start3A_762 = tpu.memref_slice %arg6[%sub3A_237, %dma_start3A_760, %dma_start3A_761] : memref<8x16x768xf32, #tpu.memory_space<vmem>> -> memref<1x16x768xf32, #tpu.memory_space<vmem>>
        %dma_start3A_763 = tpu.memref_squeeze %dma_start3A_762 : memref<1x16x768xf32, #tpu.memory_space<vmem>> -> memref<16x768xf32, #tpu.memory_space<vmem>>
        tpu.enqueue_dma source(%dma_start3A_763 : memref<16x768xf32, #tpu.memory_space<vmem>>) target(%dma_start3A_759 : memref<16x768xf32, #tpu.memory_space<hbm>>) target_semaphore(%arg10 : memref<!tpu.dma_semaphore, #tpu.memory_space<semaphore_mem>>)
      } else {
      }
      %convert_element_type3A_255 = arith.extui %and3A_251 : i1 to i32
      %cond3A_256 = arith.constant 0 : i32
      %cond3A_257 = arith.cmpi ne, %convert_element_type3A_255, %cond3A_256 : i32
      scf.if %cond3A_257 {
        %sub3A_747 = arith.constant 32 : i32
        %sub3A_748 = arith.subi %squeeze3A_230, %sub3A_747 : i32
        %add3A_749 = arith.addi %mul3A_22, %add3A_234 : i32
        %dma_start3A_750 = arith.constant 0 : i32
        %dma_start3A_751 = arith.constant 0 : i32
        %dma_start3A_752 = tpu.memref_slice %arg4[%add3A_749, %dma_start3A_750, %dma_start3A_751] : memref<3136x16x768xf32, #tpu.memory_space<hbm>> -> memref<1x16x768xf32, #tpu.memory_space<hbm>>
        %dma_start3A_753 = tpu.memref_squeeze %dma_start3A_752 : memref<1x16x768xf32, #tpu.memory_space<hbm>> -> memref<16x768xf32, #tpu.memory_space<hbm>>
        %dma_start3A_754 = arith.constant 0 : i32
        %dma_start3A_755 = arith.constant 0 : i32
        %dma_start3A_756 = tpu.memref_slice %arg7[%rem3A_20, %sub3A_748, %dma_start3A_754, %dma_start3A_755] : memref<4x9x16x768xf32, #tpu.memory_space<vmem_shared>> -> memref<1x1x16x768xf32, #tpu.memory_space<vmem_shared>>
        %dma_start3A_757 = tpu.memref_squeeze %dma_start3A_756 : memref<1x1x16x768xf32, #tpu.memory_space<vmem_shared>> -> memref<16x768xf32, #tpu.memory_space<vmem_shared>>
        tpu.enqueue_dma source(%dma_start3A_757 : memref<16x768xf32, #tpu.memory_space<vmem_shared>>) target(%dma_start3A_753 : memref<16x768xf32, #tpu.memory_space<hbm>>) target_semaphore(%arg11 : memref<!tpu.dma_semaphore, #tpu.memory_space<semaphore_mem>>)
      } else {
      }
      %jit3A_258 = arith.constant 1 : i32
      %jit3A_259 = arith.constant 0 : i32
      %select_n3A_260 = arith.select %and3A_245, %jit3A_258, %jit3A_259 : i32
      %add3A_261 = arith.addi %add3A_224, %select_n3A_260 : i32
      %jit3A_262 = arith.constant 1 : i32
      %jit3A_263 = arith.constant 0 : i32
      %select_n3A_264 = arith.select %and3A_251, %jit3A_262, %jit3A_263 : i32
      %add3A_265 = arith.addi %add3A_228, %select_n3A_264 : i32
      %slice3A_266 = vector.extract_strided_slice %get3A_157 {offsets = [3], sizes = [1], strides = [1]} : vector<16xi32> to vector<1xi32>
      %squeeze3A_267 = vector.extract %slice3A_266[0] : i32 from vector<1xi32>
      %mul3A_268 = arith.constant 16 : i32
      %mul3A_269 = arith.muli %scan3A_150, %mul3A_268 : i32
      %add3A_270 = arith.constant 3 : i32
      %add3A_271 = arith.addi %mul3A_269, %add3A_270 : i32
      %mul3A_272 = arith.constant 8 : i32
      %mul3A_273 = arith.muli %mul3A_272, %rem3A_18 : i32
      %sub3A_274 = arith.subi %squeeze3A_267, %mul3A_273 : i32
      %ge3A_275 = arith.cmpi sge, %scan3A_150, %select_n3A_31 : i32
      %lt3A_276 = arith.cmpi slt, %scan3A_150, %add3A_37 : i32
      %and3A_277 = arith.andi %ge3A_275, %lt3A_276 : i1
      %ge3A_278 = arith.constant 0 : i32
      %ge3A_279 = arith.cmpi sge, %sub3A_274, %ge3A_278 : i32
      %lt3A_280 = arith.constant 8 : i32
      %lt3A_281 = arith.cmpi slt, %sub3A_274, %lt3A_280 : i32
      %and3A_282 = arith.andi %ge3A_279, %lt3A_281 : i1
      %ge3A_283 = arith.constant 32 : i32
      %ge3A_284 = arith.cmpi sge, %squeeze3A_267, %ge3A_283 : i32
      %lt3A_285 = arith.constant 41 : i32
      %lt3A_286 = arith.cmpi slt, %squeeze3A_267, %lt3A_285 : i32
      %and3A_287 = arith.andi %ge3A_284, %lt3A_286 : i1
      %and3A_288 = arith.andi %and3A_287, %and3A_277 : i1
      %convert_element_type3A_289 = arith.extui %and3A_282 : i1 to i32
      %cond3A_290 = arith.constant 0 : i32
      %cond3A_291 = arith.cmpi ne, %convert_element_type3A_289, %cond3A_290 : i32
      scf.if %cond3A_291 {
        %add3A_747 = arith.addi %mul3A_22, %add3A_271 : i32
        %dma_start3A_748 = arith.constant 0 : i32
        %dma_start3A_749 = arith.constant 0 : i32
        %dma_start3A_750 = tpu.memref_slice %arg6[%sub3A_274, %dma_start3A_748, %dma_start3A_749] : memref<8x16x768xf32, #tpu.memory_space<vmem>> -> memref<1x16x768xf32, #tpu.memory_space<vmem>>
        %dma_start3A_751 = tpu.memref_squeeze %dma_start3A_750 : memref<1x16x768xf32, #tpu.memory_space<vmem>> -> memref<16x768xf32, #tpu.memory_space<vmem>>
        %dma_start3A_752 = arith.constant 0 : i32
        %dma_start3A_753 = arith.constant 0 : i32
        %dma_start3A_754 = tpu.memref_slice %arg4[%add3A_747, %dma_start3A_752, %dma_start3A_753] : memref<3136x16x768xf32, #tpu.memory_space<hbm>> -> memref<1x16x768xf32, #tpu.memory_space<hbm>>
        %dma_start3A_755 = tpu.memref_squeeze %dma_start3A_754 : memref<1x16x768xf32, #tpu.memory_space<hbm>> -> memref<16x768xf32, #tpu.memory_space<hbm>>
        %dma_start3A_756 = arith.constant 0 : i32
        %dma_start3A_757 = arith.constant 0 : i32
        %dma_start3A_758 = tpu.memref_slice %arg4[%add3A_747, %dma_start3A_756, %dma_start3A_757] : memref<3136x16x768xf32, #tpu.memory_space<hbm>> -> memref<1x16x768xf32, #tpu.memory_space<hbm>>
        %dma_start3A_759 = tpu.memref_squeeze %dma_start3A_758 : memref<1x16x768xf32, #tpu.memory_space<hbm>> -> memref<16x768xf32, #tpu.memory_space<hbm>>
        %dma_start3A_760 = arith.constant 0 : i32
        %dma_start3A_761 = arith.constant 0 : i32
        %dma_start3A_762 = tpu.memref_slice %arg6[%sub3A_274, %dma_start3A_760, %dma_start3A_761] : memref<8x16x768xf32, #tpu.memory_space<vmem>> -> memref<1x16x768xf32, #tpu.memory_space<vmem>>
        %dma_start3A_763 = tpu.memref_squeeze %dma_start3A_762 : memref<1x16x768xf32, #tpu.memory_space<vmem>> -> memref<16x768xf32, #tpu.memory_space<vmem>>
        tpu.enqueue_dma source(%dma_start3A_763 : memref<16x768xf32, #tpu.memory_space<vmem>>) target(%dma_start3A_759 : memref<16x768xf32, #tpu.memory_space<hbm>>) target_semaphore(%arg10 : memref<!tpu.dma_semaphore, #tpu.memory_space<semaphore_mem>>)
      } else {
      }
      %convert_element_type3A_292 = arith.extui %and3A_288 : i1 to i32
      %cond3A_293 = arith.constant 0 : i32
      %cond3A_294 = arith.cmpi ne, %convert_element_type3A_292, %cond3A_293 : i32
      scf.if %cond3A_294 {
        %sub3A_747 = arith.constant 32 : i32
        %sub3A_748 = arith.subi %squeeze3A_267, %sub3A_747 : i32
        %add3A_749 = arith.addi %mul3A_22, %add3A_271 : i32
        %dma_start3A_750 = arith.constant 0 : i32
        %dma_start3A_751 = arith.constant 0 : i32
        %dma_start3A_752 = tpu.memref_slice %arg4[%add3A_749, %dma_start3A_750, %dma_start3A_751] : memref<3136x16x768xf32, #tpu.memory_space<hbm>> -> memref<1x16x768xf32, #tpu.memory_space<hbm>>
        %dma_start3A_753 = tpu.memref_squeeze %dma_start3A_752 : memref<1x16x768xf32, #tpu.memory_space<hbm>> -> memref<16x768xf32, #tpu.memory_space<hbm>>
        %dma_start3A_754 = arith.constant 0 : i32
        %dma_start3A_755 = arith.constant 0 : i32
        %dma_start3A_756 = tpu.memref_slice %arg7[%rem3A_20, %sub3A_748, %dma_start3A_754, %dma_start3A_755] : memref<4x9x16x768xf32, #tpu.memory_space<vmem_shared>> -> memref<1x1x16x768xf32, #tpu.memory_space<vmem_shared>>
        %dma_start3A_757 = tpu.memref_squeeze %dma_start3A_756 : memref<1x1x16x768xf32, #tpu.memory_space<vmem_shared>> -> memref<16x768xf32, #tpu.memory_space<vmem_shared>>
        tpu.enqueue_dma source(%dma_start3A_757 : memref<16x768xf32, #tpu.memory_space<vmem_shared>>) target(%dma_start3A_753 : memref<16x768xf32, #tpu.memory_space<hbm>>) target_semaphore(%arg11 : memref<!tpu.dma_semaphore, #tpu.memory_space<semaphore_mem>>)
      } else {
      }
      %jit3A_295 = arith.constant 1 : i32
      %jit3A_296 = arith.constant 0 : i32
      %select_n3A_297 = arith.select %and3A_282, %jit3A_295, %jit3A_296 : i32
      %add3A_298 = arith.addi %add3A_261, %select_n3A_297 : i32
      %jit3A_299 = arith.constant 1 : i32
      %jit3A_300 = arith.constant 0 : i32
      %select_n3A_301 = arith.select %and3A_288, %jit3A_299, %jit3A_300 : i32
      %add3A_302 = arith.addi %add3A_265, %select_n3A_301 : i32
      %slice3A_303 = vector.extract_strided_slice %get3A_157 {offsets = [4], sizes = [1], strides = [1]} : vector<16xi32> to vector<1xi32>
      %squeeze3A_304 = vector.extract %slice3A_303[0] : i32 from vector<1xi32>
      %mul3A_305 = arith.constant 16 : i32
      %mul3A_306 = arith.muli %scan3A_150, %mul3A_305 : i32
      %add3A_307 = arith.constant 4 : i32
      %add3A_308 = arith.addi %mul3A_306, %add3A_307 : i32
      %mul3A_309 = arith.constant 8 : i32
      %mul3A_310 = arith.muli %mul3A_309, %rem3A_18 : i32
      %sub3A_311 = arith.subi %squeeze3A_304, %mul3A_310 : i32
      %ge3A_312 = arith.cmpi sge, %scan3A_150, %select_n3A_31 : i32
      %lt3A_313 = arith.cmpi slt, %scan3A_150, %add3A_37 : i32
      %and3A_314 = arith.andi %ge3A_312, %lt3A_313 : i1
      %ge3A_315 = arith.constant 0 : i32
      %ge3A_316 = arith.cmpi sge, %sub3A_311, %ge3A_315 : i32
      %lt3A_317 = arith.constant 8 : i32
      %lt3A_318 = arith.cmpi slt, %sub3A_311, %lt3A_317 : i32
      %and3A_319 = arith.andi %ge3A_316, %lt3A_318 : i1
      %ge3A_320 = arith.constant 32 : i32
      %ge3A_321 = arith.cmpi sge, %squeeze3A_304, %ge3A_320 : i32
      %lt3A_322 = arith.constant 41 : i32
      %lt3A_323 = arith.cmpi slt, %squeeze3A_304, %lt3A_322 : i32
      %and3A_324 = arith.andi %ge3A_321, %lt3A_323 : i1
      %and3A_325 = arith.andi %and3A_324, %and3A_314 : i1
      %convert_element_type3A_326 = arith.extui %and3A_319 : i1 to i32
      %cond3A_327 = arith.constant 0 : i32
      %cond3A_328 = arith.cmpi ne, %convert_element_type3A_326, %cond3A_327 : i32
      scf.if %cond3A_328 {
        %add3A_747 = arith.addi %mul3A_22, %add3A_308 : i32
        %dma_start3A_748 = arith.constant 0 : i32
        %dma_start3A_749 = arith.constant 0 : i32
        %dma_start3A_750 = tpu.memref_slice %arg6[%sub3A_311, %dma_start3A_748, %dma_start3A_749] : memref<8x16x768xf32, #tpu.memory_space<vmem>> -> memref<1x16x768xf32, #tpu.memory_space<vmem>>
        %dma_start3A_751 = tpu.memref_squeeze %dma_start3A_750 : memref<1x16x768xf32, #tpu.memory_space<vmem>> -> memref<16x768xf32, #tpu.memory_space<vmem>>
        %dma_start3A_752 = arith.constant 0 : i32
        %dma_start3A_753 = arith.constant 0 : i32
        %dma_start3A_754 = tpu.memref_slice %arg4[%add3A_747, %dma_start3A_752, %dma_start3A_753] : memref<3136x16x768xf32, #tpu.memory_space<hbm>> -> memref<1x16x768xf32, #tpu.memory_space<hbm>>
        %dma_start3A_755 = tpu.memref_squeeze %dma_start3A_754 : memref<1x16x768xf32, #tpu.memory_space<hbm>> -> memref<16x768xf32, #tpu.memory_space<hbm>>
        %dma_start3A_756 = arith.constant 0 : i32
        %dma_start3A_757 = arith.constant 0 : i32
        %dma_start3A_758 = tpu.memref_slice %arg4[%add3A_747, %dma_start3A_756, %dma_start3A_757] : memref<3136x16x768xf32, #tpu.memory_space<hbm>> -> memref<1x16x768xf32, #tpu.memory_space<hbm>>
        %dma_start3A_759 = tpu.memref_squeeze %dma_start3A_758 : memref<1x16x768xf32, #tpu.memory_space<hbm>> -> memref<16x768xf32, #tpu.memory_space<hbm>>
        %dma_start3A_760 = arith.constant 0 : i32
        %dma_start3A_761 = arith.constant 0 : i32
        %dma_start3A_762 = tpu.memref_slice %arg6[%sub3A_311, %dma_start3A_760, %dma_start3A_761] : memref<8x16x768xf32, #tpu.memory_space<vmem>> -> memref<1x16x768xf32, #tpu.memory_space<vmem>>
        %dma_start3A_763 = tpu.memref_squeeze %dma_start3A_762 : memref<1x16x768xf32, #tpu.memory_space<vmem>> -> memref<16x768xf32, #tpu.memory_space<vmem>>
        tpu.enqueue_dma source(%dma_start3A_763 : memref<16x768xf32, #tpu.memory_space<vmem>>) target(%dma_start3A_759 : memref<16x768xf32, #tpu.memory_space<hbm>>) target_semaphore(%arg10 : memref<!tpu.dma_semaphore, #tpu.memory_space<semaphore_mem>>)
      } else {
      }
      %convert_element_type3A_329 = arith.extui %and3A_325 : i1 to i32
      %cond3A_330 = arith.constant 0 : i32
      %cond3A_331 = arith.cmpi ne, %convert_element_type3A_329, %cond3A_330 : i32
      scf.if %cond3A_331 {
        %sub3A_747 = arith.constant 32 : i32
        %sub3A_748 = arith.subi %squeeze3A_304, %sub3A_747 : i32
        %add3A_749 = arith.addi %mul3A_22, %add3A_308 : i32
        %dma_start3A_750 = arith.constant 0 : i32
        %dma_start3A_751 = arith.constant 0 : i32
        %dma_start3A_752 = tpu.memref_slice %arg4[%add3A_749, %dma_start3A_750, %dma_start3A_751] : memref<3136x16x768xf32, #tpu.memory_space<hbm>> -> memref<1x16x768xf32, #tpu.memory_space<hbm>>
        %dma_start3A_753 = tpu.memref_squeeze %dma_start3A_752 : memref<1x16x768xf32, #tpu.memory_space<hbm>> -> memref<16x768xf32, #tpu.memory_space<hbm>>
        %dma_start3A_754 = arith.constant 0 : i32
        %dma_start3A_755 = arith.constant 0 : i32
        %dma_start3A_756 = tpu.memref_slice %arg7[%rem3A_20, %sub3A_748, %dma_start3A_754, %dma_start3A_755] : memref<4x9x16x768xf32, #tpu.memory_space<vmem_shared>> -> memref<1x1x16x768xf32, #tpu.memory_space<vmem_shared>>
        %dma_start3A_757 = tpu.memref_squeeze %dma_start3A_756 : memref<1x1x16x768xf32, #tpu.memory_space<vmem_shared>> -> memref<16x768xf32, #tpu.memory_space<vmem_shared>>
        tpu.enqueue_dma source(%dma_start3A_757 : memref<16x768xf32, #tpu.memory_space<vmem_shared>>) target(%dma_start3A_753 : memref<16x768xf32, #tpu.memory_space<hbm>>) target_semaphore(%arg11 : memref<!tpu.dma_semaphore, #tpu.memory_space<semaphore_mem>>)
      } else {
      }
      %jit3A_332 = arith.constant 1 : i32
      %jit3A_333 = arith.constant 0 : i32
      %select_n3A_334 = arith.select %and3A_319, %jit3A_332, %jit3A_333 : i32
      %add3A_335 = arith.addi %add3A_298, %select_n3A_334 : i32
      %jit3A_336 = arith.constant 1 : i32
      %jit3A_337 = arith.constant 0 : i32
      %select_n3A_338 = arith.select %and3A_325, %jit3A_336, %jit3A_337 : i32
      %add3A_339 = arith.addi %add3A_302, %select_n3A_338 : i32
      %slice3A_340 = vector.extract_strided_slice %get3A_157 {offsets = [5], sizes = [1], strides = [1]} : vector<16xi32> to vector<1xi32>
      %squeeze3A_341 = vector.extract %slice3A_340[0] : i32 from vector<1xi32>
      %mul3A_342 = arith.constant 16 : i32
      %mul3A_343 = arith.muli %scan3A_150, %mul3A_342 : i32
      %add3A_344 = arith.constant 5 : i32
      %add3A_345 = arith.addi %mul3A_343, %add3A_344 : i32
      %mul3A_346 = arith.constant 8 : i32
      %mul3A_347 = arith.muli %mul3A_346, %rem3A_18 : i32
      %sub3A_348 = arith.subi %squeeze3A_341, %mul3A_347 : i32
      %ge3A_349 = arith.cmpi sge, %scan3A_150, %select_n3A_31 : i32
      %lt3A_350 = arith.cmpi slt, %scan3A_150, %add3A_37 : i32
      %and3A_351 = arith.andi %ge3A_349, %lt3A_350 : i1
      %ge3A_352 = arith.constant 0 : i32
      %ge3A_353 = arith.cmpi sge, %sub3A_348, %ge3A_352 : i32
      %lt3A_354 = arith.constant 8 : i32
      %lt3A_355 = arith.cmpi slt, %sub3A_348, %lt3A_354 : i32
      %and3A_356 = arith.andi %ge3A_353, %lt3A_355 : i1
      %ge3A_357 = arith.constant 32 : i32
      %ge3A_358 = arith.cmpi sge, %squeeze3A_341, %ge3A_357 : i32
      %lt3A_359 = arith.constant 41 : i32
      %lt3A_360 = arith.cmpi slt, %squeeze3A_341, %lt3A_359 : i32
      %and3A_361 = arith.andi %ge3A_358, %lt3A_360 : i1
      %and3A_362 = arith.andi %and3A_361, %and3A_351 : i1
      %convert_element_type3A_363 = arith.extui %and3A_356 : i1 to i32
      %cond3A_364 = arith.constant 0 : i32
      %cond3A_365 = arith.cmpi ne, %convert_element_type3A_363, %cond3A_364 : i32
      scf.if %cond3A_365 {
        %add3A_747 = arith.addi %mul3A_22, %add3A_345 : i32
        %dma_start3A_748 = arith.constant 0 : i32
        %dma_start3A_749 = arith.constant 0 : i32
        %dma_start3A_750 = tpu.memref_slice %arg6[%sub3A_348, %dma_start3A_748, %dma_start3A_749] : memref<8x16x768xf32, #tpu.memory_space<vmem>> -> memref<1x16x768xf32, #tpu.memory_space<vmem>>
        %dma_start3A_751 = tpu.memref_squeeze %dma_start3A_750 : memref<1x16x768xf32, #tpu.memory_space<vmem>> -> memref<16x768xf32, #tpu.memory_space<vmem>>
        %dma_start3A_752 = arith.constant 0 : i32
        %dma_start3A_753 = arith.constant 0 : i32
        %dma_start3A_754 = tpu.memref_slice %arg4[%add3A_747, %dma_start3A_752, %dma_start3A_753] : memref<3136x16x768xf32, #tpu.memory_space<hbm>> -> memref<1x16x768xf32, #tpu.memory_space<hbm>>
        %dma_start3A_755 = tpu.memref_squeeze %dma_start3A_754 : memref<1x16x768xf32, #tpu.memory_space<hbm>> -> memref<16x768xf32, #tpu.memory_space<hbm>>
        %dma_start3A_756 = arith.constant 0 : i32
        %dma_start3A_757 = arith.constant 0 : i32
        %dma_start3A_758 = tpu.memref_slice %arg4[%add3A_747, %dma_start3A_756, %dma_start3A_757] : memref<3136x16x768xf32, #tpu.memory_space<hbm>> -> memref<1x16x768xf32, #tpu.memory_space<hbm>>
        %dma_start3A_759 = tpu.memref_squeeze %dma_start3A_758 : memref<1x16x768xf32, #tpu.memory_space<hbm>> -> memref<16x768xf32, #tpu.memory_space<hbm>>
        %dma_start3A_760 = arith.constant 0 : i32
        %dma_start3A_761 = arith.constant 0 : i32
        %dma_start3A_762 = tpu.memref_slice %arg6[%sub3A_348, %dma_start3A_760, %dma_start3A_761] : memref<8x16x768xf32, #tpu.memory_space<vmem>> -> memref<1x16x768xf32, #tpu.memory_space<vmem>>
        %dma_start3A_763 = tpu.memref_squeeze %dma_start3A_762 : memref<1x16x768xf32, #tpu.memory_space<vmem>> -> memref<16x768xf32, #tpu.memory_space<vmem>>
        tpu.enqueue_dma source(%dma_start3A_763 : memref<16x768xf32, #tpu.memory_space<vmem>>) target(%dma_start3A_759 : memref<16x768xf32, #tpu.memory_space<hbm>>) target_semaphore(%arg10 : memref<!tpu.dma_semaphore, #tpu.memory_space<semaphore_mem>>)
      } else {
      }
      %convert_element_type3A_366 = arith.extui %and3A_362 : i1 to i32
      %cond3A_367 = arith.constant 0 : i32
      %cond3A_368 = arith.cmpi ne, %convert_element_type3A_366, %cond3A_367 : i32
      scf.if %cond3A_368 {
        %sub3A_747 = arith.constant 32 : i32
        %sub3A_748 = arith.subi %squeeze3A_341, %sub3A_747 : i32
        %add3A_749 = arith.addi %mul3A_22, %add3A_345 : i32
        %dma_start3A_750 = arith.constant 0 : i32
        %dma_start3A_751 = arith.constant 0 : i32
        %dma_start3A_752 = tpu.memref_slice %arg4[%add3A_749, %dma_start3A_750, %dma_start3A_751] : memref<3136x16x768xf32, #tpu.memory_space<hbm>> -> memref<1x16x768xf32, #tpu.memory_space<hbm>>
        %dma_start3A_753 = tpu.memref_squeeze %dma_start3A_752 : memref<1x16x768xf32, #tpu.memory_space<hbm>> -> memref<16x768xf32, #tpu.memory_space<hbm>>
        %dma_start3A_754 = arith.constant 0 : i32
        %dma_start3A_755 = arith.constant 0 : i32
        %dma_start3A_756 = tpu.memref_slice %arg7[%rem3A_20, %sub3A_748, %dma_start3A_754, %dma_start3A_755] : memref<4x9x16x768xf32, #tpu.memory_space<vmem_shared>> -> memref<1x1x16x768xf32, #tpu.memory_space<vmem_shared>>
        %dma_start3A_757 = tpu.memref_squeeze %dma_start3A_756 : memref<1x1x16x768xf32, #tpu.memory_space<vmem_shared>> -> memref<16x768xf32, #tpu.memory_space<vmem_shared>>
        tpu.enqueue_dma source(%dma_start3A_757 : memref<16x768xf32, #tpu.memory_space<vmem_shared>>) target(%dma_start3A_753 : memref<16x768xf32, #tpu.memory_space<hbm>>) target_semaphore(%arg11 : memref<!tpu.dma_semaphore, #tpu.memory_space<semaphore_mem>>)
      } else {
      }
      %jit3A_369 = arith.constant 1 : i32
      %jit3A_370 = arith.constant 0 : i32
      %select_n3A_371 = arith.select %and3A_356, %jit3A_369, %jit3A_370 : i32
      %add3A_372 = arith.addi %add3A_335, %select_n3A_371 : i32
      %jit3A_373 = arith.constant 1 : i32
      %jit3A_374 = arith.constant 0 : i32
      %select_n3A_375 = arith.select %and3A_362, %jit3A_373, %jit3A_374 : i32
      %add3A_376 = arith.addi %add3A_339, %select_n3A_375 : i32
      %slice3A_377 = vector.extract_strided_slice %get3A_157 {offsets = [6], sizes = [1], strides = [1]} : vector<16xi32> to vector<1xi32>
      %squeeze3A_378 = vector.extract %slice3A_377[0] : i32 from vector<1xi32>
      %mul3A_379 = arith.constant 16 : i32
      %mul3A_380 = arith.muli %scan3A_150, %mul3A_379 : i32
      %add3A_381 = arith.constant 6 : i32
      %add3A_382 = arith.addi %mul3A_380, %add3A_381 : i32
      %mul3A_383 = arith.constant 8 : i32
      %mul3A_384 = arith.muli %mul3A_383, %rem3A_18 : i32
      %sub3A_385 = arith.subi %squeeze3A_378, %mul3A_384 : i32
      %ge3A_386 = arith.cmpi sge, %scan3A_150, %select_n3A_31 : i32
      %lt3A_387 = arith.cmpi slt, %scan3A_150, %add3A_37 : i32
      %and3A_388 = arith.andi %ge3A_386, %lt3A_387 : i1
      %ge3A_389 = arith.constant 0 : i32
      %ge3A_390 = arith.cmpi sge, %sub3A_385, %ge3A_389 : i32
      %lt3A_391 = arith.constant 8 : i32
      %lt3A_392 = arith.cmpi slt, %sub3A_385, %lt3A_391 : i32
      %and3A_393 = arith.andi %ge3A_390, %lt3A_392 : i1
      %ge3A_394 = arith.constant 32 : i32
      %ge3A_395 = arith.cmpi sge, %squeeze3A_378, %ge3A_394 : i32
      %lt3A_396 = arith.constant 41 : i32
      %lt3A_397 = arith.cmpi slt, %squeeze3A_378, %lt3A_396 : i32
      %and3A_398 = arith.andi %ge3A_395, %lt3A_397 : i1
      %and3A_399 = arith.andi %and3A_398, %and3A_388 : i1
      %convert_element_type3A_400 = arith.extui %and3A_393 : i1 to i32
      %cond3A_401 = arith.constant 0 : i32
      %cond3A_402 = arith.cmpi ne, %convert_element_type3A_400, %cond3A_401 : i32
      scf.if %cond3A_402 {
        %add3A_747 = arith.addi %mul3A_22, %add3A_382 : i32
        %dma_start3A_748 = arith.constant 0 : i32
        %dma_start3A_749 = arith.constant 0 : i32
        %dma_start3A_750 = tpu.memref_slice %arg6[%sub3A_385, %dma_start3A_748, %dma_start3A_749] : memref<8x16x768xf32, #tpu.memory_space<vmem>> -> memref<1x16x768xf32, #tpu.memory_space<vmem>>
        %dma_start3A_751 = tpu.memref_squeeze %dma_start3A_750 : memref<1x16x768xf32, #tpu.memory_space<vmem>> -> memref<16x768xf32, #tpu.memory_space<vmem>>
        %dma_start3A_752 = arith.constant 0 : i32
        %dma_start3A_753 = arith.constant 0 : i32
        %dma_start3A_754 = tpu.memref_slice %arg4[%add3A_747, %dma_start3A_752, %dma_start3A_753] : memref<3136x16x768xf32, #tpu.memory_space<hbm>> -> memref<1x16x768xf32, #tpu.memory_space<hbm>>
        %dma_start3A_755 = tpu.memref_squeeze %dma_start3A_754 : memref<1x16x768xf32, #tpu.memory_space<hbm>> -> memref<16x768xf32, #tpu.memory_space<hbm>>
        %dma_start3A_756 = arith.constant 0 : i32
        %dma_start3A_757 = arith.constant 0 : i32
        %dma_start3A_758 = tpu.memref_slice %arg4[%add3A_747, %dma_start3A_756, %dma_start3A_757] : memref<3136x16x768xf32, #tpu.memory_space<hbm>> -> memref<1x16x768xf32, #tpu.memory_space<hbm>>
        %dma_start3A_759 = tpu.memref_squeeze %dma_start3A_758 : memref<1x16x768xf32, #tpu.memory_space<hbm>> -> memref<16x768xf32, #tpu.memory_space<hbm>>
        %dma_start3A_760 = arith.constant 0 : i32
        %dma_start3A_761 = arith.constant 0 : i32
        %dma_start3A_762 = tpu.memref_slice %arg6[%sub3A_385, %dma_start3A_760, %dma_start3A_761] : memref<8x16x768xf32, #tpu.memory_space<vmem>> -> memref<1x16x768xf32, #tpu.memory_space<vmem>>
        %dma_start3A_763 = tpu.memref_squeeze %dma_start3A_762 : memref<1x16x768xf32, #tpu.memory_space<vmem>> -> memref<16x768xf32, #tpu.memory_space<vmem>>
        tpu.enqueue_dma source(%dma_start3A_763 : memref<16x768xf32, #tpu.memory_space<vmem>>) target(%dma_start3A_759 : memref<16x768xf32, #tpu.memory_space<hbm>>) target_semaphore(%arg10 : memref<!tpu.dma_semaphore, #tpu.memory_space<semaphore_mem>>)
      } else {
      }
      %convert_element_type3A_403 = arith.extui %and3A_399 : i1 to i32
      %cond3A_404 = arith.constant 0 : i32
      %cond3A_405 = arith.cmpi ne, %convert_element_type3A_403, %cond3A_404 : i32
      scf.if %cond3A_405 {
        %sub3A_747 = arith.constant 32 : i32
        %sub3A_748 = arith.subi %squeeze3A_378, %sub3A_747 : i32
        %add3A_749 = arith.addi %mul3A_22, %add3A_382 : i32
        %dma_start3A_750 = arith.constant 0 : i32
        %dma_start3A_751 = arith.constant 0 : i32
        %dma_start3A_752 = tpu.memref_slice %arg4[%add3A_749, %dma_start3A_750, %dma_start3A_751] : memref<3136x16x768xf32, #tpu.memory_space<hbm>> -> memref<1x16x768xf32, #tpu.memory_space<hbm>>
        %dma_start3A_753 = tpu.memref_squeeze %dma_start3A_752 : memref<1x16x768xf32, #tpu.memory_space<hbm>> -> memref<16x768xf32, #tpu.memory_space<hbm>>
        %dma_start3A_754 = arith.constant 0 : i32
        %dma_start3A_755 = arith.constant 0 : i32
        %dma_start3A_756 = tpu.memref_slice %arg7[%rem3A_20, %sub3A_748, %dma_start3A_754, %dma_start3A_755] : memref<4x9x16x768xf32, #tpu.memory_space<vmem_shared>> -> memref<1x1x16x768xf32, #tpu.memory_space<vmem_shared>>
        %dma_start3A_757 = tpu.memref_squeeze %dma_start3A_756 : memref<1x1x16x768xf32, #tpu.memory_space<vmem_shared>> -> memref<16x768xf32, #tpu.memory_space<vmem_shared>>
        tpu.enqueue_dma source(%dma_start3A_757 : memref<16x768xf32, #tpu.memory_space<vmem_shared>>) target(%dma_start3A_753 : memref<16x768xf32, #tpu.memory_space<hbm>>) target_semaphore(%arg11 : memref<!tpu.dma_semaphore, #tpu.memory_space<semaphore_mem>>)
      } else {
      }
      %jit3A_406 = arith.constant 1 : i32
      %jit3A_407 = arith.constant 0 : i32
      %select_n3A_408 = arith.select %and3A_393, %jit3A_406, %jit3A_407 : i32
      %add3A_409 = arith.addi %add3A_372, %select_n3A_408 : i32
      %jit3A_410 = arith.constant 1 : i32
      %jit3A_411 = arith.constant 0 : i32
      %select_n3A_412 = arith.select %and3A_399, %jit3A_410, %jit3A_411 : i32
      %add3A_413 = arith.addi %add3A_376, %select_n3A_412 : i32
      %slice3A_414 = vector.extract_strided_slice %get3A_157 {offsets = [7], sizes = [1], strides = [1]} : vector<16xi32> to vector<1xi32>
      %squeeze3A_415 = vector.extract %slice3A_414[0] : i32 from vector<1xi32>
      %mul3A_416 = arith.constant 16 : i32
      %mul3A_417 = arith.muli %scan3A_150, %mul3A_416 : i32
      %add3A_418 = arith.constant 7 : i32
      %add3A_419 = arith.addi %mul3A_417, %add3A_418 : i32
      %mul3A_420 = arith.constant 8 : i32
      %mul3A_421 = arith.muli %mul3A_420, %rem3A_18 : i32
      %sub3A_422 = arith.subi %squeeze3A_415, %mul3A_421 : i32
      %ge3A_423 = arith.cmpi sge, %scan3A_150, %select_n3A_31 : i32
      %lt3A_424 = arith.cmpi slt, %scan3A_150, %add3A_37 : i32
      %and3A_425 = arith.andi %ge3A_423, %lt3A_424 : i1
      %ge3A_426 = arith.constant 0 : i32
      %ge3A_427 = arith.cmpi sge, %sub3A_422, %ge3A_426 : i32
      %lt3A_428 = arith.constant 8 : i32
      %lt3A_429 = arith.cmpi slt, %sub3A_422, %lt3A_428 : i32
      %and3A_430 = arith.andi %ge3A_427, %lt3A_429 : i1
      %ge3A_431 = arith.constant 32 : i32
      %ge3A_432 = arith.cmpi sge, %squeeze3A_415, %ge3A_431 : i32
      %lt3A_433 = arith.constant 41 : i32
      %lt3A_434 = arith.cmpi slt, %squeeze3A_415, %lt3A_433 : i32
      %and3A_435 = arith.andi %ge3A_432, %lt3A_434 : i1
      %and3A_436 = arith.andi %and3A_435, %and3A_425 : i1
      %convert_element_type3A_437 = arith.extui %and3A_430 : i1 to i32
      %cond3A_438 = arith.constant 0 : i32
      %cond3A_439 = arith.cmpi ne, %convert_element_type3A_437, %cond3A_438 : i32
      scf.if %cond3A_439 {
        %add3A_747 = arith.addi %mul3A_22, %add3A_419 : i32
        %dma_start3A_748 = arith.constant 0 : i32
        %dma_start3A_749 = arith.constant 0 : i32
        %dma_start3A_750 = tpu.memref_slice %arg6[%sub3A_422, %dma_start3A_748, %dma_start3A_749] : memref<8x16x768xf32, #tpu.memory_space<vmem>> -> memref<1x16x768xf32, #tpu.memory_space<vmem>>
        %dma_start3A_751 = tpu.memref_squeeze %dma_start3A_750 : memref<1x16x768xf32, #tpu.memory_space<vmem>> -> memref<16x768xf32, #tpu.memory_space<vmem>>
        %dma_start3A_752 = arith.constant 0 : i32
        %dma_start3A_753 = arith.constant 0 : i32
        %dma_start3A_754 = tpu.memref_slice %arg4[%add3A_747, %dma_start3A_752, %dma_start3A_753] : memref<3136x16x768xf32, #tpu.memory_space<hbm>> -> memref<1x16x768xf32, #tpu.memory_space<hbm>>
        %dma_start3A_755 = tpu.memref_squeeze %dma_start3A_754 : memref<1x16x768xf32, #tpu.memory_space<hbm>> -> memref<16x768xf32, #tpu.memory_space<hbm>>
        %dma_start3A_756 = arith.constant 0 : i32
        %dma_start3A_757 = arith.constant 0 : i32
        %dma_start3A_758 = tpu.memref_slice %arg4[%add3A_747, %dma_start3A_756, %dma_start3A_757] : memref<3136x16x768xf32, #tpu.memory_space<hbm>> -> memref<1x16x768xf32, #tpu.memory_space<hbm>>
        %dma_start3A_759 = tpu.memref_squeeze %dma_start3A_758 : memref<1x16x768xf32, #tpu.memory_space<hbm>> -> memref<16x768xf32, #tpu.memory_space<hbm>>
        %dma_start3A_760 = arith.constant 0 : i32
        %dma_start3A_761 = arith.constant 0 : i32
        %dma_start3A_762 = tpu.memref_slice %arg6[%sub3A_422, %dma_start3A_760, %dma_start3A_761] : memref<8x16x768xf32, #tpu.memory_space<vmem>> -> memref<1x16x768xf32, #tpu.memory_space<vmem>>
        %dma_start3A_763 = tpu.memref_squeeze %dma_start3A_762 : memref<1x16x768xf32, #tpu.memory_space<vmem>> -> memref<16x768xf32, #tpu.memory_space<vmem>>
        tpu.enqueue_dma source(%dma_start3A_763 : memref<16x768xf32, #tpu.memory_space<vmem>>) target(%dma_start3A_759 : memref<16x768xf32, #tpu.memory_space<hbm>>) target_semaphore(%arg10 : memref<!tpu.dma_semaphore, #tpu.memory_space<semaphore_mem>>)
      } else {
      }
      %convert_element_type3A_440 = arith.extui %and3A_436 : i1 to i32
      %cond3A_441 = arith.constant 0 : i32
      %cond3A_442 = arith.cmpi ne, %convert_element_type3A_440, %cond3A_441 : i32
      scf.if %cond3A_442 {
        %sub3A_747 = arith.constant 32 : i32
        %sub3A_748 = arith.subi %squeeze3A_415, %sub3A_747 : i32
        %add3A_749 = arith.addi %mul3A_22, %add3A_419 : i32
        %dma_start3A_750 = arith.constant 0 : i32
        %dma_start3A_751 = arith.constant 0 : i32
        %dma_start3A_752 = tpu.memref_slice %arg4[%add3A_749, %dma_start3A_750, %dma_start3A_751] : memref<3136x16x768xf32, #tpu.memory_space<hbm>> -> memref<1x16x768xf32, #tpu.memory_space<hbm>>
        %dma_start3A_753 = tpu.memref_squeeze %dma_start3A_752 : memref<1x16x768xf32, #tpu.memory_space<hbm>> -> memref<16x768xf32, #tpu.memory_space<hbm>>
        %dma_start3A_754 = arith.constant 0 : i32
        %dma_start3A_755 = arith.constant 0 : i32
        %dma_start3A_756 = tpu.memref_slice %arg7[%rem3A_20, %sub3A_748, %dma_start3A_754, %dma_start3A_755] : memref<4x9x16x768xf32, #tpu.memory_space<vmem_shared>> -> memref<1x1x16x768xf32, #tpu.memory_space<vmem_shared>>
        %dma_start3A_757 = tpu.memref_squeeze %dma_start3A_756 : memref<1x1x16x768xf32, #tpu.memory_space<vmem_shared>> -> memref<16x768xf32, #tpu.memory_space<vmem_shared>>
        tpu.enqueue_dma source(%dma_start3A_757 : memref<16x768xf32, #tpu.memory_space<vmem_shared>>) target(%dma_start3A_753 : memref<16x768xf32, #tpu.memory_space<hbm>>) target_semaphore(%arg11 : memref<!tpu.dma_semaphore, #tpu.memory_space<semaphore_mem>>)
      } else {
      }
      %jit3A_443 = arith.constant 1 : i32
      %jit3A_444 = arith.constant 0 : i32
      %select_n3A_445 = arith.select %and3A_430, %jit3A_443, %jit3A_444 : i32
      %add3A_446 = arith.addi %add3A_409, %select_n3A_445 : i32
      %jit3A_447 = arith.constant 1 : i32
      %jit3A_448 = arith.constant 0 : i32
      %select_n3A_449 = arith.select %and3A_436, %jit3A_447, %jit3A_448 : i32
      %add3A_450 = arith.addi %add3A_413, %select_n3A_449 : i32
      %slice3A_451 = vector.extract_strided_slice %get3A_157 {offsets = [8], sizes = [1], strides = [1]} : vector<16xi32> to vector<1xi32>
      %squeeze3A_452 = vector.extract %slice3A_451[0] : i32 from vector<1xi32>
      %mul3A_453 = arith.constant 16 : i32
      %mul3A_454 = arith.muli %scan3A_150, %mul3A_453 : i32
      %add3A_455 = arith.constant 8 : i32
      %add3A_456 = arith.addi %mul3A_454, %add3A_455 : i32
      %mul3A_457 = arith.constant 8 : i32
      %mul3A_458 = arith.muli %mul3A_457, %rem3A_18 : i32
      %sub3A_459 = arith.subi %squeeze3A_452, %mul3A_458 : i32
      %ge3A_460 = arith.cmpi sge, %scan3A_150, %select_n3A_31 : i32
      %lt3A_461 = arith.cmpi slt, %scan3A_150, %add3A_37 : i32
      %and3A_462 = arith.andi %ge3A_460, %lt3A_461 : i1
      %ge3A_463 = arith.constant 0 : i32
      %ge3A_464 = arith.cmpi sge, %sub3A_459, %ge3A_463 : i32
      %lt3A_465 = arith.constant 8 : i32
      %lt3A_466 = arith.cmpi slt, %sub3A_459, %lt3A_465 : i32
      %and3A_467 = arith.andi %ge3A_464, %lt3A_466 : i1
      %ge3A_468 = arith.constant 32 : i32
      %ge3A_469 = arith.cmpi sge, %squeeze3A_452, %ge3A_468 : i32
      %lt3A_470 = arith.constant 41 : i32
      %lt3A_471 = arith.cmpi slt, %squeeze3A_452, %lt3A_470 : i32
      %and3A_472 = arith.andi %ge3A_469, %lt3A_471 : i1
      %and3A_473 = arith.andi %and3A_472, %and3A_462 : i1
      %convert_element_type3A_474 = arith.extui %and3A_467 : i1 to i32
      %cond3A_475 = arith.constant 0 : i32
      %cond3A_476 = arith.cmpi ne, %convert_element_type3A_474, %cond3A_475 : i32
      scf.if %cond3A_476 {
        %add3A_747 = arith.addi %mul3A_22, %add3A_456 : i32
        %dma_start3A_748 = arith.constant 0 : i32
        %dma_start3A_749 = arith.constant 0 : i32
        %dma_start3A_750 = tpu.memref_slice %arg6[%sub3A_459, %dma_start3A_748, %dma_start3A_749] : memref<8x16x768xf32, #tpu.memory_space<vmem>> -> memref<1x16x768xf32, #tpu.memory_space<vmem>>
        %dma_start3A_751 = tpu.memref_squeeze %dma_start3A_750 : memref<1x16x768xf32, #tpu.memory_space<vmem>> -> memref<16x768xf32, #tpu.memory_space<vmem>>
        %dma_start3A_752 = arith.constant 0 : i32
        %dma_start3A_753 = arith.constant 0 : i32
        %dma_start3A_754 = tpu.memref_slice %arg4[%add3A_747, %dma_start3A_752, %dma_start3A_753] : memref<3136x16x768xf32, #tpu.memory_space<hbm>> -> memref<1x16x768xf32, #tpu.memory_space<hbm>>
        %dma_start3A_755 = tpu.memref_squeeze %dma_start3A_754 : memref<1x16x768xf32, #tpu.memory_space<hbm>> -> memref<16x768xf32, #tpu.memory_space<hbm>>
        %dma_start3A_756 = arith.constant 0 : i32
        %dma_start3A_757 = arith.constant 0 : i32
        %dma_start3A_758 = tpu.memref_slice %arg4[%add3A_747, %dma_start3A_756, %dma_start3A_757] : memref<3136x16x768xf32, #tpu.memory_space<hbm>> -> memref<1x16x768xf32, #tpu.memory_space<hbm>>
        %dma_start3A_759 = tpu.memref_squeeze %dma_start3A_758 : memref<1x16x768xf32, #tpu.memory_space<hbm>> -> memref<16x768xf32, #tpu.memory_space<hbm>>
        %dma_start3A_760 = arith.constant 0 : i32
        %dma_start3A_761 = arith.constant 0 : i32
        %dma_start3A_762 = tpu.memref_slice %arg6[%sub3A_459, %dma_start3A_760, %dma_start3A_761] : memref<8x16x768xf32, #tpu.memory_space<vmem>> -> memref<1x16x768xf32, #tpu.memory_space<vmem>>
        %dma_start3A_763 = tpu.memref_squeeze %dma_start3A_762 : memref<1x16x768xf32, #tpu.memory_space<vmem>> -> memref<16x768xf32, #tpu.memory_space<vmem>>
        tpu.enqueue_dma source(%dma_start3A_763 : memref<16x768xf32, #tpu.memory_space<vmem>>) target(%dma_start3A_759 : memref<16x768xf32, #tpu.memory_space<hbm>>) target_semaphore(%arg10 : memref<!tpu.dma_semaphore, #tpu.memory_space<semaphore_mem>>)
      } else {
      }
      %convert_element_type3A_477 = arith.extui %and3A_473 : i1 to i32
      %cond3A_478 = arith.constant 0 : i32
      %cond3A_479 = arith.cmpi ne, %convert_element_type3A_477, %cond3A_478 : i32
      scf.if %cond3A_479 {
        %sub3A_747 = arith.constant 32 : i32
        %sub3A_748 = arith.subi %squeeze3A_452, %sub3A_747 : i32
        %add3A_749 = arith.addi %mul3A_22, %add3A_456 : i32
        %dma_start3A_750 = arith.constant 0 : i32
        %dma_start3A_751 = arith.constant 0 : i32
        %dma_start3A_752 = tpu.memref_slice %arg4[%add3A_749, %dma_start3A_750, %dma_start3A_751] : memref<3136x16x768xf32, #tpu.memory_space<hbm>> -> memref<1x16x768xf32, #tpu.memory_space<hbm>>
        %dma_start3A_753 = tpu.memref_squeeze %dma_start3A_752 : memref<1x16x768xf32, #tpu.memory_space<hbm>> -> memref<16x768xf32, #tpu.memory_space<hbm>>
        %dma_start3A_754 = arith.constant 0 : i32
        %dma_start3A_755 = arith.constant 0 : i32
        %dma_start3A_756 = tpu.memref_slice %arg7[%rem3A_20, %sub3A_748, %dma_start3A_754, %dma_start3A_755] : memref<4x9x16x768xf32, #tpu.memory_space<vmem_shared>> -> memref<1x1x16x768xf32, #tpu.memory_space<vmem_shared>>
        %dma_start3A_757 = tpu.memref_squeeze %dma_start3A_756 : memref<1x1x16x768xf32, #tpu.memory_space<vmem_shared>> -> memref<16x768xf32, #tpu.memory_space<vmem_shared>>
        tpu.enqueue_dma source(%dma_start3A_757 : memref<16x768xf32, #tpu.memory_space<vmem_shared>>) target(%dma_start3A_753 : memref<16x768xf32, #tpu.memory_space<hbm>>) target_semaphore(%arg11 : memref<!tpu.dma_semaphore, #tpu.memory_space<semaphore_mem>>)
      } else {
      }
      %jit3A_480 = arith.constant 1 : i32
      %jit3A_481 = arith.constant 0 : i32
      %select_n3A_482 = arith.select %and3A_467, %jit3A_480, %jit3A_481 : i32
      %add3A_483 = arith.addi %add3A_446, %select_n3A_482 : i32
      %jit3A_484 = arith.constant 1 : i32
      %jit3A_485 = arith.constant 0 : i32
      %select_n3A_486 = arith.select %and3A_473, %jit3A_484, %jit3A_485 : i32
      %add3A_487 = arith.addi %add3A_450, %select_n3A_486 : i32
      %slice3A_488 = vector.extract_strided_slice %get3A_157 {offsets = [9], sizes = [1], strides = [1]} : vector<16xi32> to vector<1xi32>
      %squeeze3A_489 = vector.extract %slice3A_488[0] : i32 from vector<1xi32>
      %mul3A_490 = arith.constant 16 : i32
      %mul3A_491 = arith.muli %scan3A_150, %mul3A_490 : i32
      %add3A_492 = arith.constant 9 : i32
      %add3A_493 = arith.addi %mul3A_491, %add3A_492 : i32
      %mul3A_494 = arith.constant 8 : i32
      %mul3A_495 = arith.muli %mul3A_494, %rem3A_18 : i32
      %sub3A_496 = arith.subi %squeeze3A_489, %mul3A_495 : i32
      %ge3A_497 = arith.cmpi sge, %scan3A_150, %select_n3A_31 : i32
      %lt3A_498 = arith.cmpi slt, %scan3A_150, %add3A_37 : i32
      %and3A_499 = arith.andi %ge3A_497, %lt3A_498 : i1
      %ge3A_500 = arith.constant 0 : i32
      %ge3A_501 = arith.cmpi sge, %sub3A_496, %ge3A_500 : i32
      %lt3A_502 = arith.constant 8 : i32
      %lt3A_503 = arith.cmpi slt, %sub3A_496, %lt3A_502 : i32
      %and3A_504 = arith.andi %ge3A_501, %lt3A_503 : i1
      %ge3A_505 = arith.constant 32 : i32
      %ge3A_506 = arith.cmpi sge, %squeeze3A_489, %ge3A_505 : i32
      %lt3A_507 = arith.constant 41 : i32
      %lt3A_508 = arith.cmpi slt, %squeeze3A_489, %lt3A_507 : i32
      %and3A_509 = arith.andi %ge3A_506, %lt3A_508 : i1
      %and3A_510 = arith.andi %and3A_509, %and3A_499 : i1
      %convert_element_type3A_511 = arith.extui %and3A_504 : i1 to i32
      %cond3A_512 = arith.constant 0 : i32
      %cond3A_513 = arith.cmpi ne, %convert_element_type3A_511, %cond3A_512 : i32
      scf.if %cond3A_513 {
        %add3A_747 = arith.addi %mul3A_22, %add3A_493 : i32
        %dma_start3A_748 = arith.constant 0 : i32
        %dma_start3A_749 = arith.constant 0 : i32
        %dma_start3A_750 = tpu.memref_slice %arg6[%sub3A_496, %dma_start3A_748, %dma_start3A_749] : memref<8x16x768xf32, #tpu.memory_space<vmem>> -> memref<1x16x768xf32, #tpu.memory_space<vmem>>
        %dma_start3A_751 = tpu.memref_squeeze %dma_start3A_750 : memref<1x16x768xf32, #tpu.memory_space<vmem>> -> memref<16x768xf32, #tpu.memory_space<vmem>>
        %dma_start3A_752 = arith.constant 0 : i32
        %dma_start3A_753 = arith.constant 0 : i32
        %dma_start3A_754 = tpu.memref_slice %arg4[%add3A_747, %dma_start3A_752, %dma_start3A_753] : memref<3136x16x768xf32, #tpu.memory_space<hbm>> -> memref<1x16x768xf32, #tpu.memory_space<hbm>>
        %dma_start3A_755 = tpu.memref_squeeze %dma_start3A_754 : memref<1x16x768xf32, #tpu.memory_space<hbm>> -> memref<16x768xf32, #tpu.memory_space<hbm>>
        %dma_start3A_756 = arith.constant 0 : i32
        %dma_start3A_757 = arith.constant 0 : i32
        %dma_start3A_758 = tpu.memref_slice %arg4[%add3A_747, %dma_start3A_756, %dma_start3A_757] : memref<3136x16x768xf32, #tpu.memory_space<hbm>> -> memref<1x16x768xf32, #tpu.memory_space<hbm>>
        %dma_start3A_759 = tpu.memref_squeeze %dma_start3A_758 : memref<1x16x768xf32, #tpu.memory_space<hbm>> -> memref<16x768xf32, #tpu.memory_space<hbm>>
        %dma_start3A_760 = arith.constant 0 : i32
        %dma_start3A_761 = arith.constant 0 : i32
        %dma_start3A_762 = tpu.memref_slice %arg6[%sub3A_496, %dma_start3A_760, %dma_start3A_761] : memref<8x16x768xf32, #tpu.memory_space<vmem>> -> memref<1x16x768xf32, #tpu.memory_space<vmem>>
        %dma_start3A_763 = tpu.memref_squeeze %dma_start3A_762 : memref<1x16x768xf32, #tpu.memory_space<vmem>> -> memref<16x768xf32, #tpu.memory_space<vmem>>
        tpu.enqueue_dma source(%dma_start3A_763 : memref<16x768xf32, #tpu.memory_space<vmem>>) target(%dma_start3A_759 : memref<16x768xf32, #tpu.memory_space<hbm>>) target_semaphore(%arg10 : memref<!tpu.dma_semaphore, #tpu.memory_space<semaphore_mem>>)
      } else {
      }
      %convert_element_type3A_514 = arith.extui %and3A_510 : i1 to i32
      %cond3A_515 = arith.constant 0 : i32
      %cond3A_516 = arith.cmpi ne, %convert_element_type3A_514, %cond3A_515 : i32
      scf.if %cond3A_516 {
        %sub3A_747 = arith.constant 32 : i32
        %sub3A_748 = arith.subi %squeeze3A_489, %sub3A_747 : i32
        %add3A_749 = arith.addi %mul3A_22, %add3A_493 : i32
        %dma_start3A_750 = arith.constant 0 : i32
        %dma_start3A_751 = arith.constant 0 : i32
        %dma_start3A_752 = tpu.memref_slice %arg4[%add3A_749, %dma_start3A_750, %dma_start3A_751] : memref<3136x16x768xf32, #tpu.memory_space<hbm>> -> memref<1x16x768xf32, #tpu.memory_space<hbm>>
        %dma_start3A_753 = tpu.memref_squeeze %dma_start3A_752 : memref<1x16x768xf32, #tpu.memory_space<hbm>> -> memref<16x768xf32, #tpu.memory_space<hbm>>
        %dma_start3A_754 = arith.constant 0 : i32
        %dma_start3A_755 = arith.constant 0 : i32
        %dma_start3A_756 = tpu.memref_slice %arg7[%rem3A_20, %sub3A_748, %dma_start3A_754, %dma_start3A_755] : memref<4x9x16x768xf32, #tpu.memory_space<vmem_shared>> -> memref<1x1x16x768xf32, #tpu.memory_space<vmem_shared>>
        %dma_start3A_757 = tpu.memref_squeeze %dma_start3A_756 : memref<1x1x16x768xf32, #tpu.memory_space<vmem_shared>> -> memref<16x768xf32, #tpu.memory_space<vmem_shared>>
        tpu.enqueue_dma source(%dma_start3A_757 : memref<16x768xf32, #tpu.memory_space<vmem_shared>>) target(%dma_start3A_753 : memref<16x768xf32, #tpu.memory_space<hbm>>) target_semaphore(%arg11 : memref<!tpu.dma_semaphore, #tpu.memory_space<semaphore_mem>>)
      } else {
      }
      %jit3A_517 = arith.constant 1 : i32
      %jit3A_518 = arith.constant 0 : i32
      %select_n3A_519 = arith.select %and3A_504, %jit3A_517, %jit3A_518 : i32
      %add3A_520 = arith.addi %add3A_483, %select_n3A_519 : i32
      %jit3A_521 = arith.constant 1 : i32
      %jit3A_522 = arith.constant 0 : i32
      %select_n3A_523 = arith.select %and3A_510, %jit3A_521, %jit3A_522 : i32
      %add3A_524 = arith.addi %add3A_487, %select_n3A_523 : i32
      %slice3A_525 = vector.extract_strided_slice %get3A_157 {offsets = [10], sizes = [1], strides = [1]} : vector<16xi32> to vector<1xi32>
      %squeeze3A_526 = vector.extract %slice3A_525[0] : i32 from vector<1xi32>
      %mul3A_527 = arith.constant 16 : i32
      %mul3A_528 = arith.muli %scan3A_150, %mul3A_527 : i32
      %add3A_529 = arith.constant 10 : i32
      %add3A_530 = arith.addi %mul3A_528, %add3A_529 : i32
      %mul3A_531 = arith.constant 8 : i32
      %mul3A_532 = arith.muli %mul3A_531, %rem3A_18 : i32
      %sub3A_533 = arith.subi %squeeze3A_526, %mul3A_532 : i32
      %ge3A_534 = arith.cmpi sge, %scan3A_150, %select_n3A_31 : i32
      %lt3A_535 = arith.cmpi slt, %scan3A_150, %add3A_37 : i32
      %and3A_536 = arith.andi %ge3A_534, %lt3A_535 : i1
      %ge3A_537 = arith.constant 0 : i32
      %ge3A_538 = arith.cmpi sge, %sub3A_533, %ge3A_537 : i32
      %lt3A_539 = arith.constant 8 : i32
      %lt3A_540 = arith.cmpi slt, %sub3A_533, %lt3A_539 : i32
      %and3A_541 = arith.andi %ge3A_538, %lt3A_540 : i1
      %ge3A_542 = arith.constant 32 : i32
      %ge3A_543 = arith.cmpi sge, %squeeze3A_526, %ge3A_542 : i32
      %lt3A_544 = arith.constant 41 : i32
      %lt3A_545 = arith.cmpi slt, %squeeze3A_526, %lt3A_544 : i32
      %and3A_546 = arith.andi %ge3A_543, %lt3A_545 : i1
      %and3A_547 = arith.andi %and3A_546, %and3A_536 : i1
      %convert_element_type3A_548 = arith.extui %and3A_541 : i1 to i32
      %cond3A_549 = arith.constant 0 : i32
      %cond3A_550 = arith.cmpi ne, %convert_element_type3A_548, %cond3A_549 : i32
      scf.if %cond3A_550 {
        %add3A_747 = arith.addi %mul3A_22, %add3A_530 : i32
        %dma_start3A_748 = arith.constant 0 : i32
        %dma_start3A_749 = arith.constant 0 : i32
        %dma_start3A_750 = tpu.memref_slice %arg6[%sub3A_533, %dma_start3A_748, %dma_start3A_749] : memref<8x16x768xf32, #tpu.memory_space<vmem>> -> memref<1x16x768xf32, #tpu.memory_space<vmem>>
        %dma_start3A_751 = tpu.memref_squeeze %dma_start3A_750 : memref<1x16x768xf32, #tpu.memory_space<vmem>> -> memref<16x768xf32, #tpu.memory_space<vmem>>
        %dma_start3A_752 = arith.constant 0 : i32
        %dma_start3A_753 = arith.constant 0 : i32
        %dma_start3A_754 = tpu.memref_slice %arg4[%add3A_747, %dma_start3A_752, %dma_start3A_753] : memref<3136x16x768xf32, #tpu.memory_space<hbm>> -> memref<1x16x768xf32, #tpu.memory_space<hbm>>
        %dma_start3A_755 = tpu.memref_squeeze %dma_start3A_754 : memref<1x16x768xf32, #tpu.memory_space<hbm>> -> memref<16x768xf32, #tpu.memory_space<hbm>>
        %dma_start3A_756 = arith.constant 0 : i32
        %dma_start3A_757 = arith.constant 0 : i32
        %dma_start3A_758 = tpu.memref_slice %arg4[%add3A_747, %dma_start3A_756, %dma_start3A_757] : memref<3136x16x768xf32, #tpu.memory_space<hbm>> -> memref<1x16x768xf32, #tpu.memory_space<hbm>>
        %dma_start3A_759 = tpu.memref_squeeze %dma_start3A_758 : memref<1x16x768xf32, #tpu.memory_space<hbm>> -> memref<16x768xf32, #tpu.memory_space<hbm>>
        %dma_start3A_760 = arith.constant 0 : i32
        %dma_start3A_761 = arith.constant 0 : i32
        %dma_start3A_762 = tpu.memref_slice %arg6[%sub3A_533, %dma_start3A_760, %dma_start3A_761] : memref<8x16x768xf32, #tpu.memory_space<vmem>> -> memref<1x16x768xf32, #tpu.memory_space<vmem>>
        %dma_start3A_763 = tpu.memref_squeeze %dma_start3A_762 : memref<1x16x768xf32, #tpu.memory_space<vmem>> -> memref<16x768xf32, #tpu.memory_space<vmem>>
        tpu.enqueue_dma source(%dma_start3A_763 : memref<16x768xf32, #tpu.memory_space<vmem>>) target(%dma_start3A_759 : memref<16x768xf32, #tpu.memory_space<hbm>>) target_semaphore(%arg10 : memref<!tpu.dma_semaphore, #tpu.memory_space<semaphore_mem>>)
      } else {
      }
      %convert_element_type3A_551 = arith.extui %and3A_547 : i1 to i32
      %cond3A_552 = arith.constant 0 : i32
      %cond3A_553 = arith.cmpi ne, %convert_element_type3A_551, %cond3A_552 : i32
      scf.if %cond3A_553 {
        %sub3A_747 = arith.constant 32 : i32
        %sub3A_748 = arith.subi %squeeze3A_526, %sub3A_747 : i32
        %add3A_749 = arith.addi %mul3A_22, %add3A_530 : i32
        %dma_start3A_750 = arith.constant 0 : i32
        %dma_start3A_751 = arith.constant 0 : i32
        %dma_start3A_752 = tpu.memref_slice %arg4[%add3A_749, %dma_start3A_750, %dma_start3A_751] : memref<3136x16x768xf32, #tpu.memory_space<hbm>> -> memref<1x16x768xf32, #tpu.memory_space<hbm>>
        %dma_start3A_753 = tpu.memref_squeeze %dma_start3A_752 : memref<1x16x768xf32, #tpu.memory_space<hbm>> -> memref<16x768xf32, #tpu.memory_space<hbm>>
        %dma_start3A_754 = arith.constant 0 : i32
        %dma_start3A_755 = arith.constant 0 : i32
        %dma_start3A_756 = tpu.memref_slice %arg7[%rem3A_20, %sub3A_748, %dma_start3A_754, %dma_start3A_755] : memref<4x9x16x768xf32, #tpu.memory_space<vmem_shared>> -> memref<1x1x16x768xf32, #tpu.memory_space<vmem_shared>>
        %dma_start3A_757 = tpu.memref_squeeze %dma_start3A_756 : memref<1x1x16x768xf32, #tpu.memory_space<vmem_shared>> -> memref<16x768xf32, #tpu.memory_space<vmem_shared>>
        tpu.enqueue_dma source(%dma_start3A_757 : memref<16x768xf32, #tpu.memory_space<vmem_shared>>) target(%dma_start3A_753 : memref<16x768xf32, #tpu.memory_space<hbm>>) target_semaphore(%arg11 : memref<!tpu.dma_semaphore, #tpu.memory_space<semaphore_mem>>)
      } else {
      }
      %jit3A_554 = arith.constant 1 : i32
      %jit3A_555 = arith.constant 0 : i32
      %select_n3A_556 = arith.select %and3A_541, %jit3A_554, %jit3A_555 : i32
      %add3A_557 = arith.addi %add3A_520, %select_n3A_556 : i32
      %jit3A_558 = arith.constant 1 : i32
      %jit3A_559 = arith.constant 0 : i32
      %select_n3A_560 = arith.select %and3A_547, %jit3A_558, %jit3A_559 : i32
      %add3A_561 = arith.addi %add3A_524, %select_n3A_560 : i32
      %slice3A_562 = vector.extract_strided_slice %get3A_157 {offsets = [11], sizes = [1], strides = [1]} : vector<16xi32> to vector<1xi32>
      %squeeze3A_563 = vector.extract %slice3A_562[0] : i32 from vector<1xi32>
      %mul3A_564 = arith.constant 16 : i32
      %mul3A_565 = arith.muli %scan3A_150, %mul3A_564 : i32
      %add3A_566 = arith.constant 11 : i32
      %add3A_567 = arith.addi %mul3A_565, %add3A_566 : i32
      %mul3A_568 = arith.constant 8 : i32
      %mul3A_569 = arith.muli %mul3A_568, %rem3A_18 : i32
      %sub3A_570 = arith.subi %squeeze3A_563, %mul3A_569 : i32
      %ge3A_571 = arith.cmpi sge, %scan3A_150, %select_n3A_31 : i32
      %lt3A_572 = arith.cmpi slt, %scan3A_150, %add3A_37 : i32
      %and3A_573 = arith.andi %ge3A_571, %lt3A_572 : i1
      %ge3A_574 = arith.constant 0 : i32
      %ge3A_575 = arith.cmpi sge, %sub3A_570, %ge3A_574 : i32
      %lt3A_576 = arith.constant 8 : i32
      %lt3A_577 = arith.cmpi slt, %sub3A_570, %lt3A_576 : i32
      %and3A_578 = arith.andi %ge3A_575, %lt3A_577 : i1
      %ge3A_579 = arith.constant 32 : i32
      %ge3A_580 = arith.cmpi sge, %squeeze3A_563, %ge3A_579 : i32
      %lt3A_581 = arith.constant 41 : i32
      %lt3A_582 = arith.cmpi slt, %squeeze3A_563, %lt3A_581 : i32
      %and3A_583 = arith.andi %ge3A_580, %lt3A_582 : i1
      %and3A_584 = arith.andi %and3A_583, %and3A_573 : i1
      %convert_element_type3A_585 = arith.extui %and3A_578 : i1 to i32
      %cond3A_586 = arith.constant 0 : i32
      %cond3A_587 = arith.cmpi ne, %convert_element_type3A_585, %cond3A_586 : i32
      scf.if %cond3A_587 {
        %add3A_747 = arith.addi %mul3A_22, %add3A_567 : i32
        %dma_start3A_748 = arith.constant 0 : i32
        %dma_start3A_749 = arith.constant 0 : i32
        %dma_start3A_750 = tpu.memref_slice %arg6[%sub3A_570, %dma_start3A_748, %dma_start3A_749] : memref<8x16x768xf32, #tpu.memory_space<vmem>> -> memref<1x16x768xf32, #tpu.memory_space<vmem>>
        %dma_start3A_751 = tpu.memref_squeeze %dma_start3A_750 : memref<1x16x768xf32, #tpu.memory_space<vmem>> -> memref<16x768xf32, #tpu.memory_space<vmem>>
        %dma_start3A_752 = arith.constant 0 : i32
        %dma_start3A_753 = arith.constant 0 : i32
        %dma_start3A_754 = tpu.memref_slice %arg4[%add3A_747, %dma_start3A_752, %dma_start3A_753] : memref<3136x16x768xf32, #tpu.memory_space<hbm>> -> memref<1x16x768xf32, #tpu.memory_space<hbm>>
        %dma_start3A_755 = tpu.memref_squeeze %dma_start3A_754 : memref<1x16x768xf32, #tpu.memory_space<hbm>> -> memref<16x768xf32, #tpu.memory_space<hbm>>
        %dma_start3A_756 = arith.constant 0 : i32
        %dma_start3A_757 = arith.constant 0 : i32
        %dma_start3A_758 = tpu.memref_slice %arg4[%add3A_747, %dma_start3A_756, %dma_start3A_757] : memref<3136x16x768xf32, #tpu.memory_space<hbm>> -> memref<1x16x768xf32, #tpu.memory_space<hbm>>
        %dma_start3A_759 = tpu.memref_squeeze %dma_start3A_758 : memref<1x16x768xf32, #tpu.memory_space<hbm>> -> memref<16x768xf32, #tpu.memory_space<hbm>>
        %dma_start3A_760 = arith.constant 0 : i32
        %dma_start3A_761 = arith.constant 0 : i32
        %dma_start3A_762 = tpu.memref_slice %arg6[%sub3A_570, %dma_start3A_760, %dma_start3A_761] : memref<8x16x768xf32, #tpu.memory_space<vmem>> -> memref<1x16x768xf32, #tpu.memory_space<vmem>>
        %dma_start3A_763 = tpu.memref_squeeze %dma_start3A_762 : memref<1x16x768xf32, #tpu.memory_space<vmem>> -> memref<16x768xf32, #tpu.memory_space<vmem>>
        tpu.enqueue_dma source(%dma_start3A_763 : memref<16x768xf32, #tpu.memory_space<vmem>>) target(%dma_start3A_759 : memref<16x768xf32, #tpu.memory_space<hbm>>) target_semaphore(%arg10 : memref<!tpu.dma_semaphore, #tpu.memory_space<semaphore_mem>>)
      } else {
      }
      %convert_element_type3A_588 = arith.extui %and3A_584 : i1 to i32
      %cond3A_589 = arith.constant 0 : i32
      %cond3A_590 = arith.cmpi ne, %convert_element_type3A_588, %cond3A_589 : i32
      scf.if %cond3A_590 {
        %sub3A_747 = arith.constant 32 : i32
        %sub3A_748 = arith.subi %squeeze3A_563, %sub3A_747 : i32
        %add3A_749 = arith.addi %mul3A_22, %add3A_567 : i32
        %dma_start3A_750 = arith.constant 0 : i32
        %dma_start3A_751 = arith.constant 0 : i32
        %dma_start3A_752 = tpu.memref_slice %arg4[%add3A_749, %dma_start3A_750, %dma_start3A_751] : memref<3136x16x768xf32, #tpu.memory_space<hbm>> -> memref<1x16x768xf32, #tpu.memory_space<hbm>>
        %dma_start3A_753 = tpu.memref_squeeze %dma_start3A_752 : memref<1x16x768xf32, #tpu.memory_space<hbm>> -> memref<16x768xf32, #tpu.memory_space<hbm>>
        %dma_start3A_754 = arith.constant 0 : i32
        %dma_start3A_755 = arith.constant 0 : i32
        %dma_start3A_756 = tpu.memref_slice %arg7[%rem3A_20, %sub3A_748, %dma_start3A_754, %dma_start3A_755] : memref<4x9x16x768xf32, #tpu.memory_space<vmem_shared>> -> memref<1x1x16x768xf32, #tpu.memory_space<vmem_shared>>
        %dma_start3A_757 = tpu.memref_squeeze %dma_start3A_756 : memref<1x1x16x768xf32, #tpu.memory_space<vmem_shared>> -> memref<16x768xf32, #tpu.memory_space<vmem_shared>>
        tpu.enqueue_dma source(%dma_start3A_757 : memref<16x768xf32, #tpu.memory_space<vmem_shared>>) target(%dma_start3A_753 : memref<16x768xf32, #tpu.memory_space<hbm>>) target_semaphore(%arg11 : memref<!tpu.dma_semaphore, #tpu.memory_space<semaphore_mem>>)
      } else {
      }
      %jit3A_591 = arith.constant 1 : i32
      %jit3A_592 = arith.constant 0 : i32
      %select_n3A_593 = arith.select %and3A_578, %jit3A_591, %jit3A_592 : i32
      %add3A_594 = arith.addi %add3A_557, %select_n3A_593 : i32
      %jit3A_595 = arith.constant 1 : i32
      %jit3A_596 = arith.constant 0 : i32
      %select_n3A_597 = arith.select %and3A_584, %jit3A_595, %jit3A_596 : i32
      %add3A_598 = arith.addi %add3A_561, %select_n3A_597 : i32
      %slice3A_599 = vector.extract_strided_slice %get3A_157 {offsets = [12], sizes = [1], strides = [1]} : vector<16xi32> to vector<1xi32>
      %squeeze3A_600 = vector.extract %slice3A_599[0] : i32 from vector<1xi32>
      %mul3A_601 = arith.constant 16 : i32
      %mul3A_602 = arith.muli %scan3A_150, %mul3A_601 : i32
      %add3A_603 = arith.constant 12 : i32
      %add3A_604 = arith.addi %mul3A_602, %add3A_603 : i32
      %mul3A_605 = arith.constant 8 : i32
      %mul3A_606 = arith.muli %mul3A_605, %rem3A_18 : i32
      %sub3A_607 = arith.subi %squeeze3A_600, %mul3A_606 : i32
      %ge3A_608 = arith.cmpi sge, %scan3A_150, %select_n3A_31 : i32
      %lt3A_609 = arith.cmpi slt, %scan3A_150, %add3A_37 : i32
      %and3A_610 = arith.andi %ge3A_608, %lt3A_609 : i1
      %ge3A_611 = arith.constant 0 : i32
      %ge3A_612 = arith.cmpi sge, %sub3A_607, %ge3A_611 : i32
      %lt3A_613 = arith.constant 8 : i32
      %lt3A_614 = arith.cmpi slt, %sub3A_607, %lt3A_613 : i32
      %and3A_615 = arith.andi %ge3A_612, %lt3A_614 : i1
      %ge3A_616 = arith.constant 32 : i32
      %ge3A_617 = arith.cmpi sge, %squeeze3A_600, %ge3A_616 : i32
      %lt3A_618 = arith.constant 41 : i32
      %lt3A_619 = arith.cmpi slt, %squeeze3A_600, %lt3A_618 : i32
      %and3A_620 = arith.andi %ge3A_617, %lt3A_619 : i1
      %and3A_621 = arith.andi %and3A_620, %and3A_610 : i1
      %convert_element_type3A_622 = arith.extui %and3A_615 : i1 to i32
      %cond3A_623 = arith.constant 0 : i32
      %cond3A_624 = arith.cmpi ne, %convert_element_type3A_622, %cond3A_623 : i32
      scf.if %cond3A_624 {
        %add3A_747 = arith.addi %mul3A_22, %add3A_604 : i32
        %dma_start3A_748 = arith.constant 0 : i32
        %dma_start3A_749 = arith.constant 0 : i32
        %dma_start3A_750 = tpu.memref_slice %arg6[%sub3A_607, %dma_start3A_748, %dma_start3A_749] : memref<8x16x768xf32, #tpu.memory_space<vmem>> -> memref<1x16x768xf32, #tpu.memory_space<vmem>>
        %dma_start3A_751 = tpu.memref_squeeze %dma_start3A_750 : memref<1x16x768xf32, #tpu.memory_space<vmem>> -> memref<16x768xf32, #tpu.memory_space<vmem>>
        %dma_start3A_752 = arith.constant 0 : i32
        %dma_start3A_753 = arith.constant 0 : i32
        %dma_start3A_754 = tpu.memref_slice %arg4[%add3A_747, %dma_start3A_752, %dma_start3A_753] : memref<3136x16x768xf32, #tpu.memory_space<hbm>> -> memref<1x16x768xf32, #tpu.memory_space<hbm>>
        %dma_start3A_755 = tpu.memref_squeeze %dma_start3A_754 : memref<1x16x768xf32, #tpu.memory_space<hbm>> -> memref<16x768xf32, #tpu.memory_space<hbm>>
        %dma_start3A_756 = arith.constant 0 : i32
        %dma_start3A_757 = arith.constant 0 : i32
        %dma_start3A_758 = tpu.memref_slice %arg4[%add3A_747, %dma_start3A_756, %dma_start3A_757] : memref<3136x16x768xf32, #tpu.memory_space<hbm>> -> memref<1x16x768xf32, #tpu.memory_space<hbm>>
        %dma_start3A_759 = tpu.memref_squeeze %dma_start3A_758 : memref<1x16x768xf32, #tpu.memory_space<hbm>> -> memref<16x768xf32, #tpu.memory_space<hbm>>
        %dma_start3A_760 = arith.constant 0 : i32
        %dma_start3A_761 = arith.constant 0 : i32
        %dma_start3A_762 = tpu.memref_slice %arg6[%sub3A_607, %dma_start3A_760, %dma_start3A_761] : memref<8x16x768xf32, #tpu.memory_space<vmem>> -> memref<1x16x768xf32, #tpu.memory_space<vmem>>
        %dma_start3A_763 = tpu.memref_squeeze %dma_start3A_762 : memref<1x16x768xf32, #tpu.memory_space<vmem>> -> memref<16x768xf32, #tpu.memory_space<vmem>>
        tpu.enqueue_dma source(%dma_start3A_763 : memref<16x768xf32, #tpu.memory_space<vmem>>) target(%dma_start3A_759 : memref<16x768xf32, #tpu.memory_space<hbm>>) target_semaphore(%arg10 : memref<!tpu.dma_semaphore, #tpu.memory_space<semaphore_mem>>)
      } else {
      }
      %convert_element_type3A_625 = arith.extui %and3A_621 : i1 to i32
      %cond3A_626 = arith.constant 0 : i32
      %cond3A_627 = arith.cmpi ne, %convert_element_type3A_625, %cond3A_626 : i32
      scf.if %cond3A_627 {
        %sub3A_747 = arith.constant 32 : i32
        %sub3A_748 = arith.subi %squeeze3A_600, %sub3A_747 : i32
        %add3A_749 = arith.addi %mul3A_22, %add3A_604 : i32
        %dma_start3A_750 = arith.constant 0 : i32
        %dma_start3A_751 = arith.constant 0 : i32
        %dma_start3A_752 = tpu.memref_slice %arg4[%add3A_749, %dma_start3A_750, %dma_start3A_751] : memref<3136x16x768xf32, #tpu.memory_space<hbm>> -> memref<1x16x768xf32, #tpu.memory_space<hbm>>
        %dma_start3A_753 = tpu.memref_squeeze %dma_start3A_752 : memref<1x16x768xf32, #tpu.memory_space<hbm>> -> memref<16x768xf32, #tpu.memory_space<hbm>>
        %dma_start3A_754 = arith.constant 0 : i32
        %dma_start3A_755 = arith.constant 0 : i32
        %dma_start3A_756 = tpu.memref_slice %arg7[%rem3A_20, %sub3A_748, %dma_start3A_754, %dma_start3A_755] : memref<4x9x16x768xf32, #tpu.memory_space<vmem_shared>> -> memref<1x1x16x768xf32, #tpu.memory_space<vmem_shared>>
        %dma_start3A_757 = tpu.memref_squeeze %dma_start3A_756 : memref<1x1x16x768xf32, #tpu.memory_space<vmem_shared>> -> memref<16x768xf32, #tpu.memory_space<vmem_shared>>
        tpu.enqueue_dma source(%dma_start3A_757 : memref<16x768xf32, #tpu.memory_space<vmem_shared>>) target(%dma_start3A_753 : memref<16x768xf32, #tpu.memory_space<hbm>>) target_semaphore(%arg11 : memref<!tpu.dma_semaphore, #tpu.memory_space<semaphore_mem>>)
      } else {
      }
      %jit3A_628 = arith.constant 1 : i32
      %jit3A_629 = arith.constant 0 : i32
      %select_n3A_630 = arith.select %and3A_615, %jit3A_628, %jit3A_629 : i32
      %add3A_631 = arith.addi %add3A_594, %select_n3A_630 : i32
      %jit3A_632 = arith.constant 1 : i32
      %jit3A_633 = arith.constant 0 : i32
      %select_n3A_634 = arith.select %and3A_621, %jit3A_632, %jit3A_633 : i32
      %add3A_635 = arith.addi %add3A_598, %select_n3A_634 : i32
      %slice3A_636 = vector.extract_strided_slice %get3A_157 {offsets = [13], sizes = [1], strides = [1]} : vector<16xi32> to vector<1xi32>
      %squeeze3A_637 = vector.extract %slice3A_636[0] : i32 from vector<1xi32>
      %mul3A_638 = arith.constant 16 : i32
      %mul3A_639 = arith.muli %scan3A_150, %mul3A_638 : i32
      %add3A_640 = arith.constant 13 : i32
      %add3A_641 = arith.addi %mul3A_639, %add3A_640 : i32
      %mul3A_642 = arith.constant 8 : i32
      %mul3A_643 = arith.muli %mul3A_642, %rem3A_18 : i32
      %sub3A_644 = arith.subi %squeeze3A_637, %mul3A_643 : i32
      %ge3A_645 = arith.cmpi sge, %scan3A_150, %select_n3A_31 : i32
      %lt3A_646 = arith.cmpi slt, %scan3A_150, %add3A_37 : i32
      %and3A_647 = arith.andi %ge3A_645, %lt3A_646 : i1
      %ge3A_648 = arith.constant 0 : i32
      %ge3A_649 = arith.cmpi sge, %sub3A_644, %ge3A_648 : i32
      %lt3A_650 = arith.constant 8 : i32
      %lt3A_651 = arith.cmpi slt, %sub3A_644, %lt3A_650 : i32
      %and3A_652 = arith.andi %ge3A_649, %lt3A_651 : i1
      %ge3A_653 = arith.constant 32 : i32
      %ge3A_654 = arith.cmpi sge, %squeeze3A_637, %ge3A_653 : i32
      %lt3A_655 = arith.constant 41 : i32
      %lt3A_656 = arith.cmpi slt, %squeeze3A_637, %lt3A_655 : i32
      %and3A_657 = arith.andi %ge3A_654, %lt3A_656 : i1
      %and3A_658 = arith.andi %and3A_657, %and3A_647 : i1
      %convert_element_type3A_659 = arith.extui %and3A_652 : i1 to i32
      %cond3A_660 = arith.constant 0 : i32
      %cond3A_661 = arith.cmpi ne, %convert_element_type3A_659, %cond3A_660 : i32
      scf.if %cond3A_661 {
        %add3A_747 = arith.addi %mul3A_22, %add3A_641 : i32
        %dma_start3A_748 = arith.constant 0 : i32
        %dma_start3A_749 = arith.constant 0 : i32
        %dma_start3A_750 = tpu.memref_slice %arg6[%sub3A_644, %dma_start3A_748, %dma_start3A_749] : memref<8x16x768xf32, #tpu.memory_space<vmem>> -> memref<1x16x768xf32, #tpu.memory_space<vmem>>
        %dma_start3A_751 = tpu.memref_squeeze %dma_start3A_750 : memref<1x16x768xf32, #tpu.memory_space<vmem>> -> memref<16x768xf32, #tpu.memory_space<vmem>>
        %dma_start3A_752 = arith.constant 0 : i32
        %dma_start3A_753 = arith.constant 0 : i32
        %dma_start3A_754 = tpu.memref_slice %arg4[%add3A_747, %dma_start3A_752, %dma_start3A_753] : memref<3136x16x768xf32, #tpu.memory_space<hbm>> -> memref<1x16x768xf32, #tpu.memory_space<hbm>>
        %dma_start3A_755 = tpu.memref_squeeze %dma_start3A_754 : memref<1x16x768xf32, #tpu.memory_space<hbm>> -> memref<16x768xf32, #tpu.memory_space<hbm>>
        %dma_start3A_756 = arith.constant 0 : i32
        %dma_start3A_757 = arith.constant 0 : i32
        %dma_start3A_758 = tpu.memref_slice %arg4[%add3A_747, %dma_start3A_756, %dma_start3A_757] : memref<3136x16x768xf32, #tpu.memory_space<hbm>> -> memref<1x16x768xf32, #tpu.memory_space<hbm>>
        %dma_start3A_759 = tpu.memref_squeeze %dma_start3A_758 : memref<1x16x768xf32, #tpu.memory_space<hbm>> -> memref<16x768xf32, #tpu.memory_space<hbm>>
        %dma_start3A_760 = arith.constant 0 : i32
        %dma_start3A_761 = arith.constant 0 : i32
        %dma_start3A_762 = tpu.memref_slice %arg6[%sub3A_644, %dma_start3A_760, %dma_start3A_761] : memref<8x16x768xf32, #tpu.memory_space<vmem>> -> memref<1x16x768xf32, #tpu.memory_space<vmem>>
        %dma_start3A_763 = tpu.memref_squeeze %dma_start3A_762 : memref<1x16x768xf32, #tpu.memory_space<vmem>> -> memref<16x768xf32, #tpu.memory_space<vmem>>
        tpu.enqueue_dma source(%dma_start3A_763 : memref<16x768xf32, #tpu.memory_space<vmem>>) target(%dma_start3A_759 : memref<16x768xf32, #tpu.memory_space<hbm>>) target_semaphore(%arg10 : memref<!tpu.dma_semaphore, #tpu.memory_space<semaphore_mem>>)
      } else {
      }
      %convert_element_type3A_662 = arith.extui %and3A_658 : i1 to i32
      %cond3A_663 = arith.constant 0 : i32
      %cond3A_664 = arith.cmpi ne, %convert_element_type3A_662, %cond3A_663 : i32
      scf.if %cond3A_664 {
        %sub3A_747 = arith.constant 32 : i32
        %sub3A_748 = arith.subi %squeeze3A_637, %sub3A_747 : i32
        %add3A_749 = arith.addi %mul3A_22, %add3A_641 : i32
        %dma_start3A_750 = arith.constant 0 : i32
        %dma_start3A_751 = arith.constant 0 : i32
        %dma_start3A_752 = tpu.memref_slice %arg4[%add3A_749, %dma_start3A_750, %dma_start3A_751] : memref<3136x16x768xf32, #tpu.memory_space<hbm>> -> memref<1x16x768xf32, #tpu.memory_space<hbm>>
        %dma_start3A_753 = tpu.memref_squeeze %dma_start3A_752 : memref<1x16x768xf32, #tpu.memory_space<hbm>> -> memref<16x768xf32, #tpu.memory_space<hbm>>
        %dma_start3A_754 = arith.constant 0 : i32
        %dma_start3A_755 = arith.constant 0 : i32
        %dma_start3A_756 = tpu.memref_slice %arg7[%rem3A_20, %sub3A_748, %dma_start3A_754, %dma_start3A_755] : memref<4x9x16x768xf32, #tpu.memory_space<vmem_shared>> -> memref<1x1x16x768xf32, #tpu.memory_space<vmem_shared>>
        %dma_start3A_757 = tpu.memref_squeeze %dma_start3A_756 : memref<1x1x16x768xf32, #tpu.memory_space<vmem_shared>> -> memref<16x768xf32, #tpu.memory_space<vmem_shared>>
        tpu.enqueue_dma source(%dma_start3A_757 : memref<16x768xf32, #tpu.memory_space<vmem_shared>>) target(%dma_start3A_753 : memref<16x768xf32, #tpu.memory_space<hbm>>) target_semaphore(%arg11 : memref<!tpu.dma_semaphore, #tpu.memory_space<semaphore_mem>>)
      } else {
      }
      %jit3A_665 = arith.constant 1 : i32
      %jit3A_666 = arith.constant 0 : i32
      %select_n3A_667 = arith.select %and3A_652, %jit3A_665, %jit3A_666 : i32
      %add3A_668 = arith.addi %add3A_631, %select_n3A_667 : i32
      %jit3A_669 = arith.constant 1 : i32
      %jit3A_670 = arith.constant 0 : i32
      %select_n3A_671 = arith.select %and3A_658, %jit3A_669, %jit3A_670 : i32
      %add3A_672 = arith.addi %add3A_635, %select_n3A_671 : i32
      %slice3A_673 = vector.extract_strided_slice %get3A_157 {offsets = [14], sizes = [1], strides = [1]} : vector<16xi32> to vector<1xi32>
      %squeeze3A_674 = vector.extract %slice3A_673[0] : i32 from vector<1xi32>
      %mul3A_675 = arith.constant 16 : i32
      %mul3A_676 = arith.muli %scan3A_150, %mul3A_675 : i32
      %add3A_677 = arith.constant 14 : i32
      %add3A_678 = arith.addi %mul3A_676, %add3A_677 : i32
      %mul3A_679 = arith.constant 8 : i32
      %mul3A_680 = arith.muli %mul3A_679, %rem3A_18 : i32
      %sub3A_681 = arith.subi %squeeze3A_674, %mul3A_680 : i32
      %ge3A_682 = arith.cmpi sge, %scan3A_150, %select_n3A_31 : i32
      %lt3A_683 = arith.cmpi slt, %scan3A_150, %add3A_37 : i32
      %and3A_684 = arith.andi %ge3A_682, %lt3A_683 : i1
      %ge3A_685 = arith.constant 0 : i32
      %ge3A_686 = arith.cmpi sge, %sub3A_681, %ge3A_685 : i32
      %lt3A_687 = arith.constant 8 : i32
      %lt3A_688 = arith.cmpi slt, %sub3A_681, %lt3A_687 : i32
      %and3A_689 = arith.andi %ge3A_686, %lt3A_688 : i1
      %ge3A_690 = arith.constant 32 : i32
      %ge3A_691 = arith.cmpi sge, %squeeze3A_674, %ge3A_690 : i32
      %lt3A_692 = arith.constant 41 : i32
      %lt3A_693 = arith.cmpi slt, %squeeze3A_674, %lt3A_692 : i32
      %and3A_694 = arith.andi %ge3A_691, %lt3A_693 : i1
      %and3A_695 = arith.andi %and3A_694, %and3A_684 : i1
      %convert_element_type3A_696 = arith.extui %and3A_689 : i1 to i32
      %cond3A_697 = arith.constant 0 : i32
      %cond3A_698 = arith.cmpi ne, %convert_element_type3A_696, %cond3A_697 : i32
      scf.if %cond3A_698 {
        %add3A_747 = arith.addi %mul3A_22, %add3A_678 : i32
        %dma_start3A_748 = arith.constant 0 : i32
        %dma_start3A_749 = arith.constant 0 : i32
        %dma_start3A_750 = tpu.memref_slice %arg6[%sub3A_681, %dma_start3A_748, %dma_start3A_749] : memref<8x16x768xf32, #tpu.memory_space<vmem>> -> memref<1x16x768xf32, #tpu.memory_space<vmem>>
        %dma_start3A_751 = tpu.memref_squeeze %dma_start3A_750 : memref<1x16x768xf32, #tpu.memory_space<vmem>> -> memref<16x768xf32, #tpu.memory_space<vmem>>
        %dma_start3A_752 = arith.constant 0 : i32
        %dma_start3A_753 = arith.constant 0 : i32
        %dma_start3A_754 = tpu.memref_slice %arg4[%add3A_747, %dma_start3A_752, %dma_start3A_753] : memref<3136x16x768xf32, #tpu.memory_space<hbm>> -> memref<1x16x768xf32, #tpu.memory_space<hbm>>
        %dma_start3A_755 = tpu.memref_squeeze %dma_start3A_754 : memref<1x16x768xf32, #tpu.memory_space<hbm>> -> memref<16x768xf32, #tpu.memory_space<hbm>>
        %dma_start3A_756 = arith.constant 0 : i32
        %dma_start3A_757 = arith.constant 0 : i32
        %dma_start3A_758 = tpu.memref_slice %arg4[%add3A_747, %dma_start3A_756, %dma_start3A_757] : memref<3136x16x768xf32, #tpu.memory_space<hbm>> -> memref<1x16x768xf32, #tpu.memory_space<hbm>>
        %dma_start3A_759 = tpu.memref_squeeze %dma_start3A_758 : memref<1x16x768xf32, #tpu.memory_space<hbm>> -> memref<16x768xf32, #tpu.memory_space<hbm>>
        %dma_start3A_760 = arith.constant 0 : i32
        %dma_start3A_761 = arith.constant 0 : i32
        %dma_start3A_762 = tpu.memref_slice %arg6[%sub3A_681, %dma_start3A_760, %dma_start3A_761] : memref<8x16x768xf32, #tpu.memory_space<vmem>> -> memref<1x16x768xf32, #tpu.memory_space<vmem>>
        %dma_start3A_763 = tpu.memref_squeeze %dma_start3A_762 : memref<1x16x768xf32, #tpu.memory_space<vmem>> -> memref<16x768xf32, #tpu.memory_space<vmem>>
        tpu.enqueue_dma source(%dma_start3A_763 : memref<16x768xf32, #tpu.memory_space<vmem>>) target(%dma_start3A_759 : memref<16x768xf32, #tpu.memory_space<hbm>>) target_semaphore(%arg10 : memref<!tpu.dma_semaphore, #tpu.memory_space<semaphore_mem>>)
      } else {
      }
      %convert_element_type3A_699 = arith.extui %and3A_695 : i1 to i32
      %cond3A_700 = arith.constant 0 : i32
      %cond3A_701 = arith.cmpi ne, %convert_element_type3A_699, %cond3A_700 : i32
      scf.if %cond3A_701 {
        %sub3A_747 = arith.constant 32 : i32
        %sub3A_748 = arith.subi %squeeze3A_674, %sub3A_747 : i32
        %add3A_749 = arith.addi %mul3A_22, %add3A_678 : i32
        %dma_start3A_750 = arith.constant 0 : i32
        %dma_start3A_751 = arith.constant 0 : i32
        %dma_start3A_752 = tpu.memref_slice %arg4[%add3A_749, %dma_start3A_750, %dma_start3A_751] : memref<3136x16x768xf32, #tpu.memory_space<hbm>> -> memref<1x16x768xf32, #tpu.memory_space<hbm>>
        %dma_start3A_753 = tpu.memref_squeeze %dma_start3A_752 : memref<1x16x768xf32, #tpu.memory_space<hbm>> -> memref<16x768xf32, #tpu.memory_space<hbm>>
        %dma_start3A_754 = arith.constant 0 : i32
        %dma_start3A_755 = arith.constant 0 : i32
        %dma_start3A_756 = tpu.memref_slice %arg7[%rem3A_20, %sub3A_748, %dma_start3A_754, %dma_start3A_755] : memref<4x9x16x768xf32, #tpu.memory_space<vmem_shared>> -> memref<1x1x16x768xf32, #tpu.memory_space<vmem_shared>>
        %dma_start3A_757 = tpu.memref_squeeze %dma_start3A_756 : memref<1x1x16x768xf32, #tpu.memory_space<vmem_shared>> -> memref<16x768xf32, #tpu.memory_space<vmem_shared>>
        tpu.enqueue_dma source(%dma_start3A_757 : memref<16x768xf32, #tpu.memory_space<vmem_shared>>) target(%dma_start3A_753 : memref<16x768xf32, #tpu.memory_space<hbm>>) target_semaphore(%arg11 : memref<!tpu.dma_semaphore, #tpu.memory_space<semaphore_mem>>)
      } else {
      }
      %jit3A_702 = arith.constant 1 : i32
      %jit3A_703 = arith.constant 0 : i32
      %select_n3A_704 = arith.select %and3A_689, %jit3A_702, %jit3A_703 : i32
      %add3A_705 = arith.addi %add3A_668, %select_n3A_704 : i32
      %jit3A_706 = arith.constant 1 : i32
      %jit3A_707 = arith.constant 0 : i32
      %select_n3A_708 = arith.select %and3A_695, %jit3A_706, %jit3A_707 : i32
      %add3A_709 = arith.addi %add3A_672, %select_n3A_708 : i32
      %slice3A_710 = vector.extract_strided_slice %get3A_157 {offsets = [15], sizes = [1], strides = [1]} : vector<16xi32> to vector<1xi32>
      %squeeze3A_711 = vector.extract %slice3A_710[0] : i32 from vector<1xi32>
      %mul3A_712 = arith.constant 16 : i32
      %mul3A_713 = arith.muli %scan3A_150, %mul3A_712 : i32
      %add3A_714 = arith.constant 15 : i32
      %add3A_715 = arith.addi %mul3A_713, %add3A_714 : i32
      %mul3A_716 = arith.constant 8 : i32
      %mul3A_717 = arith.muli %mul3A_716, %rem3A_18 : i32
      %sub3A_718 = arith.subi %squeeze3A_711, %mul3A_717 : i32
      %ge3A_719 = arith.cmpi sge, %scan3A_150, %select_n3A_31 : i32
      %lt3A_720 = arith.cmpi slt, %scan3A_150, %add3A_37 : i32
      %and3A_721 = arith.andi %ge3A_719, %lt3A_720 : i1
      %ge3A_722 = arith.constant 0 : i32
      %ge3A_723 = arith.cmpi sge, %sub3A_718, %ge3A_722 : i32
      %lt3A_724 = arith.constant 8 : i32
      %lt3A_725 = arith.cmpi slt, %sub3A_718, %lt3A_724 : i32
      %and3A_726 = arith.andi %ge3A_723, %lt3A_725 : i1
      %ge3A_727 = arith.constant 32 : i32
      %ge3A_728 = arith.cmpi sge, %squeeze3A_711, %ge3A_727 : i32
      %lt3A_729 = arith.constant 41 : i32
      %lt3A_730 = arith.cmpi slt, %squeeze3A_711, %lt3A_729 : i32
      %and3A_731 = arith.andi %ge3A_728, %lt3A_730 : i1
      %and3A_732 = arith.andi %and3A_731, %and3A_721 : i1
      %convert_element_type3A_733 = arith.extui %and3A_726 : i1 to i32
      %cond3A_734 = arith.constant 0 : i32
      %cond3A_735 = arith.cmpi ne, %convert_element_type3A_733, %cond3A_734 : i32
      scf.if %cond3A_735 {
        %add3A_747 = arith.addi %mul3A_22, %add3A_715 : i32
        %dma_start3A_748 = arith.constant 0 : i32
        %dma_start3A_749 = arith.constant 0 : i32
        %dma_start3A_750 = tpu.memref_slice %arg6[%sub3A_718, %dma_start3A_748, %dma_start3A_749] : memref<8x16x768xf32, #tpu.memory_space<vmem>> -> memref<1x16x768xf32, #tpu.memory_space<vmem>>
        %dma_start3A_751 = tpu.memref_squeeze %dma_start3A_750 : memref<1x16x768xf32, #tpu.memory_space<vmem>> -> memref<16x768xf32, #tpu.memory_space<vmem>>
        %dma_start3A_752 = arith.constant 0 : i32
        %dma_start3A_753 = arith.constant 0 : i32
        %dma_start3A_754 = tpu.memref_slice %arg4[%add3A_747, %dma_start3A_752, %dma_start3A_753] : memref<3136x16x768xf32, #tpu.memory_space<hbm>> -> memref<1x16x768xf32, #tpu.memory_space<hbm>>
        %dma_start3A_755 = tpu.memref_squeeze %dma_start3A_754 : memref<1x16x768xf32, #tpu.memory_space<hbm>> -> memref<16x768xf32, #tpu.memory_space<hbm>>
        %dma_start3A_756 = arith.constant 0 : i32
        %dma_start3A_757 = arith.constant 0 : i32
        %dma_start3A_758 = tpu.memref_slice %arg4[%add3A_747, %dma_start3A_756, %dma_start3A_757] : memref<3136x16x768xf32, #tpu.memory_space<hbm>> -> memref<1x16x768xf32, #tpu.memory_space<hbm>>
        %dma_start3A_759 = tpu.memref_squeeze %dma_start3A_758 : memref<1x16x768xf32, #tpu.memory_space<hbm>> -> memref<16x768xf32, #tpu.memory_space<hbm>>
        %dma_start3A_760 = arith.constant 0 : i32
        %dma_start3A_761 = arith.constant 0 : i32
        %dma_start3A_762 = tpu.memref_slice %arg6[%sub3A_718, %dma_start3A_760, %dma_start3A_761] : memref<8x16x768xf32, #tpu.memory_space<vmem>> -> memref<1x16x768xf32, #tpu.memory_space<vmem>>
        %dma_start3A_763 = tpu.memref_squeeze %dma_start3A_762 : memref<1x16x768xf32, #tpu.memory_space<vmem>> -> memref<16x768xf32, #tpu.memory_space<vmem>>
        tpu.enqueue_dma source(%dma_start3A_763 : memref<16x768xf32, #tpu.memory_space<vmem>>) target(%dma_start3A_759 : memref<16x768xf32, #tpu.memory_space<hbm>>) target_semaphore(%arg10 : memref<!tpu.dma_semaphore, #tpu.memory_space<semaphore_mem>>)
      } else {
      }
      %convert_element_type3A_736 = arith.extui %and3A_732 : i1 to i32
      %cond3A_737 = arith.constant 0 : i32
      %cond3A_738 = arith.cmpi ne, %convert_element_type3A_736, %cond3A_737 : i32
      scf.if %cond3A_738 {
        %sub3A_747 = arith.constant 32 : i32
        %sub3A_748 = arith.subi %squeeze3A_711, %sub3A_747 : i32
        %add3A_749 = arith.addi %mul3A_22, %add3A_715 : i32
        %dma_start3A_750 = arith.constant 0 : i32
        %dma_start3A_751 = arith.constant 0 : i32
        %dma_start3A_752 = tpu.memref_slice %arg4[%add3A_749, %dma_start3A_750, %dma_start3A_751] : memref<3136x16x768xf32, #tpu.memory_space<hbm>> -> memref<1x16x768xf32, #tpu.memory_space<hbm>>
        %dma_start3A_753 = tpu.memref_squeeze %dma_start3A_752 : memref<1x16x768xf32, #tpu.memory_space<hbm>> -> memref<16x768xf32, #tpu.memory_space<hbm>>
        %dma_start3A_754 = arith.constant 0 : i32
        %dma_start3A_755 = arith.constant 0 : i32
        %dma_start3A_756 = tpu.memref_slice %arg7[%rem3A_20, %sub3A_748, %dma_start3A_754, %dma_start3A_755] : memref<4x9x16x768xf32, #tpu.memory_space<vmem_shared>> -> memref<1x1x16x768xf32, #tpu.memory_space<vmem_shared>>
        %dma_start3A_757 = tpu.memref_squeeze %dma_start3A_756 : memref<1x1x16x768xf32, #tpu.memory_space<vmem_shared>> -> memref<16x768xf32, #tpu.memory_space<vmem_shared>>
        tpu.enqueue_dma source(%dma_start3A_757 : memref<16x768xf32, #tpu.memory_space<vmem_shared>>) target(%dma_start3A_753 : memref<16x768xf32, #tpu.memory_space<hbm>>) target_semaphore(%arg11 : memref<!tpu.dma_semaphore, #tpu.memory_space<semaphore_mem>>)
      } else {
      }
      %jit3A_739 = arith.constant 1 : i32
      %jit3A_740 = arith.constant 0 : i32
      %select_n3A_741 = arith.select %and3A_726, %jit3A_739, %jit3A_740 : i32
      %add3A_742 = arith.addi %add3A_705, %select_n3A_741 : i32
      %jit3A_743 = arith.constant 1 : i32
      %jit3A_744 = arith.constant 0 : i32
      %select_n3A_745 = arith.select %and3A_732, %jit3A_743, %jit3A_744 : i32
      %add3A_746 = arith.addi %add3A_709, %select_n3A_745 : i32
      scf.yield %add3A_742, %add3A_746 : i32, i32
    }
    %scan3A_84 = arith.constant 25 : i32
    %while3A = arith.constant 0 : i32
    %while3A_85 = arith.constant 0 : i32
    %while3A_86 = arith.subi %scan3A_83#1, %while3A_85 : i32
    %while3A_87 = arith.addi %while3A_85, %while3A_86 : i32
    %while3A_88 = arith.constant 1 : i32
    %while3A_89 = arith.divsi %while3A_86, %while3A_88 : i32
    %while3A_90 = arith.muli %while3A_89, %while3A_88 : i32
    %while3A_91 = arith.addi %while3A_85, %while3A_90 : i32
    %while3A_92 = arith.constant 1 : i32
    scf.for %while3A_150 = %while3A_85 to %while3A_91 step %while3A_92  : i32 {
      %dma_wait3A_151 = arith.constant 0 : i32
      %dma_wait3A_152 = arith.constant 0 : i32
      %dma_wait3A_153 = arith.constant 0 : i32
      %dma_wait3A_154 = arith.constant 0 : i32
      %dma_wait3A_155 = tpu.memref_slice %arg4[%dma_wait3A_152, %dma_wait3A_153, %dma_wait3A_154] : memref<3136x16x768xf32, #tpu.memory_space<hbm>> -> memref<1x16x768xf32, #tpu.memory_space<hbm>>
      %dma_wait3A_156 = tpu.memref_squeeze %dma_wait3A_155 : memref<1x16x768xf32, #tpu.memory_space<hbm>> -> memref<16x768xf32, #tpu.memory_space<hbm>>
      %dma_wait3A_157 = arith.constant 0 : i32
      %dma_wait3A_158 = arith.constant 0 : i32
      %dma_wait3A_159 = tpu.memref_slice %arg7[%rem3A_20, %dma_wait3A_151, %dma_wait3A_157, %dma_wait3A_158] : memref<4x9x16x768xf32, #tpu.memory_space<vmem_shared>> -> memref<1x1x16x768xf32, #tpu.memory_space<vmem_shared>>
      %dma_wait3A_160 = tpu.memref_squeeze %dma_wait3A_159 : memref<1x1x16x768xf32, #tpu.memory_space<vmem_shared>> -> memref<16x768xf32, #tpu.memory_space<vmem_shared>>
      tpu.wait_dma2 semaphore(%arg11 : memref<!tpu.dma_semaphore, #tpu.memory_space<semaphore_mem>>) src(%dma_wait3A_160 : memref<16x768xf32, #tpu.memory_space<vmem_shared>>) dst(%dma_wait3A_156 : memref<16x768xf32, #tpu.memory_space<hbm>>)
    }
    %while3A_93 = arith.constant 1 : i32
    scf.for %while3A_150 = %while3A_91 to %while3A_87 step %while3A_93  : i32 {
      %dma_wait3A_151 = arith.constant 0 : i32
      %dma_wait3A_152 = arith.constant 0 : i32
      %dma_wait3A_153 = arith.constant 0 : i32
      %dma_wait3A_154 = arith.constant 0 : i32
      %dma_wait3A_155 = tpu.memref_slice %arg4[%dma_wait3A_152, %dma_wait3A_153, %dma_wait3A_154] : memref<3136x16x768xf32, #tpu.memory_space<hbm>> -> memref<1x16x768xf32, #tpu.memory_space<hbm>>
      %dma_wait3A_156 = tpu.memref_squeeze %dma_wait3A_155 : memref<1x16x768xf32, #tpu.memory_space<hbm>> -> memref<16x768xf32, #tpu.memory_space<hbm>>
      %dma_wait3A_157 = arith.constant 0 : i32
      %dma_wait3A_158 = arith.constant 0 : i32
      %dma_wait3A_159 = tpu.memref_slice %arg7[%rem3A_20, %dma_wait3A_151, %dma_wait3A_157, %dma_wait3A_158] : memref<4x9x16x768xf32, #tpu.memory_space<vmem_shared>> -> memref<1x1x16x768xf32, #tpu.memory_space<vmem_shared>>
      %dma_wait3A_160 = tpu.memref_squeeze %dma_wait3A_159 : memref<1x1x16x768xf32, #tpu.memory_space<vmem_shared>> -> memref<16x768xf32, #tpu.memory_space<vmem_shared>>
      tpu.wait_dma2 semaphore(%arg11 : memref<!tpu.dma_semaphore, #tpu.memory_space<semaphore_mem>>) src(%dma_wait3A_160 : memref<16x768xf32, #tpu.memory_space<vmem_shared>>) dst(%dma_wait3A_156 : memref<16x768xf32, #tpu.memory_space<hbm>>)
    }
    %barrier3A_94 = arith.constant 0 : index
    tpu.barrier barrier_id(%barrier3A_94)
    %add3A_95 = arith.constant 41 : i32
    %add3A_96 = arith.addi %mul3A_24, %add3A_95 : i32
    %mul3A_97 = arith.constant 2 : i32
    %mul3A_98 = arith.muli %mul3A_97, %rem3A_18 : i32
    %add3A_99 = arith.addi %add3A_96, %mul3A_98 : i32
    %mul3A_100 = arith.constant 2 : i32
    %mul3A_101 = arith.muli %mul3A_100, %rem3A_18 : i32
    %dma_start3A_102 = arith.constant 0 : i32
    %dma_start3A_103 = arith.constant 0 : i32
    %dma_start3A_104 = tpu.memref_slice %arg7[%rem3A_20, %mul3A_101, %dma_start3A_102, %dma_start3A_103] : memref<4x9x16x768xf32, #tpu.memory_space<vmem_shared>> -> memref<1x2x16x768xf32, #tpu.memory_space<vmem_shared>>
    %dma_start3A_105 = tpu.memref_squeeze %dma_start3A_104 : memref<1x2x16x768xf32, #tpu.memory_space<vmem_shared>> -> memref<2x16x768xf32, #tpu.memory_space<vmem_shared>>
    %dma_start3A_106 = arith.constant 0 : i32
    %dma_start3A_107 = arith.constant 0 : i32
    %dma_start3A_108 = tpu.memref_slice %arg3[%add3A_99, %dma_start3A_106, %dma_start3A_107] : memref<392x16x768xf32, #tpu.memory_space<hbm>> -> memref<2x16x768xf32, #tpu.memory_space<hbm>>
    tpu.enqueue_dma source(%dma_start3A_108 : memref<2x16x768xf32, #tpu.memory_space<hbm>>) target(%dma_start3A_105 : memref<2x16x768xf32, #tpu.memory_space<vmem_shared>>) target_semaphore(%arg12 : memref<!tpu.dma_semaphore, #tpu.memory_space<semaphore_mem>>)
    %dma_wait3A_109 = arith.constant 0 : i32
    %dma_wait3A_110 = arith.constant 0 : i32
    %dma_wait3A_111 = arith.constant 0 : i32
    %dma_wait3A_112 = tpu.memref_slice %arg7[%rem3A_20, %dma_wait3A_109, %dma_wait3A_110, %dma_wait3A_111] : memref<4x9x16x768xf32, #tpu.memory_space<vmem_shared>> -> memref<1x2x16x768xf32, #tpu.memory_space<vmem_shared>>
    %dma_wait3A_113 = tpu.memref_squeeze %dma_wait3A_112 : memref<1x2x16x768xf32, #tpu.memory_space<vmem_shared>> -> memref<2x16x768xf32, #tpu.memory_space<vmem_shared>>
    %dma_wait3A_114 = arith.constant 0 : i32
    %dma_wait3A_115 = arith.constant 0 : i32
    %dma_wait3A_116 = arith.constant 0 : i32
    %dma_wait3A_117 = tpu.memref_slice %arg3[%dma_wait3A_114, %dma_wait3A_115, %dma_wait3A_116] : memref<392x16x768xf32, #tpu.memory_space<hbm>> -> memref<2x16x768xf32, #tpu.memory_space<hbm>>
    tpu.wait_dma2 semaphore(%arg12 : memref<!tpu.dma_semaphore, #tpu.memory_space<semaphore_mem>>) src(%dma_wait3A_117 : memref<2x16x768xf32, #tpu.memory_space<hbm>>) dst(%dma_wait3A_113 : memref<2x16x768xf32, #tpu.memory_space<vmem_shared>>)
    %barrier3A_118 = arith.constant 0 : index
    tpu.barrier barrier_id(%barrier3A_118)
    %while3A_119 = arith.constant 0 : i32
    %while3A_120 = arith.subi %add3A_37, %select_n3A_31 : i32
    %while3A_121 = arith.addi %select_n3A_31, %while3A_120 : i32
    %while3A_122 = arith.constant 1 : i32
    %while3A_123 = arith.divsi %while3A_120, %while3A_122 : i32
    %while3A_124 = arith.muli %while3A_123, %while3A_122 : i32
    %while3A_125 = arith.addi %select_n3A_31, %while3A_124 : i32
    %while3A_126 = arith.constant 1 : i32
    %while3A_127 = scf.for %while3A_150 = %select_n3A_31 to %while3A_125 step %while3A_126 iter_args(%while3A_151 = %while3A_119) -> (i32)  : i32 {
      %mul3A_152 = arith.constant 16 : i32
      %mul3A_153 = arith.muli %mul3A_152, %while3A_150 : i32
      %get3A_154 = arith.index_cast %mul3A_153 : i32 to index
      %get3A_155 = tpu.vector_load %arg5[%get3A_154] {strides = array<i32>} : memref<432xi32, #tpu.memory_space<vmem>>, vector<16xi32>,
      %get3A_156 = vector.shape_cast %get3A_155 : vector<16xi32> to vector<16xi32>
      %slice3A = vector.extract_strided_slice %get3A_156 {offsets = [0], sizes = [1], strides = [1]} : vector<16xi32> to vector<1xi32>
      %squeeze3A = vector.extract %slice3A[0] : i32 from vector<1xi32>
      %mul3A_157 = arith.constant 16 : i32
      %mul3A_158 = arith.muli %while3A_150, %mul3A_157 : i32
      %add3A_159 = arith.constant 0 : i32
      %add3A_160 = arith.addi %mul3A_158, %add3A_159 : i32
      %ge3A = arith.constant 41 : i32
      %ge3A_161 = arith.cmpi sge, %squeeze3A, %ge3A : i32
      %convert_element_type3A_162 = arith.extui %ge3A_161 : i1 to i32
      %cond3A_163 = arith.constant 0 : i32
      %cond3A_164 = arith.cmpi ne, %convert_element_type3A_162, %cond3A_163 : i32
      scf.if %cond3A_164 {
        %sub3A_394 = arith.constant 41 : i32
        %sub3A_395 = arith.subi %squeeze3A, %sub3A_394 : i32
        %add3A_396 = arith.addi %mul3A_22, %add3A_160 : i32
        %dma_start3A_397 = arith.constant 0 : i32
        %dma_start3A_398 = arith.constant 0 : i32
        %dma_start3A_399 = tpu.memref_slice %arg4[%add3A_396, %dma_start3A_397, %dma_start3A_398] : memref<3136x16x768xf32, #tpu.memory_space<hbm>> -> memref<1x16x768xf32, #tpu.memory_space<hbm>>
        %dma_start3A_400 = tpu.memref_squeeze %dma_start3A_399 : memref<1x16x768xf32, #tpu.memory_space<hbm>> -> memref<16x768xf32, #tpu.memory_space<hbm>>
        %dma_start3A_401 = arith.constant 0 : i32
        %dma_start3A_402 = arith.constant 0 : i32
        %dma_start3A_403 = tpu.memref_slice %arg7[%rem3A_20, %sub3A_395, %dma_start3A_401, %dma_start3A_402] : memref<4x9x16x768xf32, #tpu.memory_space<vmem_shared>> -> memref<1x1x16x768xf32, #tpu.memory_space<vmem_shared>>
        %dma_start3A_404 = tpu.memref_squeeze %dma_start3A_403 : memref<1x1x16x768xf32, #tpu.memory_space<vmem_shared>> -> memref<16x768xf32, #tpu.memory_space<vmem_shared>>
        tpu.enqueue_dma source(%dma_start3A_404 : memref<16x768xf32, #tpu.memory_space<vmem_shared>>) target(%dma_start3A_400 : memref<16x768xf32, #tpu.memory_space<hbm>>) target_semaphore(%arg11 : memref<!tpu.dma_semaphore, #tpu.memory_space<semaphore_mem>>)
      } else {
      }
      %jit3A_165 = arith.constant 1 : i32
      %jit3A_166 = arith.constant 0 : i32
      %select_n3A_167 = arith.select %ge3A_161, %jit3A_165, %jit3A_166 : i32
      %add3A_168 = arith.addi %while3A_151, %select_n3A_167 : i32
      %slice3A_169 = vector.extract_strided_slice %get3A_156 {offsets = [1], sizes = [1], strides = [1]} : vector<16xi32> to vector<1xi32>
      %squeeze3A_170 = vector.extract %slice3A_169[0] : i32 from vector<1xi32>
      %mul3A_171 = arith.constant 16 : i32
      %mul3A_172 = arith.muli %while3A_150, %mul3A_171 : i32
      %add3A_173 = arith.constant 1 : i32
      %add3A_174 = arith.addi %mul3A_172, %add3A_173 : i32
      %ge3A_175 = arith.constant 41 : i32
      %ge3A_176 = arith.cmpi sge, %squeeze3A_170, %ge3A_175 : i32
      %convert_element_type3A_177 = arith.extui %ge3A_176 : i1 to i32
      %cond3A_178 = arith.constant 0 : i32
      %cond3A_179 = arith.cmpi ne, %convert_element_type3A_177, %cond3A_178 : i32
      scf.if %cond3A_179 {
        %sub3A_394 = arith.constant 41 : i32
        %sub3A_395 = arith.subi %squeeze3A_170, %sub3A_394 : i32
        %add3A_396 = arith.addi %mul3A_22, %add3A_174 : i32
        %dma_start3A_397 = arith.constant 0 : i32
        %dma_start3A_398 = arith.constant 0 : i32
        %dma_start3A_399 = tpu.memref_slice %arg4[%add3A_396, %dma_start3A_397, %dma_start3A_398] : memref<3136x16x768xf32, #tpu.memory_space<hbm>> -> memref<1x16x768xf32, #tpu.memory_space<hbm>>
        %dma_start3A_400 = tpu.memref_squeeze %dma_start3A_399 : memref<1x16x768xf32, #tpu.memory_space<hbm>> -> memref<16x768xf32, #tpu.memory_space<hbm>>
        %dma_start3A_401 = arith.constant 0 : i32
        %dma_start3A_402 = arith.constant 0 : i32
        %dma_start3A_403 = tpu.memref_slice %arg7[%rem3A_20, %sub3A_395, %dma_start3A_401, %dma_start3A_402] : memref<4x9x16x768xf32, #tpu.memory_space<vmem_shared>> -> memref<1x1x16x768xf32, #tpu.memory_space<vmem_shared>>
        %dma_start3A_404 = tpu.memref_squeeze %dma_start3A_403 : memref<1x1x16x768xf32, #tpu.memory_space<vmem_shared>> -> memref<16x768xf32, #tpu.memory_space<vmem_shared>>
        tpu.enqueue_dma source(%dma_start3A_404 : memref<16x768xf32, #tpu.memory_space<vmem_shared>>) target(%dma_start3A_400 : memref<16x768xf32, #tpu.memory_space<hbm>>) target_semaphore(%arg11 : memref<!tpu.dma_semaphore, #tpu.memory_space<semaphore_mem>>)
      } else {
      }
      %jit3A_180 = arith.constant 1 : i32
      %jit3A_181 = arith.constant 0 : i32
      %select_n3A_182 = arith.select %ge3A_176, %jit3A_180, %jit3A_181 : i32
      %add3A_183 = arith.addi %add3A_168, %select_n3A_182 : i32
      %slice3A_184 = vector.extract_strided_slice %get3A_156 {offsets = [2], sizes = [1], strides = [1]} : vector<16xi32> to vector<1xi32>
      %squeeze3A_185 = vector.extract %slice3A_184[0] : i32 from vector<1xi32>
      %mul3A_186 = arith.constant 16 : i32
      %mul3A_187 = arith.muli %while3A_150, %mul3A_186 : i32
      %add3A_188 = arith.constant 2 : i32
      %add3A_189 = arith.addi %mul3A_187, %add3A_188 : i32
      %ge3A_190 = arith.constant 41 : i32
      %ge3A_191 = arith.cmpi sge, %squeeze3A_185, %ge3A_190 : i32
      %convert_element_type3A_192 = arith.extui %ge3A_191 : i1 to i32
      %cond3A_193 = arith.constant 0 : i32
      %cond3A_194 = arith.cmpi ne, %convert_element_type3A_192, %cond3A_193 : i32
      scf.if %cond3A_194 {
        %sub3A_394 = arith.constant 41 : i32
        %sub3A_395 = arith.subi %squeeze3A_185, %sub3A_394 : i32
        %add3A_396 = arith.addi %mul3A_22, %add3A_189 : i32
        %dma_start3A_397 = arith.constant 0 : i32
        %dma_start3A_398 = arith.constant 0 : i32
        %dma_start3A_399 = tpu.memref_slice %arg4[%add3A_396, %dma_start3A_397, %dma_start3A_398] : memref<3136x16x768xf32, #tpu.memory_space<hbm>> -> memref<1x16x768xf32, #tpu.memory_space<hbm>>
        %dma_start3A_400 = tpu.memref_squeeze %dma_start3A_399 : memref<1x16x768xf32, #tpu.memory_space<hbm>> -> memref<16x768xf32, #tpu.memory_space<hbm>>
        %dma_start3A_401 = arith.constant 0 : i32
        %dma_start3A_402 = arith.constant 0 : i32
        %dma_start3A_403 = tpu.memref_slice %arg7[%rem3A_20, %sub3A_395, %dma_start3A_401, %dma_start3A_402] : memref<4x9x16x768xf32, #tpu.memory_space<vmem_shared>> -> memref<1x1x16x768xf32, #tpu.memory_space<vmem_shared>>
        %dma_start3A_404 = tpu.memref_squeeze %dma_start3A_403 : memref<1x1x16x768xf32, #tpu.memory_space<vmem_shared>> -> memref<16x768xf32, #tpu.memory_space<vmem_shared>>
        tpu.enqueue_dma source(%dma_start3A_404 : memref<16x768xf32, #tpu.memory_space<vmem_shared>>) target(%dma_start3A_400 : memref<16x768xf32, #tpu.memory_space<hbm>>) target_semaphore(%arg11 : memref<!tpu.dma_semaphore, #tpu.memory_space<semaphore_mem>>)
      } else {
      }
      %jit3A_195 = arith.constant 1 : i32
      %jit3A_196 = arith.constant 0 : i32
      %select_n3A_197 = arith.select %ge3A_191, %jit3A_195, %jit3A_196 : i32
      %add3A_198 = arith.addi %add3A_183, %select_n3A_197 : i32
      %slice3A_199 = vector.extract_strided_slice %get3A_156 {offsets = [3], sizes = [1], strides = [1]} : vector<16xi32> to vector<1xi32>
      %squeeze3A_200 = vector.extract %slice3A_199[0] : i32 from vector<1xi32>
      %mul3A_201 = arith.constant 16 : i32
      %mul3A_202 = arith.muli %while3A_150, %mul3A_201 : i32
      %add3A_203 = arith.constant 3 : i32
      %add3A_204 = arith.addi %mul3A_202, %add3A_203 : i32
      %ge3A_205 = arith.constant 41 : i32
      %ge3A_206 = arith.cmpi sge, %squeeze3A_200, %ge3A_205 : i32
      %convert_element_type3A_207 = arith.extui %ge3A_206 : i1 to i32
      %cond3A_208 = arith.constant 0 : i32
      %cond3A_209 = arith.cmpi ne, %convert_element_type3A_207, %cond3A_208 : i32
      scf.if %cond3A_209 {
        %sub3A_394 = arith.constant 41 : i32
        %sub3A_395 = arith.subi %squeeze3A_200, %sub3A_394 : i32
        %add3A_396 = arith.addi %mul3A_22, %add3A_204 : i32
        %dma_start3A_397 = arith.constant 0 : i32
        %dma_start3A_398 = arith.constant 0 : i32
        %dma_start3A_399 = tpu.memref_slice %arg4[%add3A_396, %dma_start3A_397, %dma_start3A_398] : memref<3136x16x768xf32, #tpu.memory_space<hbm>> -> memref<1x16x768xf32, #tpu.memory_space<hbm>>
        %dma_start3A_400 = tpu.memref_squeeze %dma_start3A_399 : memref<1x16x768xf32, #tpu.memory_space<hbm>> -> memref<16x768xf32, #tpu.memory_space<hbm>>
        %dma_start3A_401 = arith.constant 0 : i32
        %dma_start3A_402 = arith.constant 0 : i32
        %dma_start3A_403 = tpu.memref_slice %arg7[%rem3A_20, %sub3A_395, %dma_start3A_401, %dma_start3A_402] : memref<4x9x16x768xf32, #tpu.memory_space<vmem_shared>> -> memref<1x1x16x768xf32, #tpu.memory_space<vmem_shared>>
        %dma_start3A_404 = tpu.memref_squeeze %dma_start3A_403 : memref<1x1x16x768xf32, #tpu.memory_space<vmem_shared>> -> memref<16x768xf32, #tpu.memory_space<vmem_shared>>
        tpu.enqueue_dma source(%dma_start3A_404 : memref<16x768xf32, #tpu.memory_space<vmem_shared>>) target(%dma_start3A_400 : memref<16x768xf32, #tpu.memory_space<hbm>>) target_semaphore(%arg11 : memref<!tpu.dma_semaphore, #tpu.memory_space<semaphore_mem>>)
      } else {
      }
      %jit3A_210 = arith.constant 1 : i32
      %jit3A_211 = arith.constant 0 : i32
      %select_n3A_212 = arith.select %ge3A_206, %jit3A_210, %jit3A_211 : i32
      %add3A_213 = arith.addi %add3A_198, %select_n3A_212 : i32
      %slice3A_214 = vector.extract_strided_slice %get3A_156 {offsets = [4], sizes = [1], strides = [1]} : vector<16xi32> to vector<1xi32>
      %squeeze3A_215 = vector.extract %slice3A_214[0] : i32 from vector<1xi32>
      %mul3A_216 = arith.constant 16 : i32
      %mul3A_217 = arith.muli %while3A_150, %mul3A_216 : i32
      %add3A_218 = arith.constant 4 : i32
      %add3A_219 = arith.addi %mul3A_217, %add3A_218 : i32
      %ge3A_220 = arith.constant 41 : i32
      %ge3A_221 = arith.cmpi sge, %squeeze3A_215, %ge3A_220 : i32
      %convert_element_type3A_222 = arith.extui %ge3A_221 : i1 to i32
      %cond3A_223 = arith.constant 0 : i32
      %cond3A_224 = arith.cmpi ne, %convert_element_type3A_222, %cond3A_223 : i32
      scf.if %cond3A_224 {
        %sub3A_394 = arith.constant 41 : i32
        %sub3A_395 = arith.subi %squeeze3A_215, %sub3A_394 : i32
        %add3A_396 = arith.addi %mul3A_22, %add3A_219 : i32
        %dma_start3A_397 = arith.constant 0 : i32
        %dma_start3A_398 = arith.constant 0 : i32
        %dma_start3A_399 = tpu.memref_slice %arg4[%add3A_396, %dma_start3A_397, %dma_start3A_398] : memref<3136x16x768xf32, #tpu.memory_space<hbm>> -> memref<1x16x768xf32, #tpu.memory_space<hbm>>
        %dma_start3A_400 = tpu.memref_squeeze %dma_start3A_399 : memref<1x16x768xf32, #tpu.memory_space<hbm>> -> memref<16x768xf32, #tpu.memory_space<hbm>>
        %dma_start3A_401 = arith.constant 0 : i32
        %dma_start3A_402 = arith.constant 0 : i32
        %dma_start3A_403 = tpu.memref_slice %arg7[%rem3A_20, %sub3A_395, %dma_start3A_401, %dma_start3A_402] : memref<4x9x16x768xf32, #tpu.memory_space<vmem_shared>> -> memref<1x1x16x768xf32, #tpu.memory_space<vmem_shared>>
        %dma_start3A_404 = tpu.memref_squeeze %dma_start3A_403 : memref<1x1x16x768xf32, #tpu.memory_space<vmem_shared>> -> memref<16x768xf32, #tpu.memory_space<vmem_shared>>
        tpu.enqueue_dma source(%dma_start3A_404 : memref<16x768xf32, #tpu.memory_space<vmem_shared>>) target(%dma_start3A_400 : memref<16x768xf32, #tpu.memory_space<hbm>>) target_semaphore(%arg11 : memref<!tpu.dma_semaphore, #tpu.memory_space<semaphore_mem>>)
      } else {
      }
      %jit3A_225 = arith.constant 1 : i32
      %jit3A_226 = arith.constant 0 : i32
      %select_n3A_227 = arith.select %ge3A_221, %jit3A_225, %jit3A_226 : i32
      %add3A_228 = arith.addi %add3A_213, %select_n3A_227 : i32
      %slice3A_229 = vector.extract_strided_slice %get3A_156 {offsets = [5], sizes = [1], strides = [1]} : vector<16xi32> to vector<1xi32>
      %squeeze3A_230 = vector.extract %slice3A_229[0] : i32 from vector<1xi32>
      %mul3A_231 = arith.constant 16 : i32
      %mul3A_232 = arith.muli %while3A_150, %mul3A_231 : i32
      %add3A_233 = arith.constant 5 : i32
      %add3A_234 = arith.addi %mul3A_232, %add3A_233 : i32
      %ge3A_235 = arith.constant 41 : i32
      %ge3A_236 = arith.cmpi sge, %squeeze3A_230, %ge3A_235 : i32
      %convert_element_type3A_237 = arith.extui %ge3A_236 : i1 to i32
      %cond3A_238 = arith.constant 0 : i32
      %cond3A_239 = arith.cmpi ne, %convert_element_type3A_237, %cond3A_238 : i32
      scf.if %cond3A_239 {
        %sub3A_394 = arith.constant 41 : i32
        %sub3A_395 = arith.subi %squeeze3A_230, %sub3A_394 : i32
        %add3A_396 = arith.addi %mul3A_22, %add3A_234 : i32
        %dma_start3A_397 = arith.constant 0 : i32
        %dma_start3A_398 = arith.constant 0 : i32
        %dma_start3A_399 = tpu.memref_slice %arg4[%add3A_396, %dma_start3A_397, %dma_start3A_398] : memref<3136x16x768xf32, #tpu.memory_space<hbm>> -> memref<1x16x768xf32, #tpu.memory_space<hbm>>
        %dma_start3A_400 = tpu.memref_squeeze %dma_start3A_399 : memref<1x16x768xf32, #tpu.memory_space<hbm>> -> memref<16x768xf32, #tpu.memory_space<hbm>>
        %dma_start3A_401 = arith.constant 0 : i32
        %dma_start3A_402 = arith.constant 0 : i32
        %dma_start3A_403 = tpu.memref_slice %arg7[%rem3A_20, %sub3A_395, %dma_start3A_401, %dma_start3A_402] : memref<4x9x16x768xf32, #tpu.memory_space<vmem_shared>> -> memref<1x1x16x768xf32, #tpu.memory_space<vmem_shared>>
        %dma_start3A_404 = tpu.memref_squeeze %dma_start3A_403 : memref<1x1x16x768xf32, #tpu.memory_space<vmem_shared>> -> memref<16x768xf32, #tpu.memory_space<vmem_shared>>
        tpu.enqueue_dma source(%dma_start3A_404 : memref<16x768xf32, #tpu.memory_space<vmem_shared>>) target(%dma_start3A_400 : memref<16x768xf32, #tpu.memory_space<hbm>>) target_semaphore(%arg11 : memref<!tpu.dma_semaphore, #tpu.memory_space<semaphore_mem>>)
      } else {
      }
      %jit3A_240 = arith.constant 1 : i32
      %jit3A_241 = arith.constant 0 : i32
      %select_n3A_242 = arith.select %ge3A_236, %jit3A_240, %jit3A_241 : i32
      %add3A_243 = arith.addi %add3A_228, %select_n3A_242 : i32
      %slice3A_244 = vector.extract_strided_slice %get3A_156 {offsets = [6], sizes = [1], strides = [1]} : vector<16xi32> to vector<1xi32>
      %squeeze3A_245 = vector.extract %slice3A_244[0] : i32 from vector<1xi32>
      %mul3A_246 = arith.constant 16 : i32
      %mul3A_247 = arith.muli %while3A_150, %mul3A_246 : i32
      %add3A_248 = arith.constant 6 : i32
      %add3A_249 = arith.addi %mul3A_247, %add3A_248 : i32
      %ge3A_250 = arith.constant 41 : i32
      %ge3A_251 = arith.cmpi sge, %squeeze3A_245, %ge3A_250 : i32
      %convert_element_type3A_252 = arith.extui %ge3A_251 : i1 to i32
      %cond3A_253 = arith.constant 0 : i32
      %cond3A_254 = arith.cmpi ne, %convert_element_type3A_252, %cond3A_253 : i32
      scf.if %cond3A_254 {
        %sub3A_394 = arith.constant 41 : i32
        %sub3A_395 = arith.subi %squeeze3A_245, %sub3A_394 : i32
        %add3A_396 = arith.addi %mul3A_22, %add3A_249 : i32
        %dma_start3A_397 = arith.constant 0 : i32
        %dma_start3A_398 = arith.constant 0 : i32
        %dma_start3A_399 = tpu.memref_slice %arg4[%add3A_396, %dma_start3A_397, %dma_start3A_398] : memref<3136x16x768xf32, #tpu.memory_space<hbm>> -> memref<1x16x768xf32, #tpu.memory_space<hbm>>
        %dma_start3A_400 = tpu.memref_squeeze %dma_start3A_399 : memref<1x16x768xf32, #tpu.memory_space<hbm>> -> memref<16x768xf32, #tpu.memory_space<hbm>>
        %dma_start3A_401 = arith.constant 0 : i32
        %dma_start3A_402 = arith.constant 0 : i32
        %dma_start3A_403 = tpu.memref_slice %arg7[%rem3A_20, %sub3A_395, %dma_start3A_401, %dma_start3A_402] : memref<4x9x16x768xf32, #tpu.memory_space<vmem_shared>> -> memref<1x1x16x768xf32, #tpu.memory_space<vmem_shared>>
        %dma_start3A_404 = tpu.memref_squeeze %dma_start3A_403 : memref<1x1x16x768xf32, #tpu.memory_space<vmem_shared>> -> memref<16x768xf32, #tpu.memory_space<vmem_shared>>
        tpu.enqueue_dma source(%dma_start3A_404 : memref<16x768xf32, #tpu.memory_space<vmem_shared>>) target(%dma_start3A_400 : memref<16x768xf32, #tpu.memory_space<hbm>>) target_semaphore(%arg11 : memref<!tpu.dma_semaphore, #tpu.memory_space<semaphore_mem>>)
      } else {
      }
      %jit3A_255 = arith.constant 1 : i32
      %jit3A_256 = arith.constant 0 : i32
      %select_n3A_257 = arith.select %ge3A_251, %jit3A_255, %jit3A_256 : i32
      %add3A_258 = arith.addi %add3A_243, %select_n3A_257 : i32
      %slice3A_259 = vector.extract_strided_slice %get3A_156 {offsets = [7], sizes = [1], strides = [1]} : vector<16xi32> to vector<1xi32>
      %squeeze3A_260 = vector.extract %slice3A_259[0] : i32 from vector<1xi32>
      %mul3A_261 = arith.constant 16 : i32
      %mul3A_262 = arith.muli %while3A_150, %mul3A_261 : i32
      %add3A_263 = arith.constant 7 : i32
      %add3A_264 = arith.addi %mul3A_262, %add3A_263 : i32
      %ge3A_265 = arith.constant 41 : i32
      %ge3A_266 = arith.cmpi sge, %squeeze3A_260, %ge3A_265 : i32
      %convert_element_type3A_267 = arith.extui %ge3A_266 : i1 to i32
      %cond3A_268 = arith.constant 0 : i32
      %cond3A_269 = arith.cmpi ne, %convert_element_type3A_267, %cond3A_268 : i32
      scf.if %cond3A_269 {
        %sub3A_394 = arith.constant 41 : i32
        %sub3A_395 = arith.subi %squeeze3A_260, %sub3A_394 : i32
        %add3A_396 = arith.addi %mul3A_22, %add3A_264 : i32
        %dma_start3A_397 = arith.constant 0 : i32
        %dma_start3A_398 = arith.constant 0 : i32
        %dma_start3A_399 = tpu.memref_slice %arg4[%add3A_396, %dma_start3A_397, %dma_start3A_398] : memref<3136x16x768xf32, #tpu.memory_space<hbm>> -> memref<1x16x768xf32, #tpu.memory_space<hbm>>
        %dma_start3A_400 = tpu.memref_squeeze %dma_start3A_399 : memref<1x16x768xf32, #tpu.memory_space<hbm>> -> memref<16x768xf32, #tpu.memory_space<hbm>>
        %dma_start3A_401 = arith.constant 0 : i32
        %dma_start3A_402 = arith.constant 0 : i32
        %dma_start3A_403 = tpu.memref_slice %arg7[%rem3A_20, %sub3A_395, %dma_start3A_401, %dma_start3A_402] : memref<4x9x16x768xf32, #tpu.memory_space<vmem_shared>> -> memref<1x1x16x768xf32, #tpu.memory_space<vmem_shared>>
        %dma_start3A_404 = tpu.memref_squeeze %dma_start3A_403 : memref<1x1x16x768xf32, #tpu.memory_space<vmem_shared>> -> memref<16x768xf32, #tpu.memory_space<vmem_shared>>
        tpu.enqueue_dma source(%dma_start3A_404 : memref<16x768xf32, #tpu.memory_space<vmem_shared>>) target(%dma_start3A_400 : memref<16x768xf32, #tpu.memory_space<hbm>>) target_semaphore(%arg11 : memref<!tpu.dma_semaphore, #tpu.memory_space<semaphore_mem>>)
      } else {
      }
      %jit3A_270 = arith.constant 1 : i32
      %jit3A_271 = arith.constant 0 : i32
      %select_n3A_272 = arith.select %ge3A_266, %jit3A_270, %jit3A_271 : i32
      %add3A_273 = arith.addi %add3A_258, %select_n3A_272 : i32
      %slice3A_274 = vector.extract_strided_slice %get3A_156 {offsets = [8], sizes = [1], strides = [1]} : vector<16xi32> to vector<1xi32>
      %squeeze3A_275 = vector.extract %slice3A_274[0] : i32 from vector<1xi32>
      %mul3A_276 = arith.constant 16 : i32
      %mul3A_277 = arith.muli %while3A_150, %mul3A_276 : i32
      %add3A_278 = arith.constant 8 : i32
      %add3A_279 = arith.addi %mul3A_277, %add3A_278 : i32
      %ge3A_280 = arith.constant 41 : i32
      %ge3A_281 = arith.cmpi sge, %squeeze3A_275, %ge3A_280 : i32
      %convert_element_type3A_282 = arith.extui %ge3A_281 : i1 to i32
      %cond3A_283 = arith.constant 0 : i32
      %cond3A_284 = arith.cmpi ne, %convert_element_type3A_282, %cond3A_283 : i32
      scf.if %cond3A_284 {
        %sub3A_394 = arith.constant 41 : i32
        %sub3A_395 = arith.subi %squeeze3A_275, %sub3A_394 : i32
        %add3A_396 = arith.addi %mul3A_22, %add3A_279 : i32
        %dma_start3A_397 = arith.constant 0 : i32
        %dma_start3A_398 = arith.constant 0 : i32
        %dma_start3A_399 = tpu.memref_slice %arg4[%add3A_396, %dma_start3A_397, %dma_start3A_398] : memref<3136x16x768xf32, #tpu.memory_space<hbm>> -> memref<1x16x768xf32, #tpu.memory_space<hbm>>
        %dma_start3A_400 = tpu.memref_squeeze %dma_start3A_399 : memref<1x16x768xf32, #tpu.memory_space<hbm>> -> memref<16x768xf32, #tpu.memory_space<hbm>>
        %dma_start3A_401 = arith.constant 0 : i32
        %dma_start3A_402 = arith.constant 0 : i32
        %dma_start3A_403 = tpu.memref_slice %arg7[%rem3A_20, %sub3A_395, %dma_start3A_401, %dma_start3A_402] : memref<4x9x16x768xf32, #tpu.memory_space<vmem_shared>> -> memref<1x1x16x768xf32, #tpu.memory_space<vmem_shared>>
        %dma_start3A_404 = tpu.memref_squeeze %dma_start3A_403 : memref<1x1x16x768xf32, #tpu.memory_space<vmem_shared>> -> memref<16x768xf32, #tpu.memory_space<vmem_shared>>
        tpu.enqueue_dma source(%dma_start3A_404 : memref<16x768xf32, #tpu.memory_space<vmem_shared>>) target(%dma_start3A_400 : memref<16x768xf32, #tpu.memory_space<hbm>>) target_semaphore(%arg11 : memref<!tpu.dma_semaphore, #tpu.memory_space<semaphore_mem>>)
      } else {
      }
      %jit3A_285 = arith.constant 1 : i32
      %jit3A_286 = arith.constant 0 : i32
      %select_n3A_287 = arith.select %ge3A_281, %jit3A_285, %jit3A_286 : i32
      %add3A_288 = arith.addi %add3A_273, %select_n3A_287 : i32
      %slice3A_289 = vector.extract_strided_slice %get3A_156 {offsets = [9], sizes = [1], strides = [1]} : vector<16xi32> to vector<1xi32>
      %squeeze3A_290 = vector.extract %slice3A_289[0] : i32 from vector<1xi32>
      %mul3A_291 = arith.constant 16 : i32
      %mul3A_292 = arith.muli %while3A_150, %mul3A_291 : i32
      %add3A_293 = arith.constant 9 : i32
      %add3A_294 = arith.addi %mul3A_292, %add3A_293 : i32
      %ge3A_295 = arith.constant 41 : i32
      %ge3A_296 = arith.cmpi sge, %squeeze3A_290, %ge3A_295 : i32
      %convert_element_type3A_297 = arith.extui %ge3A_296 : i1 to i32
      %cond3A_298 = arith.constant 0 : i32
      %cond3A_299 = arith.cmpi ne, %convert_element_type3A_297, %cond3A_298 : i32
      scf.if %cond3A_299 {
        %sub3A_394 = arith.constant 41 : i32
        %sub3A_395 = arith.subi %squeeze3A_290, %sub3A_394 : i32
        %add3A_396 = arith.addi %mul3A_22, %add3A_294 : i32
        %dma_start3A_397 = arith.constant 0 : i32
        %dma_start3A_398 = arith.constant 0 : i32
        %dma_start3A_399 = tpu.memref_slice %arg4[%add3A_396, %dma_start3A_397, %dma_start3A_398] : memref<3136x16x768xf32, #tpu.memory_space<hbm>> -> memref<1x16x768xf32, #tpu.memory_space<hbm>>
        %dma_start3A_400 = tpu.memref_squeeze %dma_start3A_399 : memref<1x16x768xf32, #tpu.memory_space<hbm>> -> memref<16x768xf32, #tpu.memory_space<hbm>>
        %dma_start3A_401 = arith.constant 0 : i32
        %dma_start3A_402 = arith.constant 0 : i32
        %dma_start3A_403 = tpu.memref_slice %arg7[%rem3A_20, %sub3A_395, %dma_start3A_401, %dma_start3A_402] : memref<4x9x16x768xf32, #tpu.memory_space<vmem_shared>> -> memref<1x1x16x768xf32, #tpu.memory_space<vmem_shared>>
        %dma_start3A_404 = tpu.memref_squeeze %dma_start3A_403 : memref<1x1x16x768xf32, #tpu.memory_space<vmem_shared>> -> memref<16x768xf32, #tpu.memory_space<vmem_shared>>
        tpu.enqueue_dma source(%dma_start3A_404 : memref<16x768xf32, #tpu.memory_space<vmem_shared>>) target(%dma_start3A_400 : memref<16x768xf32, #tpu.memory_space<hbm>>) target_semaphore(%arg11 : memref<!tpu.dma_semaphore, #tpu.memory_space<semaphore_mem>>)
      } else {
      }
      %jit3A_300 = arith.constant 1 : i32
      %jit3A_301 = arith.constant 0 : i32
      %select_n3A_302 = arith.select %ge3A_296, %jit3A_300, %jit3A_301 : i32
      %add3A_303 = arith.addi %add3A_288, %select_n3A_302 : i32
      %slice3A_304 = vector.extract_strided_slice %get3A_156 {offsets = [10], sizes = [1], strides = [1]} : vector<16xi32> to vector<1xi32>
      %squeeze3A_305 = vector.extract %slice3A_304[0] : i32 from vector<1xi32>
      %mul3A_306 = arith.constant 16 : i32
      %mul3A_307 = arith.muli %while3A_150, %mul3A_306 : i32
      %add3A_308 = arith.constant 10 : i32
      %add3A_309 = arith.addi %mul3A_307, %add3A_308 : i32
      %ge3A_310 = arith.constant 41 : i32
      %ge3A_311 = arith.cmpi sge, %squeeze3A_305, %ge3A_310 : i32
      %convert_element_type3A_312 = arith.extui %ge3A_311 : i1 to i32
      %cond3A_313 = arith.constant 0 : i32
      %cond3A_314 = arith.cmpi ne, %convert_element_type3A_312, %cond3A_313 : i32
      scf.if %cond3A_314 {
        %sub3A_394 = arith.constant 41 : i32
        %sub3A_395 = arith.subi %squeeze3A_305, %sub3A_394 : i32
        %add3A_396 = arith.addi %mul3A_22, %add3A_309 : i32
        %dma_start3A_397 = arith.constant 0 : i32
        %dma_start3A_398 = arith.constant 0 : i32
        %dma_start3A_399 = tpu.memref_slice %arg4[%add3A_396, %dma_start3A_397, %dma_start3A_398] : memref<3136x16x768xf32, #tpu.memory_space<hbm>> -> memref<1x16x768xf32, #tpu.memory_space<hbm>>
        %dma_start3A_400 = tpu.memref_squeeze %dma_start3A_399 : memref<1x16x768xf32, #tpu.memory_space<hbm>> -> memref<16x768xf32, #tpu.memory_space<hbm>>
        %dma_start3A_401 = arith.constant 0 : i32
        %dma_start3A_402 = arith.constant 0 : i32
        %dma_start3A_403 = tpu.memref_slice %arg7[%rem3A_20, %sub3A_395, %dma_start3A_401, %dma_start3A_402] : memref<4x9x16x768xf32, #tpu.memory_space<vmem_shared>> -> memref<1x1x16x768xf32, #tpu.memory_space<vmem_shared>>
        %dma_start3A_404 = tpu.memref_squeeze %dma_start3A_403 : memref<1x1x16x768xf32, #tpu.memory_space<vmem_shared>> -> memref<16x768xf32, #tpu.memory_space<vmem_shared>>
        tpu.enqueue_dma source(%dma_start3A_404 : memref<16x768xf32, #tpu.memory_space<vmem_shared>>) target(%dma_start3A_400 : memref<16x768xf32, #tpu.memory_space<hbm>>) target_semaphore(%arg11 : memref<!tpu.dma_semaphore, #tpu.memory_space<semaphore_mem>>)
      } else {
      }
      %jit3A_315 = arith.constant 1 : i32
      %jit3A_316 = arith.constant 0 : i32
      %select_n3A_317 = arith.select %ge3A_311, %jit3A_315, %jit3A_316 : i32
      %add3A_318 = arith.addi %add3A_303, %select_n3A_317 : i32
      %slice3A_319 = vector.extract_strided_slice %get3A_156 {offsets = [11], sizes = [1], strides = [1]} : vector<16xi32> to vector<1xi32>
      %squeeze3A_320 = vector.extract %slice3A_319[0] : i32 from vector<1xi32>
      %mul3A_321 = arith.constant 16 : i32
      %mul3A_322 = arith.muli %while3A_150, %mul3A_321 : i32
      %add3A_323 = arith.constant 11 : i32
      %add3A_324 = arith.addi %mul3A_322, %add3A_323 : i32
      %ge3A_325 = arith.constant 41 : i32
      %ge3A_326 = arith.cmpi sge, %squeeze3A_320, %ge3A_325 : i32
      %convert_element_type3A_327 = arith.extui %ge3A_326 : i1 to i32
      %cond3A_328 = arith.constant 0 : i32
      %cond3A_329 = arith.cmpi ne, %convert_element_type3A_327, %cond3A_328 : i32
      scf.if %cond3A_329 {
        %sub3A_394 = arith.constant 41 : i32
        %sub3A_395 = arith.subi %squeeze3A_320, %sub3A_394 : i32
        %add3A_396 = arith.addi %mul3A_22, %add3A_324 : i32
        %dma_start3A_397 = arith.constant 0 : i32
        %dma_start3A_398 = arith.constant 0 : i32
        %dma_start3A_399 = tpu.memref_slice %arg4[%add3A_396, %dma_start3A_397, %dma_start3A_398] : memref<3136x16x768xf32, #tpu.memory_space<hbm>> -> memref<1x16x768xf32, #tpu.memory_space<hbm>>
        %dma_start3A_400 = tpu.memref_squeeze %dma_start3A_399 : memref<1x16x768xf32, #tpu.memory_space<hbm>> -> memref<16x768xf32, #tpu.memory_space<hbm>>
        %dma_start3A_401 = arith.constant 0 : i32
        %dma_start3A_402 = arith.constant 0 : i32
        %dma_start3A_403 = tpu.memref_slice %arg7[%rem3A_20, %sub3A_395, %dma_start3A_401, %dma_start3A_402] : memref<4x9x16x768xf32, #tpu.memory_space<vmem_shared>> -> memref<1x1x16x768xf32, #tpu.memory_space<vmem_shared>>
        %dma_start3A_404 = tpu.memref_squeeze %dma_start3A_403 : memref<1x1x16x768xf32, #tpu.memory_space<vmem_shared>> -> memref<16x768xf32, #tpu.memory_space<vmem_shared>>
        tpu.enqueue_dma source(%dma_start3A_404 : memref<16x768xf32, #tpu.memory_space<vmem_shared>>) target(%dma_start3A_400 : memref<16x768xf32, #tpu.memory_space<hbm>>) target_semaphore(%arg11 : memref<!tpu.dma_semaphore, #tpu.memory_space<semaphore_mem>>)
      } else {
      }
      %jit3A_330 = arith.constant 1 : i32
      %jit3A_331 = arith.constant 0 : i32
      %select_n3A_332 = arith.select %ge3A_326, %jit3A_330, %jit3A_331 : i32
      %add3A_333 = arith.addi %add3A_318, %select_n3A_332 : i32
      %slice3A_334 = vector.extract_strided_slice %get3A_156 {offsets = [12], sizes = [1], strides = [1]} : vector<16xi32> to vector<1xi32>
      %squeeze3A_335 = vector.extract %slice3A_334[0] : i32 from vector<1xi32>
      %mul3A_336 = arith.constant 16 : i32
      %mul3A_337 = arith.muli %while3A_150, %mul3A_336 : i32
      %add3A_338 = arith.constant 12 : i32
      %add3A_339 = arith.addi %mul3A_337, %add3A_338 : i32
      %ge3A_340 = arith.constant 41 : i32
      %ge3A_341 = arith.cmpi sge, %squeeze3A_335, %ge3A_340 : i32
      %convert_element_type3A_342 = arith.extui %ge3A_341 : i1 to i32
      %cond3A_343 = arith.constant 0 : i32
      %cond3A_344 = arith.cmpi ne, %convert_element_type3A_342, %cond3A_343 : i32
      scf.if %cond3A_344 {
        %sub3A_394 = arith.constant 41 : i32
        %sub3A_395 = arith.subi %squeeze3A_335, %sub3A_394 : i32
        %add3A_396 = arith.addi %mul3A_22, %add3A_339 : i32
        %dma_start3A_397 = arith.constant 0 : i32
        %dma_start3A_398 = arith.constant 0 : i32
        %dma_start3A_399 = tpu.memref_slice %arg4[%add3A_396, %dma_start3A_397, %dma_start3A_398] : memref<3136x16x768xf32, #tpu.memory_space<hbm>> -> memref<1x16x768xf32, #tpu.memory_space<hbm>>
        %dma_start3A_400 = tpu.memref_squeeze %dma_start3A_399 : memref<1x16x768xf32, #tpu.memory_space<hbm>> -> memref<16x768xf32, #tpu.memory_space<hbm>>
        %dma_start3A_401 = arith.constant 0 : i32
        %dma_start3A_402 = arith.constant 0 : i32
        %dma_start3A_403 = tpu.memref_slice %arg7[%rem3A_20, %sub3A_395, %dma_start3A_401, %dma_start3A_402] : memref<4x9x16x768xf32, #tpu.memory_space<vmem_shared>> -> memref<1x1x16x768xf32, #tpu.memory_space<vmem_shared>>
        %dma_start3A_404 = tpu.memref_squeeze %dma_start3A_403 : memref<1x1x16x768xf32, #tpu.memory_space<vmem_shared>> -> memref<16x768xf32, #tpu.memory_space<vmem_shared>>
        tpu.enqueue_dma source(%dma_start3A_404 : memref<16x768xf32, #tpu.memory_space<vmem_shared>>) target(%dma_start3A_400 : memref<16x768xf32, #tpu.memory_space<hbm>>) target_semaphore(%arg11 : memref<!tpu.dma_semaphore, #tpu.memory_space<semaphore_mem>>)
      } else {
      }
      %jit3A_345 = arith.constant 1 : i32
      %jit3A_346 = arith.constant 0 : i32
      %select_n3A_347 = arith.select %ge3A_341, %jit3A_345, %jit3A_346 : i32
      %add3A_348 = arith.addi %add3A_333, %select_n3A_347 : i32
      %slice3A_349 = vector.extract_strided_slice %get3A_156 {offsets = [13], sizes = [1], strides = [1]} : vector<16xi32> to vector<1xi32>
      %squeeze3A_350 = vector.extract %slice3A_349[0] : i32 from vector<1xi32>
      %mul3A_351 = arith.constant 16 : i32
      %mul3A_352 = arith.muli %while3A_150, %mul3A_351 : i32
      %add3A_353 = arith.constant 13 : i32
      %add3A_354 = arith.addi %mul3A_352, %add3A_353 : i32
      %ge3A_355 = arith.constant 41 : i32
      %ge3A_356 = arith.cmpi sge, %squeeze3A_350, %ge3A_355 : i32
      %convert_element_type3A_357 = arith.extui %ge3A_356 : i1 to i32
      %cond3A_358 = arith.constant 0 : i32
      %cond3A_359 = arith.cmpi ne, %convert_element_type3A_357, %cond3A_358 : i32
      scf.if %cond3A_359 {
        %sub3A_394 = arith.constant 41 : i32
        %sub3A_395 = arith.subi %squeeze3A_350, %sub3A_394 : i32
        %add3A_396 = arith.addi %mul3A_22, %add3A_354 : i32
        %dma_start3A_397 = arith.constant 0 : i32
        %dma_start3A_398 = arith.constant 0 : i32
        %dma_start3A_399 = tpu.memref_slice %arg4[%add3A_396, %dma_start3A_397, %dma_start3A_398] : memref<3136x16x768xf32, #tpu.memory_space<hbm>> -> memref<1x16x768xf32, #tpu.memory_space<hbm>>
        %dma_start3A_400 = tpu.memref_squeeze %dma_start3A_399 : memref<1x16x768xf32, #tpu.memory_space<hbm>> -> memref<16x768xf32, #tpu.memory_space<hbm>>
        %dma_start3A_401 = arith.constant 0 : i32
        %dma_start3A_402 = arith.constant 0 : i32
        %dma_start3A_403 = tpu.memref_slice %arg7[%rem3A_20, %sub3A_395, %dma_start3A_401, %dma_start3A_402] : memref<4x9x16x768xf32, #tpu.memory_space<vmem_shared>> -> memref<1x1x16x768xf32, #tpu.memory_space<vmem_shared>>
        %dma_start3A_404 = tpu.memref_squeeze %dma_start3A_403 : memref<1x1x16x768xf32, #tpu.memory_space<vmem_shared>> -> memref<16x768xf32, #tpu.memory_space<vmem_shared>>
        tpu.enqueue_dma source(%dma_start3A_404 : memref<16x768xf32, #tpu.memory_space<vmem_shared>>) target(%dma_start3A_400 : memref<16x768xf32, #tpu.memory_space<hbm>>) target_semaphore(%arg11 : memref<!tpu.dma_semaphore, #tpu.memory_space<semaphore_mem>>)
      } else {
      }
      %jit3A_360 = arith.constant 1 : i32
      %jit3A_361 = arith.constant 0 : i32
      %select_n3A_362 = arith.select %ge3A_356, %jit3A_360, %jit3A_361 : i32
      %add3A_363 = arith.addi %add3A_348, %select_n3A_362 : i32
      %slice3A_364 = vector.extract_strided_slice %get3A_156 {offsets = [14], sizes = [1], strides = [1]} : vector<16xi32> to vector<1xi32>
      %squeeze3A_365 = vector.extract %slice3A_364[0] : i32 from vector<1xi32>
      %mul3A_366 = arith.constant 16 : i32
      %mul3A_367 = arith.muli %while3A_150, %mul3A_366 : i32
      %add3A_368 = arith.constant 14 : i32
      %add3A_369 = arith.addi %mul3A_367, %add3A_368 : i32
      %ge3A_370 = arith.constant 41 : i32
      %ge3A_371 = arith.cmpi sge, %squeeze3A_365, %ge3A_370 : i32
      %convert_element_type3A_372 = arith.extui %ge3A_371 : i1 to i32
      %cond3A_373 = arith.constant 0 : i32
      %cond3A_374 = arith.cmpi ne, %convert_element_type3A_372, %cond3A_373 : i32
      scf.if %cond3A_374 {
        %sub3A_394 = arith.constant 41 : i32
        %sub3A_395 = arith.subi %squeeze3A_365, %sub3A_394 : i32
        %add3A_396 = arith.addi %mul3A_22, %add3A_369 : i32
        %dma_start3A_397 = arith.constant 0 : i32
        %dma_start3A_398 = arith.constant 0 : i32
        %dma_start3A_399 = tpu.memref_slice %arg4[%add3A_396, %dma_start3A_397, %dma_start3A_398] : memref<3136x16x768xf32, #tpu.memory_space<hbm>> -> memref<1x16x768xf32, #tpu.memory_space<hbm>>
        %dma_start3A_400 = tpu.memref_squeeze %dma_start3A_399 : memref<1x16x768xf32, #tpu.memory_space<hbm>> -> memref<16x768xf32, #tpu.memory_space<hbm>>
        %dma_start3A_401 = arith.constant 0 : i32
        %dma_start3A_402 = arith.constant 0 : i32
        %dma_start3A_403 = tpu.memref_slice %arg7[%rem3A_20, %sub3A_395, %dma_start3A_401, %dma_start3A_402] : memref<4x9x16x768xf32, #tpu.memory_space<vmem_shared>> -> memref<1x1x16x768xf32, #tpu.memory_space<vmem_shared>>
        %dma_start3A_404 = tpu.memref_squeeze %dma_start3A_403 : memref<1x1x16x768xf32, #tpu.memory_space<vmem_shared>> -> memref<16x768xf32, #tpu.memory_space<vmem_shared>>
        tpu.enqueue_dma source(%dma_start3A_404 : memref<16x768xf32, #tpu.memory_space<vmem_shared>>) target(%dma_start3A_400 : memref<16x768xf32, #tpu.memory_space<hbm>>) target_semaphore(%arg11 : memref<!tpu.dma_semaphore, #tpu.memory_space<semaphore_mem>>)
      } else {
      }
      %jit3A_375 = arith.constant 1 : i32
      %jit3A_376 = arith.constant 0 : i32
      %select_n3A_377 = arith.select %ge3A_371, %jit3A_375, %jit3A_376 : i32
      %add3A_378 = arith.addi %add3A_363, %select_n3A_377 : i32
      %slice3A_379 = vector.extract_strided_slice %get3A_156 {offsets = [15], sizes = [1], strides = [1]} : vector<16xi32> to vector<1xi32>
      %squeeze3A_380 = vector.extract %slice3A_379[0] : i32 from vector<1xi32>
      %mul3A_381 = arith.constant 16 : i32
      %mul3A_382 = arith.muli %while3A_150, %mul3A_381 : i32
      %add3A_383 = arith.constant 15 : i32
      %add3A_384 = arith.addi %mul3A_382, %add3A_383 : i32
      %ge3A_385 = arith.constant 41 : i32
      %ge3A_386 = arith.cmpi sge, %squeeze3A_380, %ge3A_385 : i32
      %convert_element_type3A_387 = arith.extui %ge3A_386 : i1 to i32
      %cond3A_388 = arith.constant 0 : i32
      %cond3A_389 = arith.cmpi ne, %convert_element_type3A_387, %cond3A_388 : i32
      scf.if %cond3A_389 {
        %sub3A_394 = arith.constant 41 : i32
        %sub3A_395 = arith.subi %squeeze3A_380, %sub3A_394 : i32
        %add3A_396 = arith.addi %mul3A_22, %add3A_384 : i32
        %dma_start3A_397 = arith.constant 0 : i32
        %dma_start3A_398 = arith.constant 0 : i32
        %dma_start3A_399 = tpu.memref_slice %arg4[%add3A_396, %dma_start3A_397, %dma_start3A_398] : memref<3136x16x768xf32, #tpu.memory_space<hbm>> -> memref<1x16x768xf32, #tpu.memory_space<hbm>>
        %dma_start3A_400 = tpu.memref_squeeze %dma_start3A_399 : memref<1x16x768xf32, #tpu.memory_space<hbm>> -> memref<16x768xf32, #tpu.memory_space<hbm>>
        %dma_start3A_401 = arith.constant 0 : i32
        %dma_start3A_402 = arith.constant 0 : i32
        %dma_start3A_403 = tpu.memref_slice %arg7[%rem3A_20, %sub3A_395, %dma_start3A_401, %dma_start3A_402] : memref<4x9x16x768xf32, #tpu.memory_space<vmem_shared>> -> memref<1x1x16x768xf32, #tpu.memory_space<vmem_shared>>
        %dma_start3A_404 = tpu.memref_squeeze %dma_start3A_403 : memref<1x1x16x768xf32, #tpu.memory_space<vmem_shared>> -> memref<16x768xf32, #tpu.memory_space<vmem_shared>>
        tpu.enqueue_dma source(%dma_start3A_404 : memref<16x768xf32, #tpu.memory_space<vmem_shared>>) target(%dma_start3A_400 : memref<16x768xf32, #tpu.memory_space<hbm>>) target_semaphore(%arg11 : memref<!tpu.dma_semaphore, #tpu.memory_space<semaphore_mem>>)
      } else {
      }
      %jit3A_390 = arith.constant 1 : i32
      %jit3A_391 = arith.constant 0 : i32
      %select_n3A_392 = arith.select %ge3A_386, %jit3A_390, %jit3A_391 : i32
      %add3A_393 = arith.addi %add3A_378, %select_n3A_392 : i32
      scf.yield %add3A_393 : i32
    }
    %while3A_128 = arith.constant 1 : i32
    %while3A_129 = scf.for %while3A_150 = %while3A_125 to %while3A_121 step %while3A_128 iter_args(%while3A_151 = %while3A_127) -> (i32)  : i32 {
      %mul3A_152 = arith.constant 16 : i32
      %mul3A_153 = arith.muli %mul3A_152, %while3A_150 : i32
      %get3A_154 = arith.index_cast %mul3A_153 : i32 to index
      %get3A_155 = tpu.vector_load %arg5[%get3A_154] {strides = array<i32>} : memref<432xi32, #tpu.memory_space<vmem>>, vector<16xi32>,
      %get3A_156 = vector.shape_cast %get3A_155 : vector<16xi32> to vector<16xi32>
      %slice3A = vector.extract_strided_slice %get3A_156 {offsets = [0], sizes = [1], strides = [1]} : vector<16xi32> to vector<1xi32>
      %squeeze3A = vector.extract %slice3A[0] : i32 from vector<1xi32>
      %mul3A_157 = arith.constant 16 : i32
      %mul3A_158 = arith.muli %while3A_150, %mul3A_157 : i32
      %add3A_159 = arith.constant 0 : i32
      %add3A_160 = arith.addi %mul3A_158, %add3A_159 : i32
      %ge3A = arith.constant 41 : i32
      %ge3A_161 = arith.cmpi sge, %squeeze3A, %ge3A : i32
      %convert_element_type3A_162 = arith.extui %ge3A_161 : i1 to i32
      %cond3A_163 = arith.constant 0 : i32
      %cond3A_164 = arith.cmpi ne, %convert_element_type3A_162, %cond3A_163 : i32
      scf.if %cond3A_164 {
        %sub3A_394 = arith.constant 41 : i32
        %sub3A_395 = arith.subi %squeeze3A, %sub3A_394 : i32
        %add3A_396 = arith.addi %mul3A_22, %add3A_160 : i32
        %dma_start3A_397 = arith.constant 0 : i32
        %dma_start3A_398 = arith.constant 0 : i32
        %dma_start3A_399 = tpu.memref_slice %arg4[%add3A_396, %dma_start3A_397, %dma_start3A_398] : memref<3136x16x768xf32, #tpu.memory_space<hbm>> -> memref<1x16x768xf32, #tpu.memory_space<hbm>>
        %dma_start3A_400 = tpu.memref_squeeze %dma_start3A_399 : memref<1x16x768xf32, #tpu.memory_space<hbm>> -> memref<16x768xf32, #tpu.memory_space<hbm>>
        %dma_start3A_401 = arith.constant 0 : i32
        %dma_start3A_402 = arith.constant 0 : i32
        %dma_start3A_403 = tpu.memref_slice %arg7[%rem3A_20, %sub3A_395, %dma_start3A_401, %dma_start3A_402] : memref<4x9x16x768xf32, #tpu.memory_space<vmem_shared>> -> memref<1x1x16x768xf32, #tpu.memory_space<vmem_shared>>
        %dma_start3A_404 = tpu.memref_squeeze %dma_start3A_403 : memref<1x1x16x768xf32, #tpu.memory_space<vmem_shared>> -> memref<16x768xf32, #tpu.memory_space<vmem_shared>>
        tpu.enqueue_dma source(%dma_start3A_404 : memref<16x768xf32, #tpu.memory_space<vmem_shared>>) target(%dma_start3A_400 : memref<16x768xf32, #tpu.memory_space<hbm>>) target_semaphore(%arg11 : memref<!tpu.dma_semaphore, #tpu.memory_space<semaphore_mem>>)
      } else {
      }
      %jit3A_165 = arith.constant 1 : i32
      %jit3A_166 = arith.constant 0 : i32
      %select_n3A_167 = arith.select %ge3A_161, %jit3A_165, %jit3A_166 : i32
      %add3A_168 = arith.addi %while3A_151, %select_n3A_167 : i32
      %slice3A_169 = vector.extract_strided_slice %get3A_156 {offsets = [1], sizes = [1], strides = [1]} : vector<16xi32> to vector<1xi32>
      %squeeze3A_170 = vector.extract %slice3A_169[0] : i32 from vector<1xi32>
      %mul3A_171 = arith.constant 16 : i32
      %mul3A_172 = arith.muli %while3A_150, %mul3A_171 : i32
      %add3A_173 = arith.constant 1 : i32
      %add3A_174 = arith.addi %mul3A_172, %add3A_173 : i32
      %ge3A_175 = arith.constant 41 : i32
      %ge3A_176 = arith.cmpi sge, %squeeze3A_170, %ge3A_175 : i32
      %convert_element_type3A_177 = arith.extui %ge3A_176 : i1 to i32
      %cond3A_178 = arith.constant 0 : i32
      %cond3A_179 = arith.cmpi ne, %convert_element_type3A_177, %cond3A_178 : i32
      scf.if %cond3A_179 {
        %sub3A_394 = arith.constant 41 : i32
        %sub3A_395 = arith.subi %squeeze3A_170, %sub3A_394 : i32
        %add3A_396 = arith.addi %mul3A_22, %add3A_174 : i32
        %dma_start3A_397 = arith.constant 0 : i32
        %dma_start3A_398 = arith.constant 0 : i32
        %dma_start3A_399 = tpu.memref_slice %arg4[%add3A_396, %dma_start3A_397, %dma_start3A_398] : memref<3136x16x768xf32, #tpu.memory_space<hbm>> -> memref<1x16x768xf32, #tpu.memory_space<hbm>>
        %dma_start3A_400 = tpu.memref_squeeze %dma_start3A_399 : memref<1x16x768xf32, #tpu.memory_space<hbm>> -> memref<16x768xf32, #tpu.memory_space<hbm>>
        %dma_start3A_401 = arith.constant 0 : i32
        %dma_start3A_402 = arith.constant 0 : i32
        %dma_start3A_403 = tpu.memref_slice %arg7[%rem3A_20, %sub3A_395, %dma_start3A_401, %dma_start3A_402] : memref<4x9x16x768xf32, #tpu.memory_space<vmem_shared>> -> memref<1x1x16x768xf32, #tpu.memory_space<vmem_shared>>
        %dma_start3A_404 = tpu.memref_squeeze %dma_start3A_403 : memref<1x1x16x768xf32, #tpu.memory_space<vmem_shared>> -> memref<16x768xf32, #tpu.memory_space<vmem_shared>>
        tpu.enqueue_dma source(%dma_start3A_404 : memref<16x768xf32, #tpu.memory_space<vmem_shared>>) target(%dma_start3A_400 : memref<16x768xf32, #tpu.memory_space<hbm>>) target_semaphore(%arg11 : memref<!tpu.dma_semaphore, #tpu.memory_space<semaphore_mem>>)
      } else {
      }
      %jit3A_180 = arith.constant 1 : i32
      %jit3A_181 = arith.constant 0 : i32
      %select_n3A_182 = arith.select %ge3A_176, %jit3A_180, %jit3A_181 : i32
      %add3A_183 = arith.addi %add3A_168, %select_n3A_182 : i32
      %slice3A_184 = vector.extract_strided_slice %get3A_156 {offsets = [2], sizes = [1], strides = [1]} : vector<16xi32> to vector<1xi32>
      %squeeze3A_185 = vector.extract %slice3A_184[0] : i32 from vector<1xi32>
      %mul3A_186 = arith.constant 16 : i32
      %mul3A_187 = arith.muli %while3A_150, %mul3A_186 : i32
      %add3A_188 = arith.constant 2 : i32
      %add3A_189 = arith.addi %mul3A_187, %add3A_188 : i32
      %ge3A_190 = arith.constant 41 : i32
      %ge3A_191 = arith.cmpi sge, %squeeze3A_185, %ge3A_190 : i32
      %convert_element_type3A_192 = arith.extui %ge3A_191 : i1 to i32
      %cond3A_193 = arith.constant 0 : i32
      %cond3A_194 = arith.cmpi ne, %convert_element_type3A_192, %cond3A_193 : i32
      scf.if %cond3A_194 {
        %sub3A_394 = arith.constant 41 : i32
        %sub3A_395 = arith.subi %squeeze3A_185, %sub3A_394 : i32
        %add3A_396 = arith.addi %mul3A_22, %add3A_189 : i32
        %dma_start3A_397 = arith.constant 0 : i32
        %dma_start3A_398 = arith.constant 0 : i32
        %dma_start3A_399 = tpu.memref_slice %arg4[%add3A_396, %dma_start3A_397, %dma_start3A_398] : memref<3136x16x768xf32, #tpu.memory_space<hbm>> -> memref<1x16x768xf32, #tpu.memory_space<hbm>>
        %dma_start3A_400 = tpu.memref_squeeze %dma_start3A_399 : memref<1x16x768xf32, #tpu.memory_space<hbm>> -> memref<16x768xf32, #tpu.memory_space<hbm>>
        %dma_start3A_401 = arith.constant 0 : i32
        %dma_start3A_402 = arith.constant 0 : i32
        %dma_start3A_403 = tpu.memref_slice %arg7[%rem3A_20, %sub3A_395, %dma_start3A_401, %dma_start3A_402] : memref<4x9x16x768xf32, #tpu.memory_space<vmem_shared>> -> memref<1x1x16x768xf32, #tpu.memory_space<vmem_shared>>
        %dma_start3A_404 = tpu.memref_squeeze %dma_start3A_403 : memref<1x1x16x768xf32, #tpu.memory_space<vmem_shared>> -> memref<16x768xf32, #tpu.memory_space<vmem_shared>>
        tpu.enqueue_dma source(%dma_start3A_404 : memref<16x768xf32, #tpu.memory_space<vmem_shared>>) target(%dma_start3A_400 : memref<16x768xf32, #tpu.memory_space<hbm>>) target_semaphore(%arg11 : memref<!tpu.dma_semaphore, #tpu.memory_space<semaphore_mem>>)
      } else {
      }
      %jit3A_195 = arith.constant 1 : i32
      %jit3A_196 = arith.constant 0 : i32
      %select_n3A_197 = arith.select %ge3A_191, %jit3A_195, %jit3A_196 : i32
      %add3A_198 = arith.addi %add3A_183, %select_n3A_197 : i32
      %slice3A_199 = vector.extract_strided_slice %get3A_156 {offsets = [3], sizes = [1], strides = [1]} : vector<16xi32> to vector<1xi32>
      %squeeze3A_200 = vector.extract %slice3A_199[0] : i32 from vector<1xi32>
      %mul3A_201 = arith.constant 16 : i32
      %mul3A_202 = arith.muli %while3A_150, %mul3A_201 : i32
      %add3A_203 = arith.constant 3 : i32
      %add3A_204 = arith.addi %mul3A_202, %add3A_203 : i32
      %ge3A_205 = arith.constant 41 : i32
      %ge3A_206 = arith.cmpi sge, %squeeze3A_200, %ge3A_205 : i32
      %convert_element_type3A_207 = arith.extui %ge3A_206 : i1 to i32
      %cond3A_208 = arith.constant 0 : i32
      %cond3A_209 = arith.cmpi ne, %convert_element_type3A_207, %cond3A_208 : i32
      scf.if %cond3A_209 {
        %sub3A_394 = arith.constant 41 : i32
        %sub3A_395 = arith.subi %squeeze3A_200, %sub3A_394 : i32
        %add3A_396 = arith.addi %mul3A_22, %add3A_204 : i32
        %dma_start3A_397 = arith.constant 0 : i32
        %dma_start3A_398 = arith.constant 0 : i32
        %dma_start3A_399 = tpu.memref_slice %arg4[%add3A_396, %dma_start3A_397, %dma_start3A_398] : memref<3136x16x768xf32, #tpu.memory_space<hbm>> -> memref<1x16x768xf32, #tpu.memory_space<hbm>>
        %dma_start3A_400 = tpu.memref_squeeze %dma_start3A_399 : memref<1x16x768xf32, #tpu.memory_space<hbm>> -> memref<16x768xf32, #tpu.memory_space<hbm>>
        %dma_start3A_401 = arith.constant 0 : i32
        %dma_start3A_402 = arith.constant 0 : i32
        %dma_start3A_403 = tpu.memref_slice %arg7[%rem3A_20, %sub3A_395, %dma_start3A_401, %dma_start3A_402] : memref<4x9x16x768xf32, #tpu.memory_space<vmem_shared>> -> memref<1x1x16x768xf32, #tpu.memory_space<vmem_shared>>
        %dma_start3A_404 = tpu.memref_squeeze %dma_start3A_403 : memref<1x1x16x768xf32, #tpu.memory_space<vmem_shared>> -> memref<16x768xf32, #tpu.memory_space<vmem_shared>>
        tpu.enqueue_dma source(%dma_start3A_404 : memref<16x768xf32, #tpu.memory_space<vmem_shared>>) target(%dma_start3A_400 : memref<16x768xf32, #tpu.memory_space<hbm>>) target_semaphore(%arg11 : memref<!tpu.dma_semaphore, #tpu.memory_space<semaphore_mem>>)
      } else {
      }
      %jit3A_210 = arith.constant 1 : i32
      %jit3A_211 = arith.constant 0 : i32
      %select_n3A_212 = arith.select %ge3A_206, %jit3A_210, %jit3A_211 : i32
      %add3A_213 = arith.addi %add3A_198, %select_n3A_212 : i32
      %slice3A_214 = vector.extract_strided_slice %get3A_156 {offsets = [4], sizes = [1], strides = [1]} : vector<16xi32> to vector<1xi32>
      %squeeze3A_215 = vector.extract %slice3A_214[0] : i32 from vector<1xi32>
      %mul3A_216 = arith.constant 16 : i32
      %mul3A_217 = arith.muli %while3A_150, %mul3A_216 : i32
      %add3A_218 = arith.constant 4 : i32
      %add3A_219 = arith.addi %mul3A_217, %add3A_218 : i32
      %ge3A_220 = arith.constant 41 : i32
      %ge3A_221 = arith.cmpi sge, %squeeze3A_215, %ge3A_220 : i32
      %convert_element_type3A_222 = arith.extui %ge3A_221 : i1 to i32
      %cond3A_223 = arith.constant 0 : i32
      %cond3A_224 = arith.cmpi ne, %convert_element_type3A_222, %cond3A_223 : i32
      scf.if %cond3A_224 {
        %sub3A_394 = arith.constant 41 : i32
        %sub3A_395 = arith.subi %squeeze3A_215, %sub3A_394 : i32
        %add3A_396 = arith.addi %mul3A_22, %add3A_219 : i32
        %dma_start3A_397 = arith.constant 0 : i32
        %dma_start3A_398 = arith.constant 0 : i32
        %dma_start3A_399 = tpu.memref_slice %arg4[%add3A_396, %dma_start3A_397, %dma_start3A_398] : memref<3136x16x768xf32, #tpu.memory_space<hbm>> -> memref<1x16x768xf32, #tpu.memory_space<hbm>>
        %dma_start3A_400 = tpu.memref_squeeze %dma_start3A_399 : memref<1x16x768xf32, #tpu.memory_space<hbm>> -> memref<16x768xf32, #tpu.memory_space<hbm>>
        %dma_start3A_401 = arith.constant 0 : i32
        %dma_start3A_402 = arith.constant 0 : i32
        %dma_start3A_403 = tpu.memref_slice %arg7[%rem3A_20, %sub3A_395, %dma_start3A_401, %dma_start3A_402] : memref<4x9x16x768xf32, #tpu.memory_space<vmem_shared>> -> memref<1x1x16x768xf32, #tpu.memory_space<vmem_shared>>
        %dma_start3A_404 = tpu.memref_squeeze %dma_start3A_403 : memref<1x1x16x768xf32, #tpu.memory_space<vmem_shared>> -> memref<16x768xf32, #tpu.memory_space<vmem_shared>>
        tpu.enqueue_dma source(%dma_start3A_404 : memref<16x768xf32, #tpu.memory_space<vmem_shared>>) target(%dma_start3A_400 : memref<16x768xf32, #tpu.memory_space<hbm>>) target_semaphore(%arg11 : memref<!tpu.dma_semaphore, #tpu.memory_space<semaphore_mem>>)
      } else {
      }
      %jit3A_225 = arith.constant 1 : i32
      %jit3A_226 = arith.constant 0 : i32
      %select_n3A_227 = arith.select %ge3A_221, %jit3A_225, %jit3A_226 : i32
      %add3A_228 = arith.addi %add3A_213, %select_n3A_227 : i32
      %slice3A_229 = vector.extract_strided_slice %get3A_156 {offsets = [5], sizes = [1], strides = [1]} : vector<16xi32> to vector<1xi32>
      %squeeze3A_230 = vector.extract %slice3A_229[0] : i32 from vector<1xi32>
      %mul3A_231 = arith.constant 16 : i32
      %mul3A_232 = arith.muli %while3A_150, %mul3A_231 : i32
      %add3A_233 = arith.constant 5 : i32
      %add3A_234 = arith.addi %mul3A_232, %add3A_233 : i32
      %ge3A_235 = arith.constant 41 : i32
      %ge3A_236 = arith.cmpi sge, %squeeze3A_230, %ge3A_235 : i32
      %convert_element_type3A_237 = arith.extui %ge3A_236 : i1 to i32
      %cond3A_238 = arith.constant 0 : i32
      %cond3A_239 = arith.cmpi ne, %convert_element_type3A_237, %cond3A_238 : i32
      scf.if %cond3A_239 {
        %sub3A_394 = arith.constant 41 : i32
        %sub3A_395 = arith.subi %squeeze3A_230, %sub3A_394 : i32
        %add3A_396 = arith.addi %mul3A_22, %add3A_234 : i32
        %dma_start3A_397 = arith.constant 0 : i32
        %dma_start3A_398 = arith.constant 0 : i32
        %dma_start3A_399 = tpu.memref_slice %arg4[%add3A_396, %dma_start3A_397, %dma_start3A_398] : memref<3136x16x768xf32, #tpu.memory_space<hbm>> -> memref<1x16x768xf32, #tpu.memory_space<hbm>>
        %dma_start3A_400 = tpu.memref_squeeze %dma_start3A_399 : memref<1x16x768xf32, #tpu.memory_space<hbm>> -> memref<16x768xf32, #tpu.memory_space<hbm>>
        %dma_start3A_401 = arith.constant 0 : i32
        %dma_start3A_402 = arith.constant 0 : i32
        %dma_start3A_403 = tpu.memref_slice %arg7[%rem3A_20, %sub3A_395, %dma_start3A_401, %dma_start3A_402] : memref<4x9x16x768xf32, #tpu.memory_space<vmem_shared>> -> memref<1x1x16x768xf32, #tpu.memory_space<vmem_shared>>
        %dma_start3A_404 = tpu.memref_squeeze %dma_start3A_403 : memref<1x1x16x768xf32, #tpu.memory_space<vmem_shared>> -> memref<16x768xf32, #tpu.memory_space<vmem_shared>>
        tpu.enqueue_dma source(%dma_start3A_404 : memref<16x768xf32, #tpu.memory_space<vmem_shared>>) target(%dma_start3A_400 : memref<16x768xf32, #tpu.memory_space<hbm>>) target_semaphore(%arg11 : memref<!tpu.dma_semaphore, #tpu.memory_space<semaphore_mem>>)
      } else {
      }
      %jit3A_240 = arith.constant 1 : i32
      %jit3A_241 = arith.constant 0 : i32
      %select_n3A_242 = arith.select %ge3A_236, %jit3A_240, %jit3A_241 : i32
      %add3A_243 = arith.addi %add3A_228, %select_n3A_242 : i32
      %slice3A_244 = vector.extract_strided_slice %get3A_156 {offsets = [6], sizes = [1], strides = [1]} : vector<16xi32> to vector<1xi32>
      %squeeze3A_245 = vector.extract %slice3A_244[0] : i32 from vector<1xi32>
      %mul3A_246 = arith.constant 16 : i32
      %mul3A_247 = arith.muli %while3A_150, %mul3A_246 : i32
      %add3A_248 = arith.constant 6 : i32
      %add3A_249 = arith.addi %mul3A_247, %add3A_248 : i32
      %ge3A_250 = arith.constant 41 : i32
      %ge3A_251 = arith.cmpi sge, %squeeze3A_245, %ge3A_250 : i32
      %convert_element_type3A_252 = arith.extui %ge3A_251 : i1 to i32
      %cond3A_253 = arith.constant 0 : i32
      %cond3A_254 = arith.cmpi ne, %convert_element_type3A_252, %cond3A_253 : i32
      scf.if %cond3A_254 {
        %sub3A_394 = arith.constant 41 : i32
        %sub3A_395 = arith.subi %squeeze3A_245, %sub3A_394 : i32
        %add3A_396 = arith.addi %mul3A_22, %add3A_249 : i32
        %dma_start3A_397 = arith.constant 0 : i32
        %dma_start3A_398 = arith.constant 0 : i32
        %dma_start3A_399 = tpu.memref_slice %arg4[%add3A_396, %dma_start3A_397, %dma_start3A_398] : memref<3136x16x768xf32, #tpu.memory_space<hbm>> -> memref<1x16x768xf32, #tpu.memory_space<hbm>>
        %dma_start3A_400 = tpu.memref_squeeze %dma_start3A_399 : memref<1x16x768xf32, #tpu.memory_space<hbm>> -> memref<16x768xf32, #tpu.memory_space<hbm>>
        %dma_start3A_401 = arith.constant 0 : i32
        %dma_start3A_402 = arith.constant 0 : i32
        %dma_start3A_403 = tpu.memref_slice %arg7[%rem3A_20, %sub3A_395, %dma_start3A_401, %dma_start3A_402] : memref<4x9x16x768xf32, #tpu.memory_space<vmem_shared>> -> memref<1x1x16x768xf32, #tpu.memory_space<vmem_shared>>
        %dma_start3A_404 = tpu.memref_squeeze %dma_start3A_403 : memref<1x1x16x768xf32, #tpu.memory_space<vmem_shared>> -> memref<16x768xf32, #tpu.memory_space<vmem_shared>>
        tpu.enqueue_dma source(%dma_start3A_404 : memref<16x768xf32, #tpu.memory_space<vmem_shared>>) target(%dma_start3A_400 : memref<16x768xf32, #tpu.memory_space<hbm>>) target_semaphore(%arg11 : memref<!tpu.dma_semaphore, #tpu.memory_space<semaphore_mem>>)
      } else {
      }
      %jit3A_255 = arith.constant 1 : i32
      %jit3A_256 = arith.constant 0 : i32
      %select_n3A_257 = arith.select %ge3A_251, %jit3A_255, %jit3A_256 : i32
      %add3A_258 = arith.addi %add3A_243, %select_n3A_257 : i32
      %slice3A_259 = vector.extract_strided_slice %get3A_156 {offsets = [7], sizes = [1], strides = [1]} : vector<16xi32> to vector<1xi32>
      %squeeze3A_260 = vector.extract %slice3A_259[0] : i32 from vector<1xi32>
      %mul3A_261 = arith.constant 16 : i32
      %mul3A_262 = arith.muli %while3A_150, %mul3A_261 : i32
      %add3A_263 = arith.constant 7 : i32
      %add3A_264 = arith.addi %mul3A_262, %add3A_263 : i32
      %ge3A_265 = arith.constant 41 : i32
      %ge3A_266 = arith.cmpi sge, %squeeze3A_260, %ge3A_265 : i32
      %convert_element_type3A_267 = arith.extui %ge3A_266 : i1 to i32
      %cond3A_268 = arith.constant 0 : i32
      %cond3A_269 = arith.cmpi ne, %convert_element_type3A_267, %cond3A_268 : i32
      scf.if %cond3A_269 {
        %sub3A_394 = arith.constant 41 : i32
        %sub3A_395 = arith.subi %squeeze3A_260, %sub3A_394 : i32
        %add3A_396 = arith.addi %mul3A_22, %add3A_264 : i32
        %dma_start3A_397 = arith.constant 0 : i32
        %dma_start3A_398 = arith.constant 0 : i32
        %dma_start3A_399 = tpu.memref_slice %arg4[%add3A_396, %dma_start3A_397, %dma_start3A_398] : memref<3136x16x768xf32, #tpu.memory_space<hbm>> -> memref<1x16x768xf32, #tpu.memory_space<hbm>>
        %dma_start3A_400 = tpu.memref_squeeze %dma_start3A_399 : memref<1x16x768xf32, #tpu.memory_space<hbm>> -> memref<16x768xf32, #tpu.memory_space<hbm>>
        %dma_start3A_401 = arith.constant 0 : i32
        %dma_start3A_402 = arith.constant 0 : i32
        %dma_start3A_403 = tpu.memref_slice %arg7[%rem3A_20, %sub3A_395, %dma_start3A_401, %dma_start3A_402] : memref<4x9x16x768xf32, #tpu.memory_space<vmem_shared>> -> memref<1x1x16x768xf32, #tpu.memory_space<vmem_shared>>
        %dma_start3A_404 = tpu.memref_squeeze %dma_start3A_403 : memref<1x1x16x768xf32, #tpu.memory_space<vmem_shared>> -> memref<16x768xf32, #tpu.memory_space<vmem_shared>>
        tpu.enqueue_dma source(%dma_start3A_404 : memref<16x768xf32, #tpu.memory_space<vmem_shared>>) target(%dma_start3A_400 : memref<16x768xf32, #tpu.memory_space<hbm>>) target_semaphore(%arg11 : memref<!tpu.dma_semaphore, #tpu.memory_space<semaphore_mem>>)
      } else {
      }
      %jit3A_270 = arith.constant 1 : i32
      %jit3A_271 = arith.constant 0 : i32
      %select_n3A_272 = arith.select %ge3A_266, %jit3A_270, %jit3A_271 : i32
      %add3A_273 = arith.addi %add3A_258, %select_n3A_272 : i32
      %slice3A_274 = vector.extract_strided_slice %get3A_156 {offsets = [8], sizes = [1], strides = [1]} : vector<16xi32> to vector<1xi32>
      %squeeze3A_275 = vector.extract %slice3A_274[0] : i32 from vector<1xi32>
      %mul3A_276 = arith.constant 16 : i32
      %mul3A_277 = arith.muli %while3A_150, %mul3A_276 : i32
      %add3A_278 = arith.constant 8 : i32
      %add3A_279 = arith.addi %mul3A_277, %add3A_278 : i32
      %ge3A_280 = arith.constant 41 : i32
      %ge3A_281 = arith.cmpi sge, %squeeze3A_275, %ge3A_280 : i32
      %convert_element_type3A_282 = arith.extui %ge3A_281 : i1 to i32
      %cond3A_283 = arith.constant 0 : i32
      %cond3A_284 = arith.cmpi ne, %convert_element_type3A_282, %cond3A_283 : i32
      scf.if %cond3A_284 {
        %sub3A_394 = arith.constant 41 : i32
        %sub3A_395 = arith.subi %squeeze3A_275, %sub3A_394 : i32
        %add3A_396 = arith.addi %mul3A_22, %add3A_279 : i32
        %dma_start3A_397 = arith.constant 0 : i32
        %dma_start3A_398 = arith.constant 0 : i32
        %dma_start3A_399 = tpu.memref_slice %arg4[%add3A_396, %dma_start3A_397, %dma_start3A_398] : memref<3136x16x768xf32, #tpu.memory_space<hbm>> -> memref<1x16x768xf32, #tpu.memory_space<hbm>>
        %dma_start3A_400 = tpu.memref_squeeze %dma_start3A_399 : memref<1x16x768xf32, #tpu.memory_space<hbm>> -> memref<16x768xf32, #tpu.memory_space<hbm>>
        %dma_start3A_401 = arith.constant 0 : i32
        %dma_start3A_402 = arith.constant 0 : i32
        %dma_start3A_403 = tpu.memref_slice %arg7[%rem3A_20, %sub3A_395, %dma_start3A_401, %dma_start3A_402] : memref<4x9x16x768xf32, #tpu.memory_space<vmem_shared>> -> memref<1x1x16x768xf32, #tpu.memory_space<vmem_shared>>
        %dma_start3A_404 = tpu.memref_squeeze %dma_start3A_403 : memref<1x1x16x768xf32, #tpu.memory_space<vmem_shared>> -> memref<16x768xf32, #tpu.memory_space<vmem_shared>>
        tpu.enqueue_dma source(%dma_start3A_404 : memref<16x768xf32, #tpu.memory_space<vmem_shared>>) target(%dma_start3A_400 : memref<16x768xf32, #tpu.memory_space<hbm>>) target_semaphore(%arg11 : memref<!tpu.dma_semaphore, #tpu.memory_space<semaphore_mem>>)
      } else {
      }
      %jit3A_285 = arith.constant 1 : i32
      %jit3A_286 = arith.constant 0 : i32
      %select_n3A_287 = arith.select %ge3A_281, %jit3A_285, %jit3A_286 : i32
      %add3A_288 = arith.addi %add3A_273, %select_n3A_287 : i32
      %slice3A_289 = vector.extract_strided_slice %get3A_156 {offsets = [9], sizes = [1], strides = [1]} : vector<16xi32> to vector<1xi32>
      %squeeze3A_290 = vector.extract %slice3A_289[0] : i32 from vector<1xi32>
      %mul3A_291 = arith.constant 16 : i32
      %mul3A_292 = arith.muli %while3A_150, %mul3A_291 : i32
      %add3A_293 = arith.constant 9 : i32
      %add3A_294 = arith.addi %mul3A_292, %add3A_293 : i32
      %ge3A_295 = arith.constant 41 : i32
      %ge3A_296 = arith.cmpi sge, %squeeze3A_290, %ge3A_295 : i32
      %convert_element_type3A_297 = arith.extui %ge3A_296 : i1 to i32
      %cond3A_298 = arith.constant 0 : i32
      %cond3A_299 = arith.cmpi ne, %convert_element_type3A_297, %cond3A_298 : i32
      scf.if %cond3A_299 {
        %sub3A_394 = arith.constant 41 : i32
        %sub3A_395 = arith.subi %squeeze3A_290, %sub3A_394 : i32
        %add3A_396 = arith.addi %mul3A_22, %add3A_294 : i32
        %dma_start3A_397 = arith.constant 0 : i32
        %dma_start3A_398 = arith.constant 0 : i32
        %dma_start3A_399 = tpu.memref_slice %arg4[%add3A_396, %dma_start3A_397, %dma_start3A_398] : memref<3136x16x768xf32, #tpu.memory_space<hbm>> -> memref<1x16x768xf32, #tpu.memory_space<hbm>>
        %dma_start3A_400 = tpu.memref_squeeze %dma_start3A_399 : memref<1x16x768xf32, #tpu.memory_space<hbm>> -> memref<16x768xf32, #tpu.memory_space<hbm>>
        %dma_start3A_401 = arith.constant 0 : i32
        %dma_start3A_402 = arith.constant 0 : i32
        %dma_start3A_403 = tpu.memref_slice %arg7[%rem3A_20, %sub3A_395, %dma_start3A_401, %dma_start3A_402] : memref<4x9x16x768xf32, #tpu.memory_space<vmem_shared>> -> memref<1x1x16x768xf32, #tpu.memory_space<vmem_shared>>
        %dma_start3A_404 = tpu.memref_squeeze %dma_start3A_403 : memref<1x1x16x768xf32, #tpu.memory_space<vmem_shared>> -> memref<16x768xf32, #tpu.memory_space<vmem_shared>>
        tpu.enqueue_dma source(%dma_start3A_404 : memref<16x768xf32, #tpu.memory_space<vmem_shared>>) target(%dma_start3A_400 : memref<16x768xf32, #tpu.memory_space<hbm>>) target_semaphore(%arg11 : memref<!tpu.dma_semaphore, #tpu.memory_space<semaphore_mem>>)
      } else {
      }
      %jit3A_300 = arith.constant 1 : i32
      %jit3A_301 = arith.constant 0 : i32
      %select_n3A_302 = arith.select %ge3A_296, %jit3A_300, %jit3A_301 : i32
      %add3A_303 = arith.addi %add3A_288, %select_n3A_302 : i32
      %slice3A_304 = vector.extract_strided_slice %get3A_156 {offsets = [10], sizes = [1], strides = [1]} : vector<16xi32> to vector<1xi32>
      %squeeze3A_305 = vector.extract %slice3A_304[0] : i32 from vector<1xi32>
      %mul3A_306 = arith.constant 16 : i32
      %mul3A_307 = arith.muli %while3A_150, %mul3A_306 : i32
      %add3A_308 = arith.constant 10 : i32
      %add3A_309 = arith.addi %mul3A_307, %add3A_308 : i32
      %ge3A_310 = arith.constant 41 : i32
      %ge3A_311 = arith.cmpi sge, %squeeze3A_305, %ge3A_310 : i32
      %convert_element_type3A_312 = arith.extui %ge3A_311 : i1 to i32
      %cond3A_313 = arith.constant 0 : i32
      %cond3A_314 = arith.cmpi ne, %convert_element_type3A_312, %cond3A_313 : i32
      scf.if %cond3A_314 {
        %sub3A_394 = arith.constant 41 : i32
        %sub3A_395 = arith.subi %squeeze3A_305, %sub3A_394 : i32
        %add3A_396 = arith.addi %mul3A_22, %add3A_309 : i32
        %dma_start3A_397 = arith.constant 0 : i32
        %dma_start3A_398 = arith.constant 0 : i32
        %dma_start3A_399 = tpu.memref_slice %arg4[%add3A_396, %dma_start3A_397, %dma_start3A_398] : memref<3136x16x768xf32, #tpu.memory_space<hbm>> -> memref<1x16x768xf32, #tpu.memory_space<hbm>>
        %dma_start3A_400 = tpu.memref_squeeze %dma_start3A_399 : memref<1x16x768xf32, #tpu.memory_space<hbm>> -> memref<16x768xf32, #tpu.memory_space<hbm>>
        %dma_start3A_401 = arith.constant 0 : i32
        %dma_start3A_402 = arith.constant 0 : i32
        %dma_start3A_403 = tpu.memref_slice %arg7[%rem3A_20, %sub3A_395, %dma_start3A_401, %dma_start3A_402] : memref<4x9x16x768xf32, #tpu.memory_space<vmem_shared>> -> memref<1x1x16x768xf32, #tpu.memory_space<vmem_shared>>
        %dma_start3A_404 = tpu.memref_squeeze %dma_start3A_403 : memref<1x1x16x768xf32, #tpu.memory_space<vmem_shared>> -> memref<16x768xf32, #tpu.memory_space<vmem_shared>>
        tpu.enqueue_dma source(%dma_start3A_404 : memref<16x768xf32, #tpu.memory_space<vmem_shared>>) target(%dma_start3A_400 : memref<16x768xf32, #tpu.memory_space<hbm>>) target_semaphore(%arg11 : memref<!tpu.dma_semaphore, #tpu.memory_space<semaphore_mem>>)
      } else {
      }
      %jit3A_315 = arith.constant 1 : i32
      %jit3A_316 = arith.constant 0 : i32
      %select_n3A_317 = arith.select %ge3A_311, %jit3A_315, %jit3A_316 : i32
      %add3A_318 = arith.addi %add3A_303, %select_n3A_317 : i32
      %slice3A_319 = vector.extract_strided_slice %get3A_156 {offsets = [11], sizes = [1], strides = [1]} : vector<16xi32> to vector<1xi32>
      %squeeze3A_320 = vector.extract %slice3A_319[0] : i32 from vector<1xi32>
      %mul3A_321 = arith.constant 16 : i32
      %mul3A_322 = arith.muli %while3A_150, %mul3A_321 : i32
      %add3A_323 = arith.constant 11 : i32
      %add3A_324 = arith.addi %mul3A_322, %add3A_323 : i32
      %ge3A_325 = arith.constant 41 : i32
      %ge3A_326 = arith.cmpi sge, %squeeze3A_320, %ge3A_325 : i32
      %convert_element_type3A_327 = arith.extui %ge3A_326 : i1 to i32
      %cond3A_328 = arith.constant 0 : i32
      %cond3A_329 = arith.cmpi ne, %convert_element_type3A_327, %cond3A_328 : i32
      scf.if %cond3A_329 {
        %sub3A_394 = arith.constant 41 : i32
        %sub3A_395 = arith.subi %squeeze3A_320, %sub3A_394 : i32
        %add3A_396 = arith.addi %mul3A_22, %add3A_324 : i32
        %dma_start3A_397 = arith.constant 0 : i32
        %dma_start3A_398 = arith.constant 0 : i32
        %dma_start3A_399 = tpu.memref_slice %arg4[%add3A_396, %dma_start3A_397, %dma_start3A_398] : memref<3136x16x768xf32, #tpu.memory_space<hbm>> -> memref<1x16x768xf32, #tpu.memory_space<hbm>>
        %dma_start3A_400 = tpu.memref_squeeze %dma_start3A_399 : memref<1x16x768xf32, #tpu.memory_space<hbm>> -> memref<16x768xf32, #tpu.memory_space<hbm>>
        %dma_start3A_401 = arith.constant 0 : i32
        %dma_start3A_402 = arith.constant 0 : i32
        %dma_start3A_403 = tpu.memref_slice %arg7[%rem3A_20, %sub3A_395, %dma_start3A_401, %dma_start3A_402] : memref<4x9x16x768xf32, #tpu.memory_space<vmem_shared>> -> memref<1x1x16x768xf32, #tpu.memory_space<vmem_shared>>
        %dma_start3A_404 = tpu.memref_squeeze %dma_start3A_403 : memref<1x1x16x768xf32, #tpu.memory_space<vmem_shared>> -> memref<16x768xf32, #tpu.memory_space<vmem_shared>>
        tpu.enqueue_dma source(%dma_start3A_404 : memref<16x768xf32, #tpu.memory_space<vmem_shared>>) target(%dma_start3A_400 : memref<16x768xf32, #tpu.memory_space<hbm>>) target_semaphore(%arg11 : memref<!tpu.dma_semaphore, #tpu.memory_space<semaphore_mem>>)
      } else {
      }
      %jit3A_330 = arith.constant 1 : i32
      %jit3A_331 = arith.constant 0 : i32
      %select_n3A_332 = arith.select %ge3A_326, %jit3A_330, %jit3A_331 : i32
      %add3A_333 = arith.addi %add3A_318, %select_n3A_332 : i32
      %slice3A_334 = vector.extract_strided_slice %get3A_156 {offsets = [12], sizes = [1], strides = [1]} : vector<16xi32> to vector<1xi32>
      %squeeze3A_335 = vector.extract %slice3A_334[0] : i32 from vector<1xi32>
      %mul3A_336 = arith.constant 16 : i32
      %mul3A_337 = arith.muli %while3A_150, %mul3A_336 : i32
      %add3A_338 = arith.constant 12 : i32
      %add3A_339 = arith.addi %mul3A_337, %add3A_338 : i32
      %ge3A_340 = arith.constant 41 : i32
      %ge3A_341 = arith.cmpi sge, %squeeze3A_335, %ge3A_340 : i32
      %convert_element_type3A_342 = arith.extui %ge3A_341 : i1 to i32
      %cond3A_343 = arith.constant 0 : i32
      %cond3A_344 = arith.cmpi ne, %convert_element_type3A_342, %cond3A_343 : i32
      scf.if %cond3A_344 {
        %sub3A_394 = arith.constant 41 : i32
        %sub3A_395 = arith.subi %squeeze3A_335, %sub3A_394 : i32
        %add3A_396 = arith.addi %mul3A_22, %add3A_339 : i32
        %dma_start3A_397 = arith.constant 0 : i32
        %dma_start3A_398 = arith.constant 0 : i32
        %dma_start3A_399 = tpu.memref_slice %arg4[%add3A_396, %dma_start3A_397, %dma_start3A_398] : memref<3136x16x768xf32, #tpu.memory_space<hbm>> -> memref<1x16x768xf32, #tpu.memory_space<hbm>>
        %dma_start3A_400 = tpu.memref_squeeze %dma_start3A_399 : memref<1x16x768xf32, #tpu.memory_space<hbm>> -> memref<16x768xf32, #tpu.memory_space<hbm>>
        %dma_start3A_401 = arith.constant 0 : i32
        %dma_start3A_402 = arith.constant 0 : i32
        %dma_start3A_403 = tpu.memref_slice %arg7[%rem3A_20, %sub3A_395, %dma_start3A_401, %dma_start3A_402] : memref<4x9x16x768xf32, #tpu.memory_space<vmem_shared>> -> memref<1x1x16x768xf32, #tpu.memory_space<vmem_shared>>
        %dma_start3A_404 = tpu.memref_squeeze %dma_start3A_403 : memref<1x1x16x768xf32, #tpu.memory_space<vmem_shared>> -> memref<16x768xf32, #tpu.memory_space<vmem_shared>>
        tpu.enqueue_dma source(%dma_start3A_404 : memref<16x768xf32, #tpu.memory_space<vmem_shared>>) target(%dma_start3A_400 : memref<16x768xf32, #tpu.memory_space<hbm>>) target_semaphore(%arg11 : memref<!tpu.dma_semaphore, #tpu.memory_space<semaphore_mem>>)
      } else {
      }
      %jit3A_345 = arith.constant 1 : i32
      %jit3A_346 = arith.constant 0 : i32
      %select_n3A_347 = arith.select %ge3A_341, %jit3A_345, %jit3A_346 : i32
      %add3A_348 = arith.addi %add3A_333, %select_n3A_347 : i32
      %slice3A_349 = vector.extract_strided_slice %get3A_156 {offsets = [13], sizes = [1], strides = [1]} : vector<16xi32> to vector<1xi32>
      %squeeze3A_350 = vector.extract %slice3A_349[0] : i32 from vector<1xi32>
      %mul3A_351 = arith.constant 16 : i32
      %mul3A_352 = arith.muli %while3A_150, %mul3A_351 : i32
      %add3A_353 = arith.constant 13 : i32
      %add3A_354 = arith.addi %mul3A_352, %add3A_353 : i32
      %ge3A_355 = arith.constant 41 : i32
      %ge3A_356 = arith.cmpi sge, %squeeze3A_350, %ge3A_355 : i32
      %convert_element_type3A_357 = arith.extui %ge3A_356 : i1 to i32
      %cond3A_358 = arith.constant 0 : i32
      %cond3A_359 = arith.cmpi ne, %convert_element_type3A_357, %cond3A_358 : i32
      scf.if %cond3A_359 {
        %sub3A_394 = arith.constant 41 : i32
        %sub3A_395 = arith.subi %squeeze3A_350, %sub3A_394 : i32
        %add3A_396 = arith.addi %mul3A_22, %add3A_354 : i32
        %dma_start3A_397 = arith.constant 0 : i32
        %dma_start3A_398 = arith.constant 0 : i32
        %dma_start3A_399 = tpu.memref_slice %arg4[%add3A_396, %dma_start3A_397, %dma_start3A_398] : memref<3136x16x768xf32, #tpu.memory_space<hbm>> -> memref<1x16x768xf32, #tpu.memory_space<hbm>>
        %dma_start3A_400 = tpu.memref_squeeze %dma_start3A_399 : memref<1x16x768xf32, #tpu.memory_space<hbm>> -> memref<16x768xf32, #tpu.memory_space<hbm>>
        %dma_start3A_401 = arith.constant 0 : i32
        %dma_start3A_402 = arith.constant 0 : i32
        %dma_start3A_403 = tpu.memref_slice %arg7[%rem3A_20, %sub3A_395, %dma_start3A_401, %dma_start3A_402] : memref<4x9x16x768xf32, #tpu.memory_space<vmem_shared>> -> memref<1x1x16x768xf32, #tpu.memory_space<vmem_shared>>
        %dma_start3A_404 = tpu.memref_squeeze %dma_start3A_403 : memref<1x1x16x768xf32, #tpu.memory_space<vmem_shared>> -> memref<16x768xf32, #tpu.memory_space<vmem_shared>>
        tpu.enqueue_dma source(%dma_start3A_404 : memref<16x768xf32, #tpu.memory_space<vmem_shared>>) target(%dma_start3A_400 : memref<16x768xf32, #tpu.memory_space<hbm>>) target_semaphore(%arg11 : memref<!tpu.dma_semaphore, #tpu.memory_space<semaphore_mem>>)
      } else {
      }
      %jit3A_360 = arith.constant 1 : i32
      %jit3A_361 = arith.constant 0 : i32
      %select_n3A_362 = arith.select %ge3A_356, %jit3A_360, %jit3A_361 : i32
      %add3A_363 = arith.addi %add3A_348, %select_n3A_362 : i32
      %slice3A_364 = vector.extract_strided_slice %get3A_156 {offsets = [14], sizes = [1], strides = [1]} : vector<16xi32> to vector<1xi32>
      %squeeze3A_365 = vector.extract %slice3A_364[0] : i32 from vector<1xi32>
      %mul3A_366 = arith.constant 16 : i32
      %mul3A_367 = arith.muli %while3A_150, %mul3A_366 : i32
      %add3A_368 = arith.constant 14 : i32
      %add3A_369 = arith.addi %mul3A_367, %add3A_368 : i32
      %ge3A_370 = arith.constant 41 : i32
      %ge3A_371 = arith.cmpi sge, %squeeze3A_365, %ge3A_370 : i32
      %convert_element_type3A_372 = arith.extui %ge3A_371 : i1 to i32
      %cond3A_373 = arith.constant 0 : i32
      %cond3A_374 = arith.cmpi ne, %convert_element_type3A_372, %cond3A_373 : i32
      scf.if %cond3A_374 {
        %sub3A_394 = arith.constant 41 : i32
        %sub3A_395 = arith.subi %squeeze3A_365, %sub3A_394 : i32
        %add3A_396 = arith.addi %mul3A_22, %add3A_369 : i32
        %dma_start3A_397 = arith.constant 0 : i32
        %dma_start3A_398 = arith.constant 0 : i32
        %dma_start3A_399 = tpu.memref_slice %arg4[%add3A_396, %dma_start3A_397, %dma_start3A_398] : memref<3136x16x768xf32, #tpu.memory_space<hbm>> -> memref<1x16x768xf32, #tpu.memory_space<hbm>>
        %dma_start3A_400 = tpu.memref_squeeze %dma_start3A_399 : memref<1x16x768xf32, #tpu.memory_space<hbm>> -> memref<16x768xf32, #tpu.memory_space<hbm>>
        %dma_start3A_401 = arith.constant 0 : i32
        %dma_start3A_402 = arith.constant 0 : i32
        %dma_start3A_403 = tpu.memref_slice %arg7[%rem3A_20, %sub3A_395, %dma_start3A_401, %dma_start3A_402] : memref<4x9x16x768xf32, #tpu.memory_space<vmem_shared>> -> memref<1x1x16x768xf32, #tpu.memory_space<vmem_shared>>
        %dma_start3A_404 = tpu.memref_squeeze %dma_start3A_403 : memref<1x1x16x768xf32, #tpu.memory_space<vmem_shared>> -> memref<16x768xf32, #tpu.memory_space<vmem_shared>>
        tpu.enqueue_dma source(%dma_start3A_404 : memref<16x768xf32, #tpu.memory_space<vmem_shared>>) target(%dma_start3A_400 : memref<16x768xf32, #tpu.memory_space<hbm>>) target_semaphore(%arg11 : memref<!tpu.dma_semaphore, #tpu.memory_space<semaphore_mem>>)
      } else {
      }
      %jit3A_375 = arith.constant 1 : i32
      %jit3A_376 = arith.constant 0 : i32
      %select_n3A_377 = arith.select %ge3A_371, %jit3A_375, %jit3A_376 : i32
      %add3A_378 = arith.addi %add3A_363, %select_n3A_377 : i32
      %slice3A_379 = vector.extract_strided_slice %get3A_156 {offsets = [15], sizes = [1], strides = [1]} : vector<16xi32> to vector<1xi32>
      %squeeze3A_380 = vector.extract %slice3A_379[0] : i32 from vector<1xi32>
      %mul3A_381 = arith.constant 16 : i32
      %mul3A_382 = arith.muli %while3A_150, %mul3A_381 : i32
      %add3A_383 = arith.constant 15 : i32
      %add3A_384 = arith.addi %mul3A_382, %add3A_383 : i32
      %ge3A_385 = arith.constant 41 : i32
      %ge3A_386 = arith.cmpi sge, %squeeze3A_380, %ge3A_385 : i32
      %convert_element_type3A_387 = arith.extui %ge3A_386 : i1 to i32
      %cond3A_388 = arith.constant 0 : i32
      %cond3A_389 = arith.cmpi ne, %convert_element_type3A_387, %cond3A_388 : i32
      scf.if %cond3A_389 {
        %sub3A_394 = arith.constant 41 : i32
        %sub3A_395 = arith.subi %squeeze3A_380, %sub3A_394 : i32
        %add3A_396 = arith.addi %mul3A_22, %add3A_384 : i32
        %dma_start3A_397 = arith.constant 0 : i32
        %dma_start3A_398 = arith.constant 0 : i32
        %dma_start3A_399 = tpu.memref_slice %arg4[%add3A_396, %dma_start3A_397, %dma_start3A_398] : memref<3136x16x768xf32, #tpu.memory_space<hbm>> -> memref<1x16x768xf32, #tpu.memory_space<hbm>>
        %dma_start3A_400 = tpu.memref_squeeze %dma_start3A_399 : memref<1x16x768xf32, #tpu.memory_space<hbm>> -> memref<16x768xf32, #tpu.memory_space<hbm>>
        %dma_start3A_401 = arith.constant 0 : i32
        %dma_start3A_402 = arith.constant 0 : i32
        %dma_start3A_403 = tpu.memref_slice %arg7[%rem3A_20, %sub3A_395, %dma_start3A_401, %dma_start3A_402] : memref<4x9x16x768xf32, #tpu.memory_space<vmem_shared>> -> memref<1x1x16x768xf32, #tpu.memory_space<vmem_shared>>
        %dma_start3A_404 = tpu.memref_squeeze %dma_start3A_403 : memref<1x1x16x768xf32, #tpu.memory_space<vmem_shared>> -> memref<16x768xf32, #tpu.memory_space<vmem_shared>>
        tpu.enqueue_dma source(%dma_start3A_404 : memref<16x768xf32, #tpu.memory_space<vmem_shared>>) target(%dma_start3A_400 : memref<16x768xf32, #tpu.memory_space<hbm>>) target_semaphore(%arg11 : memref<!tpu.dma_semaphore, #tpu.memory_space<semaphore_mem>>)
      } else {
      }
      %jit3A_390 = arith.constant 1 : i32
      %jit3A_391 = arith.constant 0 : i32
      %select_n3A_392 = arith.select %ge3A_386, %jit3A_390, %jit3A_391 : i32
      %add3A_393 = arith.addi %add3A_378, %select_n3A_392 : i32
      scf.yield %add3A_393 : i32
    }
    %while3A_130 = arith.constant 0 : i32
    %while3A_131 = arith.constant 0 : i32
    %while3A_132 = arith.subi %while3A_129, %while3A_131 : i32
    %while3A_133 = arith.addi %while3A_131, %while3A_132 : i32
    %while3A_134 = arith.constant 1 : i32
    %while3A_135 = arith.divsi %while3A_132, %while3A_134 : i32
    %while3A_136 = arith.muli %while3A_135, %while3A_134 : i32
    %while3A_137 = arith.addi %while3A_131, %while3A_136 : i32
    %while3A_138 = arith.constant 1 : i32
    scf.for %while3A_150 = %while3A_131 to %while3A_137 step %while3A_138  : i32 {
      %dma_wait3A_151 = arith.constant 0 : i32
      %dma_wait3A_152 = arith.constant 0 : i32
      %dma_wait3A_153 = arith.constant 0 : i32
      %dma_wait3A_154 = arith.constant 0 : i32
      %dma_wait3A_155 = tpu.memref_slice %arg4[%dma_wait3A_152, %dma_wait3A_153, %dma_wait3A_154] : memref<3136x16x768xf32, #tpu.memory_space<hbm>> -> memref<1x16x768xf32, #tpu.memory_space<hbm>>
      %dma_wait3A_156 = tpu.memref_squeeze %dma_wait3A_155 : memref<1x16x768xf32, #tpu.memory_space<hbm>> -> memref<16x768xf32, #tpu.memory_space<hbm>>
      %dma_wait3A_157 = arith.constant 0 : i32
      %dma_wait3A_158 = arith.constant 0 : i32
      %dma_wait3A_159 = tpu.memref_slice %arg7[%rem3A_20, %dma_wait3A_151, %dma_wait3A_157, %dma_wait3A_158] : memref<4x9x16x768xf32, #tpu.memory_space<vmem_shared>> -> memref<1x1x16x768xf32, #tpu.memory_space<vmem_shared>>
      %dma_wait3A_160 = tpu.memref_squeeze %dma_wait3A_159 : memref<1x1x16x768xf32, #tpu.memory_space<vmem_shared>> -> memref<16x768xf32, #tpu.memory_space<vmem_shared>>
      tpu.wait_dma2 semaphore(%arg11 : memref<!tpu.dma_semaphore, #tpu.memory_space<semaphore_mem>>) src(%dma_wait3A_160 : memref<16x768xf32, #tpu.memory_space<vmem_shared>>) dst(%dma_wait3A_156 : memref<16x768xf32, #tpu.memory_space<hbm>>)
    }
    %while3A_139 = arith.constant 1 : i32
    scf.for %while3A_150 = %while3A_137 to %while3A_133 step %while3A_139  : i32 {
      %dma_wait3A_151 = arith.constant 0 : i32
      %dma_wait3A_152 = arith.constant 0 : i32
      %dma_wait3A_153 = arith.constant 0 : i32
      %dma_wait3A_154 = arith.constant 0 : i32
      %dma_wait3A_155 = tpu.memref_slice %arg4[%dma_wait3A_152, %dma_wait3A_153, %dma_wait3A_154] : memref<3136x16x768xf32, #tpu.memory_space<hbm>> -> memref<1x16x768xf32, #tpu.memory_space<hbm>>
      %dma_wait3A_156 = tpu.memref_squeeze %dma_wait3A_155 : memref<1x16x768xf32, #tpu.memory_space<hbm>> -> memref<16x768xf32, #tpu.memory_space<hbm>>
      %dma_wait3A_157 = arith.constant 0 : i32
      %dma_wait3A_158 = arith.constant 0 : i32
      %dma_wait3A_159 = tpu.memref_slice %arg7[%rem3A_20, %dma_wait3A_151, %dma_wait3A_157, %dma_wait3A_158] : memref<4x9x16x768xf32, #tpu.memory_space<vmem_shared>> -> memref<1x1x16x768xf32, #tpu.memory_space<vmem_shared>>
      %dma_wait3A_160 = tpu.memref_squeeze %dma_wait3A_159 : memref<1x1x16x768xf32, #tpu.memory_space<vmem_shared>> -> memref<16x768xf32, #tpu.memory_space<vmem_shared>>
      tpu.wait_dma2 semaphore(%arg11 : memref<!tpu.dma_semaphore, #tpu.memory_space<semaphore_mem>>) src(%dma_wait3A_160 : memref<16x768xf32, #tpu.memory_space<vmem_shared>>) dst(%dma_wait3A_156 : memref<16x768xf32, #tpu.memory_space<hbm>>)
    }
    %while3A_140 = arith.constant 0 : i32
    %while3A_141 = arith.constant 0 : i32
    %while3A_142 = arith.subi %scan3A_83#0, %while3A_141 : i32
    %while3A_143 = arith.addi %while3A_141, %while3A_142 : i32
    %while3A_144 = arith.constant 1 : i32
    %while3A_145 = arith.divsi %while3A_142, %while3A_144 : i32
    %while3A_146 = arith.muli %while3A_145, %while3A_144 : i32
    %while3A_147 = arith.addi %while3A_141, %while3A_146 : i32
    %while3A_148 = arith.constant 1 : i32
    scf.for %while3A_150 = %while3A_141 to %while3A_147 step %while3A_148  : i32 {
      %dma_wait3A_151 = arith.constant 0 : i32
      %dma_wait3A_152 = arith.constant 0 : i32
      %dma_wait3A_153 = arith.constant 0 : i32
      %dma_wait3A_154 = arith.constant 0 : i32
      %dma_wait3A_155 = tpu.memref_slice %arg6[%dma_wait3A_151, %dma_wait3A_153, %dma_wait3A_154] : memref<8x16x768xf32, #tpu.memory_space<vmem>> -> memref<1x16x768xf32, #tpu.memory_space<vmem>>
      %dma_wait3A_156 = tpu.memref_squeeze %dma_wait3A_155 : memref<1x16x768xf32, #tpu.memory_space<vmem>> -> memref<16x768xf32, #tpu.memory_space<vmem>>
      %dma_wait3A_157 = arith.constant 0 : i32
      %dma_wait3A_158 = arith.constant 0 : i32
      %dma_wait3A_159 = tpu.memref_slice %arg4[%dma_wait3A_152, %dma_wait3A_157, %dma_wait3A_158] : memref<3136x16x768xf32, #tpu.memory_space<hbm>> -> memref<1x16x768xf32, #tpu.memory_space<hbm>>
      %dma_wait3A_160 = tpu.memref_squeeze %dma_wait3A_159 : memref<1x16x768xf32, #tpu.memory_space<hbm>> -> memref<16x768xf32, #tpu.memory_space<hbm>>
      %dma_wait3A_161 = arith.constant 0 : i32
      %dma_wait3A_162 = arith.constant 0 : i32
      %dma_wait3A_163 = tpu.memref_slice %arg4[%dma_wait3A_152, %dma_wait3A_161, %dma_wait3A_162] : memref<3136x16x768xf32, #tpu.memory_space<hbm>> -> memref<1x16x768xf32, #tpu.memory_space<hbm>>
      %dma_wait3A_164 = tpu.memref_squeeze %dma_wait3A_163 : memref<1x16x768xf32, #tpu.memory_space<hbm>> -> memref<16x768xf32, #tpu.memory_space<hbm>>
      %dma_wait3A_165 = arith.constant 0 : i32
      %dma_wait3A_166 = arith.constant 0 : i32
      %dma_wait3A_167 = tpu.memref_slice %arg6[%dma_wait3A_151, %dma_wait3A_165, %dma_wait3A_166] : memref<8x16x768xf32, #tpu.memory_space<vmem>> -> memref<1x16x768xf32, #tpu.memory_space<vmem>>
      %dma_wait3A_168 = tpu.memref_squeeze %dma_wait3A_167 : memref<1x16x768xf32, #tpu.memory_space<vmem>> -> memref<16x768xf32, #tpu.memory_space<vmem>>
      tpu.wait_dma2 semaphore(%arg10 : memref<!tpu.dma_semaphore, #tpu.memory_space<semaphore_mem>>) src(%dma_wait3A_168 : memref<16x768xf32, #tpu.memory_space<vmem>>) dst(%dma_wait3A_164 : memref<16x768xf32, #tpu.memory_space<hbm>>)
    }
    %while3A_149 = arith.constant 1 : i32
    scf.for %while3A_150 = %while3A_147 to %while3A_143 step %while3A_149  : i32 {
      %dma_wait3A_151 = arith.constant 0 : i32
      %dma_wait3A_152 = arith.constant 0 : i32
      %dma_wait3A_153 = arith.constant 0 : i32
      %dma_wait3A_154 = arith.constant 0 : i32
      %dma_wait3A_155 = tpu.memref_slice %arg6[%dma_wait3A_151, %dma_wait3A_153, %dma_wait3A_154] : memref<8x16x768xf32, #tpu.memory_space<vmem>> -> memref<1x16x768xf32, #tpu.memory_space<vmem>>
      %dma_wait3A_156 = tpu.memref_squeeze %dma_wait3A_155 : memref<1x16x768xf32, #tpu.memory_space<vmem>> -> memref<16x768xf32, #tpu.memory_space<vmem>>
      %dma_wait3A_157 = arith.constant 0 : i32
      %dma_wait3A_158 = arith.constant 0 : i32
      %dma_wait3A_159 = tpu.memref_slice %arg4[%dma_wait3A_152, %dma_wait3A_157, %dma_wait3A_158] : memref<3136x16x768xf32, #tpu.memory_space<hbm>> -> memref<1x16x768xf32, #tpu.memory_space<hbm>>
      %dma_wait3A_160 = tpu.memref_squeeze %dma_wait3A_159 : memref<1x16x768xf32, #tpu.memory_space<hbm>> -> memref<16x768xf32, #tpu.memory_space<hbm>>
      %dma_wait3A_161 = arith.constant 0 : i32
      %dma_wait3A_162 = arith.constant 0 : i32
      %dma_wait3A_163 = tpu.memref_slice %arg4[%dma_wait3A_152, %dma_wait3A_161, %dma_wait3A_162] : memref<3136x16x768xf32, #tpu.memory_space<hbm>> -> memref<1x16x768xf32, #tpu.memory_space<hbm>>
      %dma_wait3A_164 = tpu.memref_squeeze %dma_wait3A_163 : memref<1x16x768xf32, #tpu.memory_space<hbm>> -> memref<16x768xf32, #tpu.memory_space<hbm>>
      %dma_wait3A_165 = arith.constant 0 : i32
      %dma_wait3A_166 = arith.constant 0 : i32
      %dma_wait3A_167 = tpu.memref_slice %arg6[%dma_wait3A_151, %dma_wait3A_165, %dma_wait3A_166] : memref<8x16x768xf32, #tpu.memory_space<vmem>> -> memref<1x16x768xf32, #tpu.memory_space<vmem>>
      %dma_wait3A_168 = tpu.memref_squeeze %dma_wait3A_167 : memref<1x16x768xf32, #tpu.memory_space<vmem>> -> memref<16x768xf32, #tpu.memory_space<vmem>>
      tpu.wait_dma2 semaphore(%arg10 : memref<!tpu.dma_semaphore, #tpu.memory_space<semaphore_mem>>) src(%dma_wait3A_168 : memref<16x768xf32, #tpu.memory_space<vmem>>) dst(%dma_wait3A_164 : memref<16x768xf32, #tpu.memory_space<hbm>>)
    }
    return
  }
}

</mosaic_0001>

<sc_bundles>
// kernel: kernel.3.cloned.1.call-start
scs
__scs_entry_jumppad:
0x0: {  	(pc) =	sbr.rel $0x88, $3  }
0x1: {  	(tag) =	ssettag $0x0;
	lr =	simm.s32 $0x1  }
0x2: {  	[smem:$0x3F9F] =	sst lr;
	_ =	strace $0xD0000000  }
0x3: {  	_ = 	snop  }
0x4: {  	_ = 	snop  }
0x5: {  	_ = 	snop  }
0x6: {  	_ = 	snop  }
0x7: {  	_ = 	snop  }
__scs_overlays_trampoline_lowered:
0x8: {  	[smem:$0x3FAE] =	sst s0  }
0x9: {  	[smem:$0x3FAF] =	sst s1  }
0xa: {  	[smem:$0x3FB0] =	sst s2  }
0xb: {  	[smem:$0x3FB1] =	sst s3  }
0xc: {  	[smem:$0x3FB2] =	sst s4  }
0xd: {  	[smem:$0x3FB3] =	sst s5  }
0xe: {  	[smem:$0x3FB4] =	sst s6  }
0xf: {  	[smem:$0x3FB5] =	sst s7  }
0x10: {  	[smem:$0x3FB6] =	sst s8  }
0x11: {  	[smem:$0x3FB7] =	sst s9;
	s0 =	simm.s32 @!p0 $0x0  }
0x12: {  	s1 =	sld [smem:$0x3F9D];
	s0 =	simm.s32 @p0 $0x1  }
0x13: {  	[smem:$0x3FB8] =	sst s0;
	s0 =	simm.s32 @!p1 $0x0  }
0x14: {  	s2 =	sld [smem:$0x3F9C];
	s0 =	simm.s32 @p1 $0x1  }
0x15: {  	[smem:$0x3FB9] =	sst s0;
	s0 =	simm.s32 @!p2 $0x0  }
0x16: {  	s3 =	sld [smem:$0x3FDB];
	s0 =	simm.s32 @p2 $0x1  }
0x17: {  	s4 =	simm.s32 $0x1BF5;
	[smem:$0x3FBB] =	sst s0  }
0x18: {  	s0 =	sld [smem:$0x3F9E];
	_ =	swait.ge [sflag:s4], $0x0  }
0x19: {  	s7 =	sld [smem:$0x3F9F]  }
0x1a: {  	s8 =	sadd.s32 $0xFFFFE003, lr  }
0x1b: {  	s9 =	sadd.s32 $0xFFFFFEF7, lr;
	s5 =	simm.s32 $0xFFFFFFFF;
	p2 =	slt.u32 s8, $0xFFFFF086  }
0x1c: {  	p1 =	slt.u32 s9, $0xF7A;
	s5 =	simm.s32 @!p2 $0x0  }
0x1d: {  	s5 =	simm.s32 @p1 $0x1;
	p0 =	seq.s32 s7, s2  }
0x1e: {  	s7 =	smul.u32 @!p0 $0xF7A, s2;
	p2 =	seq.s32 @!p0 s5, $0x0  }
0x1f: {  	s9 =	smul.u32 $0xF7A, s1;
	s8 =	simm.s32 @!p0 $0x1BF5;
	p2 =	por !p2, p0  }
0x20: {  	[sflag:s8] =	ssyncset.s32 @!p0 $0xFFFFF086;
	s6 =	sadd.s32 @!p0 s3, s7;
	s7 =	simm.s32 @!p0 $0x108  }
0x21: {  	s3 =	sadd.s32 s3, s9;
	s6 =	sadd.s32 @!p0 $0x88, s6;
	s7 =	simm.s32 @p2 $0x1082  }
0x22: {  	[simem:s7], [sflag:s8] =	dma.local @!p0 [hbm:s6], $0xF7A  }
0x23: {  	s9 =	sor.u32 $0xD0000000, s2;
	s6 =	simm.s32 $0x108;
	_ =	swait.ge @!p0 [sflag:s8], $0x0  }
0x24: {  	s3 =	sadd.s32 $0x88, s3;
	s6 =	simm.s32 @!p1 $0x1082;
	[sflag:s4] =	ssyncset.s32 $0xFFFFF086  }
0x25: {  	[simem:s6], [sflag:s4] =	dma.local [hbm:s3], $0xF7A  }
0x26: {  	[smem:$0x3F9F] =	sst s1;
	(tag) =	ssettag s2;
	_ =	strace s9  }
0x27: {  	s1 =	sld [smem:$0x3FAF]  }
0x28: {  	s2 =	sld [smem:$0x3FB0]  }
0x29: {  	s4 =	sld [smem:$0x3FB2]  }
0x2a: {  	p0 =	seq.s32 s5, $0x0;
	s5 =	sld [smem:$0x3FB3]  }
0x2b: {  	s6 =	sld [smem:$0x3FB4]  }
0x2c: {  	s7 =	sld [smem:$0x3FB5]  }
0x2d: {  	s3 =	simm.s32 $0x108;
	s8 =	sld [smem:$0x3FB6]  }
0x2e: {  	s3 =	simm.s32 @!p0 $0x1082;
	s9 =	sld [smem:$0x3FB7]  }
0x2f: {  	lr =	sadd.s32 s0, s3;
	s0 =	sld [smem:$0x3FAE]  }
0x30: {  	s3 =	sld [smem:$0x3FB1]  }
0x31: {  	[smem:$0x3FBA] =	sst s10  }
0x32: {  	s10 =	sld [smem:$0x3FB8];
	_ =	sdelay $0x3  }
0x33: {  	p0 =	seq.s32 s10, $0x1;
	s10 =	sld [smem:$0x3FBA];
	_ =	sdelay $0x3  }
0x34: {  	[smem:$0x3FBA] =	sst s10  }
0x35: {  	s10 =	sld [smem:$0x3FB9];
	_ =	sdelay $0x3  }
0x36: {  	p1 =	seq.s32 s10, $0x1;
	s10 =	sld [smem:$0x3FBA];
	_ =	sdelay $0x3  }
0x37: {  	[smem:$0x3FBA] =	sst s10  }
0x38: {  	s10 =	sld [smem:$0x3FBB]  }
0x39: {  	_ = 	snop;
	(pc) =	sbr.ind lr, $3  }
0x3a: {  	_ = 	snop  }
0x3b: {  	_ = 	snop  }
0x3c: {  	p2 =	seq.s32 s10, $0x1;
	s10 =	sld [smem:$0x3FBA]  }
0x3d: {  	_ =	shalt  }
0x3e: {  	_ =	shalt  }
0x3f: {  	_ =	shalt  }
0x40: {  	_ =	shalt  }
0x41: {  	_ =	shalt  }
0x42: {  	_ =	shalt  }
0x43: {  	_ =	shalt  }
0x44: {  	_ =	shalt  }
0x45: {  	_ =	shalt  }
0x46: {  	_ =	shalt  }
0x47: {  	_ =	shalt  }
0x48: {  	_ =	shalt  }
0x49: {  	_ =	shalt  }
0x4a: {  	_ =	shalt  }
0x4b: {  	_ =	shalt  }
0x4c: {  	_ =	shalt  }
0x4d: {  	_ =	shalt  }
0x4e: {  	_ =	shalt  }
0x4f: {  	_ =	shalt  }
0x50: {  	_ =	shalt  }
0x51: {  	_ =	shalt  }
0x52: {  	_ =	shalt  }
0x53: {  	_ =	shalt  }
0x54: {  	_ =	shalt  }
0x55: {  	_ =	shalt  }
0x56: {  	_ =	shalt  }
0x57: {  	_ =	shalt  }
0x58: {  	_ =	shalt  }
0x59: {  	_ =	shalt  }
0x5a: {  	_ =	shalt  }
0x5b: {  	_ =	shalt  }
0x5c: {  	_ =	shalt  }
0x5d: {  	_ =	shalt  }
0x5e: {  	_ =	shalt  }
0x5f: {  	_ =	shalt  }
0x60: {  	_ =	shalt  }
0x61: {  	_ =	shalt  }
0x62: {  	_ =	shalt  }
0x63: {  	_ =	shalt  }
0x64: {  	_ =	shalt  }
0x65: {  	_ =	shalt  }
0x66: {  	_ =	shalt  }
0x67: {  	_ =	shalt  }
0x68: {  	_ =	shalt  }
0x69: {  	_ =	shalt  }
0x6a: {  	_ =	shalt  }
0x6b: {  	_ =	shalt  }
0x6c: {  	_ =	shalt  }
0x6d: {  	_ =	shalt  }
0x6e: {  	_ =	shalt  }
0x6f: {  	_ =	shalt  }
0x70: {  	_ =	shalt  }
0x71: {  	_ =	shalt  }
0x72: {  	_ =	shalt  }
0x73: {  	_ =	shalt  }
0x74: {  	_ =	shalt  }
0x75: {  	_ =	shalt  }
0x76: {  	_ =	shalt  }
0x77: {  	_ =	shalt  }
0x78: {  	_ =	shalt  }
0x79: {  	_ =	shalt  }
0x7a: {  	_ =	shalt  }
0x7b: {  	_ =	shalt  }
0x7c: {  	_ =	shalt  }
0x7d: {  	_ =	shalt  }
0x7e: {  	_ =	shalt  }
0x7f: {  	_ =	shalt  }
0x80: {  	_ =	shalt  }
0x81: {  	_ =	shalt  }
0x82: {  	_ =	shalt  }
0x83: {  	_ =	shalt  }
0x84: {  	_ =	shalt  }
0x85: {  	_ =	shalt  }
0x86: {  	_ =	shalt  }
0x87: {  	_ =	shalt  }
.Lfunc_end0:
.L_simem_size_0:
called_computation_lowered:
.L_overlay_start_0:
0x88: {  	s2 =	sld [smem:$0x3FD9]  }
0x89: {  	s3 =	sld [smem:$0x3FFE];
	_ =	sdelay $0x1  }
0x8a: {  	s1 =	srdreg.scid  }
0x8b: {  	s0 =	sand.u32 $0x1, s1  }
0x8c: {  	s17 =	sshll.u32 s0, $0xA;
	s2 =	sadd.s32 s3, s2  }
0x8d: {  	s2 =	sadd.s32 s2, s17  }
0x8e: {  	[smem:$0x3FC6] =	sst s2  }
0x8f: {  	_ = 	snop  }
0x90: {  	s2 =	sld [smem:$0x3FC8]  }
0x91: {  	s18 =	sld [smem:$0x3FD0];
	(tm) =	ssettm $0x1  }
0x92: {  	s4 =	sld [smem:$0x3FFB];
	_ =	sdelay $0x3  }
0x93: {  	_ =	strace s4  }
0x94: {  	s4 =	sld [smem:$0x3FFC];
	_ =	sdelay $0x3  }
0x95: {  	_ =	strace s4  }
0x96: {  	s4 =	sld [smem:$0x3FFD];
	_ =	sdelay $0x3  }
0x97: {  	_ =	strace s4  }
0x98: {  	_ =	strace $0x8FFFFFFF  }
0x99: {  	s19 =	sld [smem:$0x3FDB];
	_ =	sdelay $0x1  }
0x9a: {  	s5 =	simm.s32 $_scs_section_size  }
0x9b: {  	s6 =	simm.s32 $_size__tile_overlayer_lowered;
	s7 =	simm.s32 $_tile_overlayer_lowered  }
0x9c: {  	s22 =	simm.s32 $0x1BFF;
	s21 =	sshll.u32 s7, $0x1;
	s4 =	sadd.s32 s5, s19  }
0x9d: {  	s8 =	simm.s32 $0x0;
	s20 =	sshll.u32 s6, $0x1;
	s6 =	sadd.s32 s21, s4  }
0x9e: {  	[timem:s8], [sflag:s22] =	dma.local [hbm:s6], s20  }
0x9f: {  	_ =	swait.ge [sflag:s22], s20  }
0xa0: {  	s5 =	ssub.s32 $0x0, s20;
	[sflag:s22] =	ssyncset.done $0x0  }
0xa1: {  	[sflag:s22] =	ssyncadd.s32 s5;
	_ =	sdelay $0x1  }
0xa2: {  	s23 =	simm.s32 $0x1B8B  }
0xa3: {  	_ =	swait.ge [sflag:s23], $0x1  }
0xa4: {  	[sflag:s23] =	ssyncset.done $0x0  }
0xa5: {  	s25 =	simm.s32 $0x1B8E;
	s24 =	sld [smem:$0x3FFE];
	[sflag:s23] =	ssyncadd.s32 $0xFFFFFFFF  }
0xa6: {  	s26 =	simm.s32 $execute0_lowered;
	[smem:$0x3FD2] =	sst s25  }
0xa7: {  	s6 =	sshll.u32 s26, $0x1;
	_ =	strace $0x80000046;
	[dreg:$0x1] =	wrdreg $0xFFFFFFFF  }
0xa8: {  	s28 =	simm.s32 $_size_execute0_lowered;
	s4 =	sadd.s32 s4, s6;
	[dreg:$0x0] =	wrdreg $0x0  }
0xa9: {  	s6 =	sshll.u32 s28, $0x1;
	[dreg:$0x2] =	wrdreg s4  }
0xaa: {  	[dreg:$0x3] =	wrdreg s6  }
0xab: {  	[dreg:$0x4] =	wrdreg $0xC0  }
0xac: {  	_ =	task [dreg:s8], $0x5FFFF  }
0xad: {  	[dreg:$0x1] =	wrdreg $0xFFFFFFFF  }
0xae: {  	[dreg:$0x0] =	wrdreg $0x60  }
0xaf: {  	[dreg:$0x2] =	wrdreg s24  }
0xb0: {  	[dreg:$0x3] =	wrdreg s2  }
0xb1: {  	[dreg:$0x4] =	wrdreg s18  }
0xb2: {  	[dreg:$0x5] =	wrdreg $0x182000  }
0xb3: {  	[dreg:$0x6] =	wrdreg $0x9  }
0xb4: {  	_ =	task.clear_ibuf [dreg:s8], $0x7FFFF;
	_ =	strace $0x90000046  }
0xb5: {  	s29 =	simm.s32 $0x9;
	_ =	strace $0x80000048  }
0xb6: {  	_ =	swait.ge [sflag:s29], $0x1  }
0xb7: {  	[sflag:s29] =	ssyncadd.s32 $0xFFFFFFFF  }
0xb8: {  	_ =	strace $0x90000048  }
0xb9: {  	_ =	sfence  }
0xba: {  	s30 =	sld [smem:$0x0];
	_ =	sdelay $0x2  }
0xbb: {  	s31 =	sshll.u32 s1, $0xD;
	s1 =	sshrl.u32 s1, $0x2  }
0xbc: {  	s3 =	sand.u32 $0x4000, s31;
	s1 =	sadd.s32 s1, s30  }
0xbd: {  	s0 =	sor.u32 s3, s0;
	s1 =	sshll.u32 s1, $0x11  }
0xbe: {  	s0 =	sor.u32 s1, s0  }
0xbf: {  	s0 =	sadd.s32 $0x8F2B, s0  }
0xc0: {  	[sflag:s0] =	ssyncadd.remote.s32 $0x1  }
0xc1: {  	_ =	sfence.sel $0xFFFF  }
0xc2: {  	[dreg:$0x0] =	wrdreg $0xFFFFFFFF;
	(pc) =	sbr.abs _section_cstart, $3  }
0xc3: {  	[dreg:$0x1] =	wrdreg $0xFFFFFFFF  }
0xc4: {  	_ =	task.clear_ibuf [dreg:s8], $0x2FFFF;
	_ =	strace $0x9FFFFFFF  }
0xc5: {  	(tm) =	ssettm $0x7FFFFFFF  }
tec
execute0_lowered:
.L_overlay_start_1:
0x0: {  	(tag) =	ssettag $0x1  }
0x1: {  	s0 =	srdreg.scid;
	s5 =	rddreg [dreg:$0x0]  }
0x2: {  	s20 =	stileid.u32;
	s8 =	rddreg [dreg:$0x1]  }
0x3: {  	s23 =	rddreg [dreg:$0x2];
	s6 =	simm.s32 $0x1;
	s1 =	sand.u32 $0x1, s0  }
0x4: {  	s9 =	rddreg [dreg:$0x3];
	s30 =	simm.s32 $0x0;
	s2 =	sshll.u32 s1, $0x4  }
0x5: {  	s13 =	simm.s32 $0xFFFFFFFF;
	s4 =	sand.u32 $0x3, s20;
	s3 =	sor.u32 s20, s2  }
0x6: {  	[smem:$0x7FF] =	sst s30;
	p1 =	sne.s32 s4, $0x0;
	p0 =	seq.s32 s3, $0x0  }
0x7: {  	_ =	strace $0x80000047;
	s1 =	ssub.s32 $0x2, s1;
	p0 =	por !p1, !p0  }
0x8: {  	s26 =	sshll.u32 s4, $0x3;
	s31 =	sshrl.u32 s1, $0x1;
	p0 =	por !p0, !p0  }
0x9: {  	s3 =	sshrl.u32 s3, $0x2;
	s1 =	ssub.s32 s1, s31;
	s6 =	simm.s32 @!p0 $0x0  }
0xa: {  	s13 =	simm.s32 @!p0 $0x0;
	s10 =	ssub.s32 s3, s6;
	s3 =	smul.u32 $0x498000, s3  }
0xb: {  	s17 =	sshll.u32 s4, $0x1;
	s25 =	smax.u32 s1, $0x1;
	s21 =	smul.u32 $0x498000, s13  }
0xc: {  	s1 =	sshll.u32 @!p1 s20, $0x6;
	[dreg:$0xb] =	wrdreg s25;
	s6 =	smul.u32 $0x188, s10  }
0xd: {  	s25 =	simm.s32 $0x3;
	p0 =	seq.s32 s4, $0x0;
	s12 =	smul.u32 $0x31, s10  }
0xe: {  	s7 =	sshrl.u32 s10, $0xD;
	s16 =	smul.u32 $0x93000, s10;
	s6 =	sshrl.u32 s6, $0x3  }
0xf: {  	s15 =	sadd.s32 s26, s12;
	s11 =	sadd.s32 s6, s5;
	s6 =	smul.u32 $0x6, s4  }
0x10: {  	s7 =	sand.u32 $0x3, s7;
	s12 =	sadd.s32 s17, s12;
	s15 =	smul.u32 $0x3000, s15  }
0x11: {  	s0 =	sadd.s32 s7, s10;
	s16 =	sadd.s32 $0x60000, s16;
	s12 =	smul.u32 $0x3000, s12  }
0x12: {  	s2 =	sand.u32 $0xFC, s0;
	s4 =	smul.u32 $0x18000, s4;
	s0 =	sor.u32 @!p1 $0x1C02, s1  }
0x13: {  	s5 =	ssub.s32 s10, s2;
	s18 =	sadd.s32 $0x400, s11;
	s10 =	smul.u32 $0x498000, s10  }
0x14: {  	[dreg:$0xf] =	wrdreg s0;
	s0 =	simm.s32 @!p1 $0x0;
	s14 =	sshll.u32 s5, $0x18  }
0x15: {  	s2 =	sor.u32 $0x1, s6;
	s5 =	sadd.s32 $0x7, s6;
	s15 =	sshrl.u32 s15, $0x3  }
0x16: {  	[dreg:$0x9] =	wrdreg s18;
	s19 =	sadd.s32 $0x7B000, s12;
	s0 =	simm.s32 @p1 $0x1  }
0x17: {  	s4 =	sshrl.u32 s4, $0x2;
	s14 =	sshra.s32 s14, $0x18;
	[smem:$0x7FD] =	sst s0  }
0x18: {  	s2 =	simm.s32 @p0 $0x0;
	s15 =	sadd.s32 s8, s15;
	[dreg:$0x6] =	wrdreg s5  }
0x19: {  	s11 =	sshrl.u32 s19, $0x3;
	s14 =	smul.u32 $0x6C000, s14;
	[dreg:$0x7] =	wrdreg s15  }
0x1a: {  	s15 =	sshrl.u32 s16, $0x3;
	s22 =	sadd.s32 s8, s11;
	[dreg:$0x5] =	wrdreg s2  }
0x1b: {  	s24 =	smul.u32 $0x30000, s2;
	s28 =	ssub.s32 s5, s2;
	[dreg:$0xa] =	wrdreg s22  }
0x1c: {  	s30 =	sshll.u32 s2, $0x4;
	s17 =	sadd.s32 s8, s15;
	[dreg:$0xc] =	wrdreg s28  }
.Ltmp0:
0x1d: {  	[dreg:$0xe] =	wrdreg s30;
	s14 =	sshra.s32 s14, $0x2;
	(pc) =	sbr.rel .LBB2_1-.Ltmp0, $4  }
0x1e: {  	[dreg:$0x8] =	wrdreg s17;
	s29 =	sadd.s32 s24, s10;
	s9 =	sadd.s32 s14, s9  }
0x1f: {  	[dreg:$0xd] =	wrdreg s29;
	s4 =	sadd.s32 s4, s9;
	s0 =	sshrl.u32 @!p1 s9, $0x3  }
0x20: {  	s22 =	simm.s32 $0x4;
	[dreg:$0x10] =	wrdreg s0;
	s31 =	sshrl.u32 s4, $0x3  }
0x21: {  	vm0 =	vmmov $0xff;
	v0 =	vimm.s32 $0xFFFFFFFF;
	s14 =	sadd.s32 s21, s3;
	s3 =	simm.s32 $0x0;
	[dreg:$0x11] =	wrdreg s31  }
.LBB2_16:
0x22: {  	[sflag:s25] =	ssyncadd.s32 $0xFFFFD000;
	s3 =	rddreg [dreg:$0x12]  }
.LBB2_17:
0x23: {  	s3 =	sadd.s32 $0x1, s3;
	s0 =	rddreg [dreg:$0xb]  }
0x24: {  	p0 =	sne.s32 s3, s0  }
.Ltmp1:
0x25: {  	_ = 	snop;
	(pc) =	sbr.rel @!p0 .LBB2_18-.Ltmp1, $3  }
0x26: {  	_ =	sdelay $0x1  }
0x27: {  	s2 =	rddreg [dreg:$0x5]  }
0x28: {  	s5 =	rddreg [dreg:$0x6]  }
.LBB2_1:
0x29: {  	[dreg:$0x12] =	wrdreg s3  }
0x2a: {  	s1 =	rddreg [dreg:$0x7]  }
0x2b: {  	s24 =	sld [smem:$0x7FD]  }
0x2c: {  	s3 =	rddreg [dreg:$0xf]  }
0x2d: {  	s0 =	simm.s32 $0x0;
	s21 =	simm.s32 $0x200;
	s4 =	rddreg [dreg:$0x10]  }
0x2e: {  	[tilespmem:s21], [sflag:$0x1] =	stream.linear.gather [hbm4b:s1+s0], $0x18000, $0x38;
	[tilespmem:$0x1EE00] =	vst v63  }
0x2f: {  	s1 =	rddreg [dreg:$0x8];
	p0 =	seq.s32 s24, $0x1  }
0x30: {  	[spmem:s4], [sflag:s3] =	dma.local @!p0 [hbm:s1], $0x3600  }
0x31: {  	s29 =	simm.s32 $0x6;
	s1 =	rddreg [dreg:$0x9]  }
0x32: {  	[tilespmem:s0], [sflag:$0x6] =	stream.linear.gather [hbm4b:s1+s0], $0x188, $0x38;
	[tilespmem:$0x1EE00] =	vst v63  }
0x33: {  	_ =	swait.ge [sflag:s29], $0x188  }
0x34: {  	[sflag:s29] =	ssyncset.done $0x0  }
0x35: {  	[sflag:s29] =	ssyncadd.s32 $0xFFFFFE78  }
0x36: {  	v1 =	vld [tilespmem:$0x180];
	_ =	sdelay $0x3  }
0x37: {  	[tilespmem:$0x190] =	vst v0  }
0x38: {  	[tilespmem:$0x1A0] =	vst v0;
	v1 =	vnsel vm0, $0xFFFFFFFF, v1  }
0x39: {  	s31 =	simm.s32 $0x1;
	[tilespmem:$0x180] =	vst v1  }
0x3a: {  	_ =	swait.ge [sflag:s31], $0x18000  }
0x3b: {  	[sflag:s31] =	ssyncset.done $0x0  }
0x3c: {  	s1 =	simm.s32 @!p0 $0x2;
	[sflag:s31] =	ssyncadd.s32 $0xFFFE8000  }
0x3d: {  	_ =	swait.ge @!p0 [sflag:s1], $0x3600  }
0x3e: {  	s30 =	simm.s32 $0x0;
	[sflag:s1] =	ssyncset.done @!p0 $0x0  }
0x3f: {  	s28 =	simm.s32 $0x0;
	s4 =	simm.s32 $0x0;
	[sflag:s1] =	ssyncadd.s32 @!p0 $0xFFFFCA00  }
0x40: {  	s0 =	simm.s32 $0x0;
	s1 =	simm.s32 $0x0;
	[bflag:$0x0] =	sbarrier.arrive $0xFFFF  }
.LBB2_2:
0x41: {  	v1 =	vld [tilespmem:s0+$0x0];
	_ =	sdelay $0x4  }
0x42: {  	(v2sf) =	vpush v1, $0x0;
	_ =	sdelay $0xe  }
0x43: {  	p0 =	sge.u32 s4, s2;
	p1 =	slt.u32 s4, s5;
	s3 =	spop (v2sf)  }
0x44: {  	p0 =	por !p0, !p1;
	s18 =	ssub.s32 s3, s26  }
0x45: {  	p5 =	por !p0, !p0;
	s13 =	sadd.s32 $0xFFFFFFE0, s3;
	p0 =	sgt.u32 s18, $0x7  }
0x46: {  	[dreg:$0x14] =	wrdreg s4;
	p6 =	slt.u32 s13, $0x9;
	s8 =	smul.u32 @!p0 $0xC000, s18  }
0x47: {  	s4 =	sadd.s32 @!p0 s30, s14;
	p1 =	por !p5, !p6;
	s10 =	simm.s32 @!p0 $0x0  }
0x48: {  	s4 =	sshrl.u32 @!p0 s4, $0x3;
	p6 =	por !p1, !p1;
	s8 =	sshra.s32 @!p0 s8, $0x2  }
0x49: {  	s4 =	sadd.s32 @!p0 s23, s4;
	s3 =	smul.u32 @p6 $0xC000, s3;
	s8 =	sor.u32 @!p0 $0x200, s8  }
0x4a: {  	[hbm4b:s4+s10] =	stream.linear.scatter @!p0 [tilespmem:s8], [sflag:$0x3], $0x3000, $0x38;
	[tilespmem:$0x1EE00] =	vst v63  }
0x4b: {  	s3 =	sshra.s32 @p6 s3, $0x2  }
0x4c: {  	[dreg:$0x13] =	wrdreg s0;
	s4 =	sadd.s32 @p6 s30, s14;
	s3 =	sadd.s32 @p6 s3, s9  }
0x4d: {  	s8 =	sshll.u32 @p6 s20, $0x6;
	s4 =	sshrl.u32 @p6 s4, $0x3;
	s3 =	sadd.s32 @p6 $0xFFFA0000, s3  }
0x4e: {  	s8 =	sor.u32 @p6 $0x1C04, s8;
	s4 =	sadd.s32 @p6 s23, s4;
	s3 =	sshrl.u32 @p6 s3, $0x3  }
0x4f: {  	[hbm:s4], [sflag:s8] =	dma.local @p6 [spmem:s3], $0x600  }
0x50: {  	(v2sf) =	vpush v1, $0x1;
	_ =	sdelay $0xe  }
0x51: {  	s4 =	spop (v2sf)  }
0x52: {  	s3 =	ssub.s32 s4, s26  }
0x53: {  	s15 =	sadd.s32 $0xFFFFFFE0, s4;
	p0 =	sgt.u32 s3, $0x7  }
0x54: {  	p2 =	slt.u32 s15, $0x9;
	s10 =	sadd.s32 @!p0 s30, s14  }
0x55: {  	p1 =	por !p5, !p2;
	s8 =	sadd.s32 @!p0 $0x3000, s10;
	s10 =	smul.u32 @!p0 $0xC000, s3  }
0x56: {  	s11 =	simm.s32 @!p0 $0x0;
	p1 =	por !p1, !p1  }
0x57: {  	s8 =	sshrl.u32 @!p0 s8, $0x3;
	s4 =	smul.u32 @p1 $0xC000, s4;
	s10 =	sshra.s32 @!p0 s10, $0x2  }
0x58: {  	s0 =	simm.s32 @!p1 $0x0;
	s8 =	sadd.s32 @!p0 s23, s8;
	s10 =	sor.u32 @!p0 $0x200, s10  }
0x59: {  	[hbm4b:s8+s11] =	stream.linear.scatter @!p0 [tilespmem:s10], [sflag:$0x3], $0x3000, $0x38;
	[tilespmem:$0x1EE00] =	vst v63  }
0x5a: {  	s0 =	simm.s32 @p1 $0x1;
	s4 =	sshra.s32 @p1 s4, $0x2;
	s8 =	sadd.s32 @p1 s30, s14  }
0x5b: {  	[smem:$0x7F3] =	sst s0;
	s4 =	sadd.s32 @p1 s4, s9;
	s8 =	sadd.s32 @p1 $0x3000, s8  }
0x5c: {  	s10 =	sshll.u32 @p1 s20, $0x6;
	s4 =	sadd.s32 @p1 $0xFFFA0000, s4;
	s8 =	sshrl.u32 @p1 s8, $0x3  }
0x5d: {  	s10 =	sor.u32 @p1 $0x1C04, s10;
	s4 =	sshrl.u32 @p1 s4, $0x3;
	s8 =	sadd.s32 @p1 s23, s8  }
0x5e: {  	[hbm:s8], [sflag:s10] =	dma.local @p1 [spmem:s4], $0x600  }
0x5f: {  	(v2sf) =	vpush v1, $0x2;
	_ =	sdelay $0xe  }
0x60: {  	s4 =	spop (v2sf)  }
0x61: {  	s5 =	ssub.s32 s4, s26  }
0x62: {  	s16 =	sadd.s32 $0xFFFFFFE0, s4;
	p0 =	sgt.u32 s5, $0x7  }
0x63: {  	p3 =	slt.u32 s16, $0x9;
	s11 =	sadd.s32 @!p0 s30, s14  }
0x64: {  	p1 =	por !p5, !p3;
	s10 =	sadd.s32 @!p0 $0x6000, s11;
	s11 =	smul.u32 @!p0 $0xC000, s5  }
0x65: {  	s12 =	simm.s32 @!p0 $0x0;
	p1 =	por !p1, !p1  }
0x66: {  	s10 =	sshrl.u32 @!p0 s10, $0x3;
	s4 =	smul.u32 @p1 $0xC000, s4;
	s11 =	sshra.s32 @!p0 s11, $0x2  }
0x67: {  	s0 =	simm.s32 @!p1 $0x0;
	s10 =	sadd.s32 @!p0 s23, s10;
	s11 =	sor.u32 @!p0 $0x200, s11  }
0x68: {  	[hbm4b:s10+s12] =	stream.linear.scatter @!p0 [tilespmem:s11], [sflag:$0x3], $0x3000, $0x38;
	[tilespmem:$0x1EE00] =	vst v63  }
0x69: {  	s0 =	simm.s32 @p1 $0x1;
	s4 =	sshra.s32 @p1 s4, $0x2;
	s10 =	sadd.s32 @p1 s30, s14  }
0x6a: {  	[smem:$0x7F4] =	sst s0;
	s4 =	sadd.s32 @p1 s4, s9;
	s10 =	sadd.s32 @p1 $0x6000, s10  }
0x6b: {  	s11 =	sshll.u32 @p1 s20, $0x6;
	s4 =	sadd.s32 @p1 $0xFFFA0000, s4;
	s10 =	sshrl.u32 @p1 s10, $0x3  }
0x6c: {  	s11 =	sor.u32 @p1 $0x1C04, s11;
	s4 =	sshrl.u32 @p1 s4, $0x3;
	s10 =	sadd.s32 @p1 s23, s10  }
0x6d: {  	[hbm:s10], [sflag:s11] =	dma.local @p1 [spmem:s4], $0x600  }
0x6e: {  	(v2sf) =	vpush v1, $0x3;
	_ =	sdelay $0xe  }
0x6f: {  	s4 =	spop (v2sf)  }
0x70: {  	s10 =	ssub.s32 s4, s26  }
0x71: {  	s17 =	sadd.s32 $0xFFFFFFE0, s4;
	p0 =	sgt.u32 s10, $0x7  }
0x72: {  	p4 =	slt.u32 s17, $0x9;
	s12 =	sadd.s32 @!p0 s30, s14  }
0x73: {  	p1 =	por !p5, !p4;
	s11 =	sadd.s32 @!p0 $0x9000, s12;
	s12 =	smul.u32 @!p0 $0xC000, s10  }
0x74: {  	s13 =	simm.s32 @!p0 $0x0;
	p1 =	por !p1, !p1  }
0x75: {  	s11 =	sshrl.u32 @!p0 s11, $0x3;
	s4 =	smul.u32 @p1 $0xC000, s4;
	s12 =	sshra.s32 @!p0 s12, $0x2  }
0x76: {  	s0 =	simm.s32 @!p1 $0x0;
	s11 =	sadd.s32 @!p0 s23, s11;
	s12 =	sor.u32 @!p0 $0x200, s12  }
0x77: {  	[hbm4b:s11+s13] =	stream.linear.scatter @!p0 [tilespmem:s12], [sflag:$0x3], $0x3000, $0x38;
	[tilespmem:$0x1EE00] =	vst v63  }
0x78: {  	s0 =	simm.s32 @p1 $0x1;
	s4 =	sshra.s32 @p1 s4, $0x2;
	s11 =	sadd.s32 @p1 s30, s14  }
0x79: {  	[smem:$0x7F5] =	sst s0;
	s4 =	sadd.s32 @p1 s4, s9;
	s11 =	sadd.s32 @p1 $0x9000, s11  }
0x7a: {  	s12 =	sshll.u32 @p1 s20, $0x6;
	s4 =	sadd.s32 @p1 $0xFFFA0000, s4;
	s11 =	sshrl.u32 @p1 s11, $0x3  }
0x7b: {  	s12 =	sor.u32 @p1 $0x1C04, s12;
	s4 =	sshrl.u32 @p1 s4, $0x3;
	s11 =	sadd.s32 @p1 s23, s11  }
0x7c: {  	[hbm:s11], [sflag:s12] =	dma.local @p1 [spmem:s4], $0x600  }
0x7d: {  	(v2sf) =	vpush v1, $0x4;
	_ =	sdelay $0xe  }
0x7e: {  	s4 =	spop (v2sf)  }
0x7f: {  	s11 =	ssub.s32 s4, s26  }
0x80: {  	s19 =	sadd.s32 $0xFFFFFFE0, s4;
	p0 =	sgt.u32 s11, $0x7  }
0x81: {  	p2 =	slt.u32 s19, $0x9;
	s13 =	sadd.s32 @!p0 s30, s14  }
0x82: {  	p1 =	por !p5, !p2;
	s12 =	sadd.s32 @!p0 $0xC000, s13;
	s13 =	smul.u32 @!p0 $0xC000, s11  }
0x83: {  	s15 =	simm.s32 @!p0 $0x0;
	p1 =	por !p1, !p1  }
0x84: {  	s12 =	sshrl.u32 @!p0 s12, $0x3;
	s4 =	smul.u32 @p1 $0xC000, s4;
	s13 =	sshra.s32 @!p0 s13, $0x2  }
0x85: {  	s0 =	simm.s32 @!p1 $0x0;
	s12 =	sadd.s32 @!p0 s23, s12;
	s13 =	sor.u32 @!p0 $0x200, s13  }
0x86: {  	[hbm4b:s12+s15] =	stream.linear.scatter @!p0 [tilespmem:s13], [sflag:$0x3], $0x3000, $0x38;
	[tilespmem:$0x1EE00] =	vst v63  }
0x87: {  	s0 =	simm.s32 @p1 $0x1;
	s4 =	sshra.s32 @p1 s4, $0x2;
	s12 =	sadd.s32 @p1 s30, s14  }
0x88: {  	[smem:$0x7F6] =	sst s0;
	s4 =	sadd.s32 @p1 s4, s9;
	s12 =	sadd.s32 @p1 $0xC000, s12  }
0x89: {  	s13 =	sshll.u32 @p1 s20, $0x6;
	s4 =	sadd.s32 @p1 $0xFFFA0000, s4;
	s12 =	sshrl.u32 @p1 s12, $0x3  }
0x8a: {  	s13 =	sor.u32 @p1 $0x1C04, s13;
	s4 =	sshrl.u32 @p1 s4, $0x3;
	s12 =	sadd.s32 @p1 s23, s12  }
0x8b: {  	[hbm:s12], [sflag:s13] =	dma.local @p1 [spmem:s4], $0x600  }
0x8c: {  	(v2sf) =	vpush v1, $0x5;
	_ =	sdelay $0xe  }
0x8d: {  	s4 =	spop (v2sf)  }
0x8e: {  	s19 =	ssub.s32 s4, s26  }
0x8f: {  	s21 =	sadd.s32 $0xFFFFFFE0, s4;
	p0 =	sgt.u32 s19, $0x7  }
0x90: {  	p3 =	slt.u32 s21, $0x9;
	s15 =	sadd.s32 @!p0 s30, s14  }
0x91: {  	s16 =	smul.u32 @!p0 $0xC000, s19;
	p1 =	por !p5, !p3;
	s15 =	sadd.s32 @!p0 $0xF000, s15  }
0x92: {  	p1 =	por !p1, !p1;
	s13 =	sshrl.u32 @!p0 s15, $0x3  }
0x93: {  	s15 =	sshra.s32 @!p0 s16, $0x2;
	s16 =	simm.s32 @!p0 $0x0;
	s4 =	smul.u32 @p1 $0xC000, s4  }
0x94: {  	s0 =	simm.s32 @!p1 $0x0;
	s13 =	sadd.s32 @!p0 s23, s13;
	s15 =	sor.u32 @!p0 $0x200, s15  }
0x95: {  	[hbm4b:s13+s16] =	stream.linear.scatter @!p0 [tilespmem:s15], [sflag:$0x3], $0x3000, $0x38;
	[tilespmem:$0x1EE00] =	vst v63  }
0x96: {  	s0 =	simm.s32 @p1 $0x1;
	s13 =	sadd.s32 @p1 s30, s14;
	s4 =	sshra.s32 @p1 s4, $0x2  }
0x97: {  	[smem:$0x7F7] =	sst s0;
	s13 =	sadd.s32 @p1 $0xF000, s13;
	s4 =	sadd.s32 @p1 s4, s9  }
0x98: {  	s15 =	sshll.u32 @p1 s20, $0x6;
	s13 =	sshrl.u32 @p1 s13, $0x3;
	s4 =	sadd.s32 @p1 $0xFFFA0000, s4  }
0x99: {  	s15 =	sor.u32 @p1 $0x1C04, s15;
	s13 =	sadd.s32 @p1 s23, s13;
	s4 =	sshrl.u32 @p1 s4, $0x3  }
0x9a: {  	[hbm:s13], [sflag:s15] =	dma.local @p1 [spmem:s4], $0x600  }
0x9b: {  	(v2sf) =	vpush v1, $0x6;
	_ =	sdelay $0xe  }
0x9c: {  	s4 =	spop (v2sf)  }
0x9d: {  	s0 =	ssub.s32 s4, s26  }
0x9e: {  	s24 =	sadd.s32 $0xFFFFFFE0, s4;
	p0 =	sgt.u32 s0, $0x7  }
0x9f: {  	p4 =	slt.u32 s24, $0x9;
	s16 =	sadd.s32 @!p0 s30, s14  }
0xa0: {  	s17 =	smul.u32 @!p0 $0xC000, s0;
	p1 =	por !p5, !p4;
	s16 =	sadd.s32 @!p0 $0x12000, s16  }
0xa1: {  	[dreg:$0x15] =	wrdreg s0;
	p1 =	por !p1, !p1;
	s15 =	sshrl.u32 @!p0 s16, $0x3  }
0xa2: {  	s16 =	sshra.s32 @!p0 s17, $0x2;
	s17 =	simm.s32 @!p0 $0x0;
	s4 =	smul.u32 @p1 $0xC000, s4  }
0xa3: {  	s0 =	simm.s32 @!p1 $0x0;
	s15 =	sadd.s32 @!p0 s23, s15;
	s16 =	sor.u32 @!p0 $0x200, s16  }
0xa4: {  	[hbm4b:s15+s17] =	stream.linear.scatter @!p0 [tilespmem:s16], [sflag:$0x3], $0x3000, $0x38;
	[tilespmem:$0x1EE00] =	vst v63  }
0xa5: {  	s0 =	simm.s32 @p1 $0x1;
	s15 =	sadd.s32 @p1 s30, s14;
	s4 =	sshra.s32 @p1 s4, $0x2  }
0xa6: {  	[smem:$0x7F8] =	sst s0;
	s15 =	sadd.s32 @p1 $0x12000, s15;
	s4 =	sadd.s32 @p1 s4, s9  }
0xa7: {  	s16 =	sshll.u32 @p1 s20, $0x6;
	s15 =	sshrl.u32 @p1 s15, $0x3;
	s4 =	sadd.s32 @p1 $0xFFFA0000, s4  }
0xa8: {  	s16 =	sor.u32 @p1 $0x1C04, s16;
	s15 =	sadd.s32 @p1 s23, s15;
	s4 =	sshrl.u32 @p1 s4, $0x3  }
0xa9: {  	[hbm:s15], [sflag:s16] =	dma.local @p1 [spmem:s4], $0x600  }
0xaa: {  	(v2sf) =	vpush v1, $0x7;
	_ =	sdelay $0xe  }
0xab: {  	s4 =	spop (v2sf)  }
0xac: {  	s13 =	ssub.s32 s4, s26  }
0xad: {  	s29 =	sadd.s32 $0xFFFFFFE0, s4;
	p0 =	sgt.u32 s13, $0x7  }
0xae: {  	p2 =	slt.u32 s29, $0x9;
	s16 =	sadd.s32 @!p0 s30, s14  }
0xaf: {  	s17 =	smul.u32 @!p0 $0xC000, s13;
	p1 =	por !p5, !p2;
	s16 =	sadd.s32 @!p0 $0x15000, s16  }
0xb0: {  	p1 =	por !p1, !p1;
	s15 =	sshrl.u32 @!p0 s16, $0x3  }
0xb1: {  	s16 =	sshra.s32 @!p0 s17, $0x2;
	s17 =	simm.s32 @!p0 $0x0;
	s4 =	smul.u32 @p1 $0xC000, s4  }
0xb2: {  	s0 =	simm.s32 @!p1 $0x0;
	s15 =	sadd.s32 @!p0 s23, s15;
	s16 =	sor.u32 @!p0 $0x200, s16  }
0xb3: {  	[hbm4b:s15+s17] =	stream.linear.scatter @!p0 [tilespmem:s16], [sflag:$0x3], $0x3000, $0x38;
	[tilespmem:$0x1EE00] =	vst v63  }
0xb4: {  	s0 =	simm.s32 @p1 $0x1;
	s15 =	sadd.s32 @p1 s30, s14;
	s4 =	sshra.s32 @p1 s4, $0x2  }
0xb5: {  	[smem:$0x7F9] =	sst s0;
	s15 =	sadd.s32 @p1 $0x15000, s15;
	s4 =	sadd.s32 @p1 s4, s9  }
0xb6: {  	s16 =	sshll.u32 @p1 s20, $0x6;
	s15 =	sshrl.u32 @p1 s15, $0x3;
	s4 =	sadd.s32 @p1 $0xFFFA0000, s4  }
0xb7: {  	s16 =	sor.u32 @p1 $0x1C04, s16;
	s15 =	sadd.s32 @p1 s23, s15;
	s4 =	sshrl.u32 @p1 s4, $0x3  }
0xb8: {  	[hbm:s15], [sflag:s16] =	dma.local @p1 [spmem:s4], $0x600  }
0xb9: {  	(v2sf) =	vpush v1, $0x8;
	_ =	sdelay $0xe  }
0xba: {  	s4 =	spop (v2sf)  }
0xbb: {  	s0 =	ssub.s32 s4, s26  }
0xbc: {  	s31 =	sadd.s32 $0xFFFFFFE0, s4;
	p0 =	sgt.u32 s0, $0x7  }
0xbd: {  	p3 =	slt.u32 s31, $0x9;
	s16 =	sadd.s32 @!p0 s30, s14  }
0xbe: {  	s17 =	smul.u32 @!p0 $0xC000, s0;
	p1 =	por !p5, !p3;
	s16 =	sadd.s32 @!p0 $0x18000, s16  }
0xbf: {  	[dreg:$0x16] =	wrdreg s0;
	p1 =	por !p1, !p1;
	s15 =	sshrl.u32 @!p0 s16, $0x3  }
0xc0: {  	s16 =	sshra.s32 @!p0 s17, $0x2;
	s17 =	simm.s32 @!p0 $0x0;
	s4 =	smul.u32 @p1 $0xC000, s4  }
0xc1: {  	s0 =	simm.s32 @!p1 $0x0;
	s15 =	sadd.s32 @!p0 s23, s15;
	s16 =	sor.u32 @!p0 $0x200, s16  }
0xc2: {  	[hbm4b:s15+s17] =	stream.linear.scatter @!p0 [tilespmem:s16], [sflag:$0x3], $0x3000, $0x38;
	[tilespmem:$0x1EE00] =	vst v63  }
0xc3: {  	s0 =	simm.s32 @p1 $0x1;
	s15 =	sadd.s32 @p1 s30, s14;
	s4 =	sshra.s32 @p1 s4, $0x2  }
0xc4: {  	[smem:$0x7FA] =	sst s0;
	s15 =	sadd.s32 @p1 $0x18000, s15;
	s4 =	sadd.s32 @p1 s4, s9  }
0xc5: {  	s16 =	sshll.u32 @p1 s20, $0x6;
	s15 =	sshrl.u32 @p1 s15, $0x3;
	s4 =	sadd.s32 @p1 $0xFFFA0000, s4  }
0xc6: {  	s16 =	sor.u32 @p1 $0x1C04, s16;
	s15 =	sadd.s32 @p1 s23, s15;
	s4 =	sshrl.u32 @p1 s4, $0x3  }
0xc7: {  	[hbm:s15], [sflag:s16] =	dma.local @p1 [spmem:s4], $0x600  }
0xc8: {  	(v2sf) =	vpush v1, $0x9;
	_ =	sdelay $0xe  }
0xc9: {  	s4 =	spop (v2sf)  }
0xca: {  	s12 =	ssub.s32 s4, s26  }
0xcb: {  	s0 =	sadd.s32 $0xFFFFFFE0, s4;
	p0 =	sgt.u32 s12, $0x7  }
0xcc: {  	p4 =	slt.u32 s0, $0x9;
	s16 =	sadd.s32 @!p0 s30, s14  }
0xcd: {  	s17 =	smul.u32 @!p0 $0xC000, s12;
	p1 =	por !p5, !p4;
	s16 =	sadd.s32 @!p0 $0x1B000, s16  }
0xce: {  	p1 =	por !p1, !p1;
	s15 =	sshrl.u32 @!p0 s16, $0x3  }
0xcf: {  	s16 =	sshra.s32 @!p0 s17, $0x2;
	s17 =	simm.s32 @!p0 $0x0;
	s4 =	smul.u32 @p1 $0xC000, s4  }
0xd0: {  	s0 =	simm.s32 @!p1 $0x0;
	s15 =	sadd.s32 @!p0 s23, s15;
	s16 =	sor.u32 @!p0 $0x200, s16  }
0xd1: {  	[hbm4b:s15+s17] =	stream.linear.scatter @!p0 [tilespmem:s16], [sflag:$0x3], $0x3000, $0x38;
	[tilespmem:$0x1EE00] =	vst v63  }
0xd2: {  	s0 =	simm.s32 @p1 $0x1;
	s15 =	sadd.s32 @p1 s30, s14;
	s4 =	sshra.s32 @p1 s4, $0x2  }
0xd3: {  	[smem:$0x7FB] =	sst s0;
	s15 =	sadd.s32 @p1 $0x1B000, s15;
	s4 =	sadd.s32 @p1 s4, s9  }
0xd4: {  	s16 =	sshll.u32 @p1 s20, $0x6;
	s15 =	sshrl.u32 @p1 s15, $0x3;
	s4 =	sadd.s32 @p1 $0xFFFA0000, s4  }
0xd5: {  	s16 =	sor.u32 @p1 $0x1C04, s16;
	s15 =	sadd.s32 @p1 s23, s15;
	s4 =	sshrl.u32 @p1 s4, $0x3  }
0xd6: {  	[hbm:s15], [sflag:s16] =	dma.local @p1 [spmem:s4], $0x600  }
0xd7: {  	(v2sf) =	vpush v1, $0xA;
	_ =	sdelay $0xe  }
0xd8: {  	s4 =	spop (v2sf)  }
0xd9: {  	s15 =	ssub.s32 s4, s26;
	s2 =	sadd.s32 $0xFFFFFFE0, s4  }
0xda: {  	p0 =	sgt.u32 s15, $0x7;
	p2 =	slt.u32 s2, $0x9  }
0xdb: {  	s17 =	sadd.s32 @!p0 s30, s14;
	s21 =	smul.u32 @!p0 $0xC000, s15;
	p1 =	por !p5, !p2  }
0xdc: {  	s17 =	sadd.s32 @!p0 $0x1E000, s17;
	p4 =	por !p1, !p1  }
0xdd: {  	s16 =	sshrl.u32 @!p0 s17, $0x3;
	s17 =	sshra.s32 @!p0 s21, $0x2;
	s21 =	simm.s32 @!p0 $0x0  }
0xde: {  	s4 =	smul.u32 @p4 $0xC000, s4;
	s16 =	sadd.s32 @!p0 s23, s16;
	s17 =	sor.u32 @!p0 $0x200, s17  }
0xdf: {  	[hbm4b:s16+s21] =	stream.linear.scatter @!p0 [tilespmem:s17], [sflag:$0x3], $0x3000, $0x38;
	[tilespmem:$0x1EE00] =	vst v63  }
0xe0: {  	s16 =	sadd.s32 @p4 s30, s14;
	s4 =	sshra.s32 @p4 s4, $0x2  }
0xe1: {  	s16 =	sadd.s32 @p4 $0x1E000, s16;
	s4 =	sadd.s32 @p4 s4, s9  }
0xe2: {  	s17 =	sshll.u32 @p4 s20, $0x6;
	s16 =	sshrl.u32 @p4 s16, $0x3;
	s4 =	sadd.s32 @p4 $0xFFFA0000, s4  }
0xe3: {  	s17 =	sor.u32 @p4 $0x1C04, s17;
	s16 =	sadd.s32 @p4 s23, s16;
	s4 =	sshrl.u32 @p4 s4, $0x3  }
0xe4: {  	[hbm:s16], [sflag:s17] =	dma.local @p4 [spmem:s4], $0x600  }
0xe5: {  	(v2sf) =	vpush v1, $0xB;
	_ =	sdelay $0xe  }
0xe6: {  	s4 =	spop (v2sf)  }
0xe7: {  	s16 =	ssub.s32 s4, s26;
	s6 =	sadd.s32 $0xFFFFFFE0, s4  }
0xe8: {  	p0 =	sgt.u32 s16, $0x7;
	p3 =	slt.u32 s6, $0x9  }
0xe9: {  	s21 =	sadd.s32 @!p0 s30, s14;
	s24 =	smul.u32 @!p0 $0xC000, s16;
	p1 =	por !p5, !p3  }
0xea: {  	s21 =	sadd.s32 @!p0 $0x21000, s21;
	p3 =	por !p1, !p1  }
0xeb: {  	s17 =	sshrl.u32 @!p0 s21, $0x3;
	s21 =	sshra.s32 @!p0 s24, $0x2;
	s24 =	simm.s32 @!p0 $0x0  }
0xec: {  	s4 =	smul.u32 @p3 $0xC000, s4;
	s17 =	sadd.s32 @!p0 s23, s17;
	s21 =	sor.u32 @!p0 $0x200, s21  }
0xed: {  	[hbm4b:s17+s24] =	stream.linear.scatter @!p0 [tilespmem:s21], [sflag:$0x3], $0x3000, $0x38;
	[tilespmem:$0x1EE00] =	vst v63  }
0xee: {  	s17 =	sadd.s32 @p3 s30, s14;
	s4 =	sshra.s32 @p3 s4, $0x2  }
0xef: {  	s17 =	sadd.s32 @p3 $0x21000, s17;
	s4 =	sadd.s32 @p3 s4, s9  }
0xf0: {  	s21 =	sshll.u32 @p3 s20, $0x6;
	s17 =	sshrl.u32 @p3 s17, $0x3;
	s4 =	sadd.s32 @p3 $0xFFFA0000, s4  }
0xf1: {  	s21 =	sor.u32 @p3 $0x1C04, s21;
	s17 =	sadd.s32 @p3 s23, s17;
	s4 =	sshrl.u32 @p3 s4, $0x3  }
0xf2: {  	[hbm:s17], [sflag:s21] =	dma.local @p3 [spmem:s4], $0x600  }
0xf3: {  	(v2sf) =	vpush v1, $0xC;
	_ =	sdelay $0xe  }
0xf4: {  	s4 =	spop (v2sf)  }
0xf5: {  	s17 =	ssub.s32 s4, s26;
	s7 =	sadd.s32 $0xFFFFFFE0, s4  }
0xf6: {  	s2 =	smov.u32 s26;
	p0 =	sgt.u32 s17, $0x7;
	p2 =	slt.u32 s7, $0x9  }
0xf7: {  	s24 =	sadd.s32 @!p0 s30, s14;
	s26 =	smul.u32 @!p0 $0xC000, s17;
	p1 =	por !p5, !p2  }
0xf8: {  	s24 =	sadd.s32 @!p0 $0x24000, s24;
	p2 =	por !p1, !p1  }
0xf9: {  	s21 =	sshrl.u32 @!p0 s24, $0x3;
	s24 =	sshra.s32 @!p0 s26, $0x2;
	s26 =	simm.s32 @!p0 $0x0  }
0xfa: {  	s4 =	smul.u32 @p2 $0xC000, s4;
	s21 =	sadd.s32 @!p0 s23, s21;
	s24 =	sor.u32 @!p0 $0x200, s24  }
0xfb: {  	[hbm4b:s21+s26] =	stream.linear.scatter @!p0 [tilespmem:s24], [sflag:$0x3], $0x3000, $0x38;
	[tilespmem:$0x1EE00] =	vst v63  }
0xfc: {  	s21 =	sadd.s32 @p2 s30, s14;
	s4 =	sshra.s32 @p2 s4, $0x2  }
0xfd: {  	s21 =	sadd.s32 @p2 $0x24000, s21;
	s4 =	sadd.s32 @p2 s4, s9  }
0xfe: {  	s24 =	sshll.u32 @p2 s20, $0x6;
	s21 =	sshrl.u32 @p2 s21, $0x3;
	s4 =	sadd.s32 @p2 $0xFFFA0000, s4  }
0xff: {  	s24 =	sor.u32 @p2 $0x1C04, s24;
	s21 =	sadd.s32 @p2 s23, s21;
	s4 =	sshrl.u32 @p2 s4, $0x3  }
0x100: {  	[hbm:s21], [sflag:s24] =	dma.local @p2 [spmem:s4], $0x600  }
0x101: {  	(v2sf) =	vpush v1, $0xD;
	_ =	sdelay $0xe  }
0x102: {  	s21 =	spop (v2sf)  }
0x103: {  	s4 =	ssub.s32 s21, s2;
	s8 =	sadd.s32 $0xFFFFFFE0, s21  }
0x104: {  	p0 =	sgt.u32 s4, $0x7;
	p1 =	slt.u32 s8, $0x9  }
0x105: {  	s26 =	sadd.s32 @!p0 s30, s14;
	s6 =	smul.u32 @!p0 $0xC000, s4;
	p1 =	por !p5, !p1  }
0x106: {  	s0 =	simm.s32 @!p5 $0x0;
	s26 =	sadd.s32 @!p0 $0x27000, s26;
	p1 =	por !p1, !p1  }
0x107: {  	s24 =	sshrl.u32 @!p0 s26, $0x3;
	s6 =	sshra.s32 @!p0 s6, $0x2;
	s26 =	simm.s32 @!p0 $0x0  }
0x108: {  	s21 =	smul.u32 @p1 $0xC000, s21;
	s24 =	sadd.s32 @!p0 s23, s24;
	s6 =	sor.u32 @!p0 $0x200, s6  }
0x109: {  	[hbm4b:s24+s26] =	stream.linear.scatter @!p0 [tilespmem:s6], [sflag:$0x3], $0x3000, $0x38;
	[tilespmem:$0x1EE00] =	vst v63  }
0x10a: {  	s0 =	simm.s32 @p5 $0x1;
	s6 =	sadd.s32 @p1 s30, s14;
	s21 =	sshra.s32 @p1 s21, $0x2  }
0x10b: {  	[smem:$0x7FC] =	sst s0;
	s6 =	sadd.s32 @p1 $0x27000, s6;
	s21 =	sadd.s32 @p1 s21, s9  }
0x10c: {  	s24 =	sshll.u32 @p1 s20, $0x6;
	s6 =	sshrl.u32 @p1 s6, $0x3;
	s21 =	sadd.s32 @p1 $0xFFFA0000, s21  }
0x10d: {  	s24 =	sor.u32 @p1 $0x1C04, s24;
	s6 =	sadd.s32 @p1 s23, s6;
	s21 =	sshrl.u32 @p1 s21, $0x3  }
0x10e: {  	[hbm:s6], [sflag:s24] =	dma.local @p1 [spmem:s21], $0x600  }
0x10f: {  	(v2sf) =	vpush v1, $0xE;
	_ =	sdelay $0xb  }
0x110: {  	p0 =	slt.u32 s18, $0x8  }
0x111: {  	s26 =	simm.s32 $0x1;
	s21 =	simm.s32 $0x1;
	s24 =	simm.s32 $0x1  }
0x112: {  	s21 =	simm.s32 @!p0 $0x0;
	s24 =	simm.s32 @!p6 $0x0;
	p6 =	slt.u32 s3, $0x8  }
0x113: {  	s3 =	simm.s32 $0x1;
	s29 =	sld [smem:$0x7F3];
	s6 =	spop (v2sf)  }
0x114: {  	s31 =	sld [smem:$0x7F4];
	s26 =	simm.s32 @!p6 $0x0;
	s18 =	ssub.s32 s6, s2  }
0x115: {  	s21 =	sadd.s32 s21, s28;
	s1 =	sadd.s32 s24, s1;
	p0 =	sgt.u32 s18, $0x7  }
0x116: {  	p6 =	seq.s32 s29, $0x1;
	s7 =	sadd.s32 @!p0 s30, s14;
	s0 =	smul.u32 @!p0 $0xC000, s18  }
0x117: {  	s29 =	simm.s32 $0x1;
	s3 =	simm.s32 @!p6 $0x0;
	s7 =	sadd.s32 @!p0 $0x2A000, s7  }
0x118: {  	s1 =	sadd.s32 s3, s1;
	s7 =	sshrl.u32 @!p0 s7, $0x3;
	s0 =	sshra.s32 @!p0 s0, $0x2  }
0x119: {  	s8 =	simm.s32 @!p0 $0x0;
	s7 =	sadd.s32 @!p0 s23, s7;
	s0 =	sor.u32 @!p0 $0x200, s0  }
0x11a: {  	[hbm4b:s7+s8] =	stream.linear.scatter @!p0 [tilespmem:s0], [sflag:$0x3], $0x3000, $0x38;
	[tilespmem:$0x1EE00] =	vst v63  }
0x11b: {  	s3 =	simm.s32 $0x1;
	s0 =	simm.s32 $0x1;
	s7 =	simm.s32 $0x1  }
0x11c: {  	p0 =	slt.u32 s5, $0x8;
	s5 =	sadd.s32 $0xFFFFFFE0, s6;
	s8 =	simm.s32 $0x1  }
0x11d: {  	s0 =	simm.s32 @!p0 $0x0;
	p0 =	seq.s32 s31, $0x1;
	p6 =	slt.u32 s5, $0x9  }
0x11e: {  	s7 =	simm.s32 @!p0 $0x0;
	p0 =	slt.u32 s10, $0x8;
	s10 =	sld [smem:$0x7F5]  }
0x11f: {  	s31 =	simm.s32 $0x1;
	p5 =	por !p5, !p6;
	s29 =	simm.s32 @!p0 $0x0  }
0x120: {  	p0 =	por !p5, !p5;
	s1 =	sadd.s32 s7, s1;
	s7 =	simm.s32 $0x1  }
0x121: {  	s6 =	smul.u32 @p0 $0xC000, s6;
	s5 =	sadd.s32 @p0 s30, s14;
	p6 =	seq.s32 s10, $0x1  }
0x122: {  	s10 =	simm.s32 $0x1;
	s5 =	sadd.s32 @p0 $0x2A000, s5;
	s8 =	simm.s32 @!p6 $0x0  }
0x123: {  	p6 =	slt.u32 s11, $0x8;
	s11 =	sld [smem:$0x7F6];
	s6 =	sshra.s32 @p0 s6, $0x2  }
0x124: {  	s5 =	sshrl.u32 @p0 s5, $0x3;
	s10 =	simm.s32 @!p6 $0x0;
	s6 =	sadd.s32 @p0 s6, s9  }
0x125: {  	s5 =	sadd.s32 @p0 s23, s5;
	s1 =	sadd.s32 s8, s1;
	s8 =	simm.s32 $0x1  }
0x126: {  	s6 =	sadd.s32 @p0 $0xFFFA0000, s6;
	p6 =	seq.s32 s11, $0x1;
	s11 =	simm.s32 $0x1  }
0x127: {  	s31 =	simm.s32 @!p6 $0x0;
	p6 =	slt.u32 s19, $0x8;
	s19 =	sshll.u32 @p0 s20, $0x6  }
0x128: {  	s6 =	sshrl.u32 @p0 s6, $0x3;
	s11 =	simm.s32 @!p6 $0x0;
	s19 =	sor.u32 @p0 $0x1C04, s19  }
0x129: {  	[hbm:s5], [sflag:s19] =	dma.local @p0 [spmem:s6], $0x600  }
0x12a: {  	s1 =	sadd.s32 s31, s1;
	s5 =	simm.s32 $0x1;
	s19 =	rddreg [dreg:$0x15]  }
0x12b: {  	s6 =	simm.s32 $0x1;
	s20 =	sld [smem:$0x7F7];
	p6 =	slt.u32 s19, $0x8  }
0x12c: {  	s24 =	sld [smem:$0x7F9];
	s6 =	simm.s32 @!p6 $0x0;
	p6 =	slt.u32 s13, $0x8  }
0x12d: {  	s13 =	sadd.s32 s26, s21;
	s26 =	smov.u32 s2;
	s2 =	rddreg [dreg:$0x5]  }
0x12e: {  	p5 =	seq.s32 s20, $0x1;
	s20 =	sld [smem:$0x7F8];
	s0 =	sadd.s32 s0, s13  }
0x12f: {  	s19 =	simm.s32 $0x1;
	s13 =	sld [smem:$0x7FA];
	s0 =	sadd.s32 s29, s0  }
0x130: {  	s5 =	simm.s32 @!p5 $0x0;
	s29 =	rddreg [dreg:$0x16];
	s0 =	sadd.s32 s10, s0  }
0x131: {  	s1 =	sadd.s32 s5, s1;
	s5 =	simm.s32 $0x1;
	p5 =	seq.s32 s20, $0x1  }
0x132: {  	s20 =	simm.s32 $0x1;
	s0 =	sadd.s32 s11, s0;
	s19 =	simm.s32 @!p5 $0x0  }
0x133: {  	s20 =	simm.s32 @!p6 $0x0;
	p5 =	seq.s32 s24, $0x1;
	p6 =	slt.u32 s29, $0x8  }
0x134: {  	(v2sf) =	vpush v1, $0xF;
	s0 =	sadd.s32 s6, s0;
	s6 =	simm.s32 $0x1;
	s24 =	sld [smem:$0x7FC]  }
0x135: {  	s3 =	simm.s32 @!p5 $0x0;
	s7 =	simm.s32 @!p6 $0x0;
	p5 =	seq.s32 s13, $0x1  }
0x136: {  	s1 =	sadd.s32 s19, s1;
	p6 =	slt.u32 s12, $0x8;
	s19 =	sld [smem:$0x7FB]  }
0x137: {  	s0 =	sadd.s32 s20, s0;
	s8 =	simm.s32 @!p5 $0x0;
	s5 =	simm.s32 @!p6 $0x0  }
0x138: {  	s1 =	sadd.s32 s3, s1;
	s0 =	sadd.s32 s7, s0;
	s3 =	simm.s32 $0x1  }
0x139: {  	s7 =	simm.s32 $0x1;
	s1 =	sadd.s32 s8, s1;
	p5 =	seq.s32 s19, $0x1  }
0x13a: {  	s0 =	sadd.s32 s5, s0;
	s5 =	simm.s32 $0x1;
	s3 =	simm.s32 @!p5 $0x0  }
0x13b: {  	p6 =	seq.s32 s24, $0x1;
	p5 =	slt.u32 s15, $0x8;
	s1 =	sadd.s32 s3, s1  }
0x13c: {  	s6 =	simm.s32 @!p5 $0x0;
	s3 =	simm.s32 $0x1;
	p5 =	slt.u32 s16, $0x8  }
0x13d: {  	s3 =	simm.s32 @!p4 $0x0;
	s0 =	sadd.s32 s6, s0;
	s5 =	simm.s32 @!p5 $0x0  }
0x13e: {  	s6 =	simm.s32 $0x1;
	p4 =	slt.u32 s17, $0x8;
	s1 =	sadd.s32 s3, s1  }
0x13f: {  	s6 =	simm.s32 @!p3 $0x0;
	s7 =	simm.s32 @!p4 $0x0;
	s0 =	sadd.s32 s5, s0  }
0x140: {  	s3 =	simm.s32 $0x1;
	s5 =	simm.s32 $0x1;
	s1 =	sadd.s32 s6, s1  }
0x141: {  	s3 =	simm.s32 @!p2 $0x0;
	p2 =	slt.u32 s4, $0x8;
	s4 =	simm.s32 $0x1  }
0x142: {  	s0 =	sadd.s32 s7, s0;
	s5 =	simm.s32 @!p1 $0x0;
	p1 =	slt.u32 s18, $0x8  }
0x143: {  	s4 =	simm.s32 @!p2 $0x0;
	s1 =	sadd.s32 s3, s1;
	s3 =	spop (v2sf)  }
0x144: {  	s0 =	sadd.s32 s4, s0;
	s1 =	sadd.s32 s5, s1;
	s4 =	ssub.s32 s3, s26  }
0x145: {  	s5 =	simm.s32 $0x1;
	s21 =	sadd.s32 $0xFFFFFFE0, s3;
	p2 =	sgt.u32 s4, $0x7  }
0x146: {  	s5 =	simm.s32 @!p1 $0x0;
	p5 =	slt.u32 s21, $0x9;
	s7 =	sadd.s32 @!p2 s30, s14  }
0x147: {  	p1 =	por !p6, !p5;
	s6 =	sadd.s32 @!p2 $0x2D000, s7;
	s7 =	smul.u32 @!p2 $0xC000, s4  }
0x148: {  	s20 =	stileid.u32;
	s0 =	sadd.s32 s5, s0;
	p1 =	por !p1, !p1  }
0x149: {  	s5 =	sshrl.u32 @!p2 s6, $0x3;
	s3 =	smul.u32 @p1 $0xC000, s3;
	s6 =	sshra.s32 @!p2 s7, $0x2  }
0x14a: {  	s5 =	sadd.s32 @!p2 s23, s5;
	s7 =	simm.s32 @!p2 $0x0;
	s6 =	sor.u32 @!p2 $0x200, s6  }
0x14b: {  	[hbm4b:s5+s7] =	stream.linear.scatter @!p2 [tilespmem:s6], [sflag:$0x3], $0x3000, $0x38;
	[tilespmem:$0x1EE00] =	vst v63  }
0x14c: {  	s3 =	sshra.s32 @p1 s3, $0x2;
	s5 =	simm.s32 $0x1;
	s6 =	sadd.s32 @p1 s30, s14  }
0x14d: {  	s3 =	sadd.s32 @p1 s3, s9;
	s7 =	sshll.u32 @p1 s20, $0x6;
	s6 =	sadd.s32 @p1 $0x2D000, s6  }
0x14e: {  	s30 =	sadd.s32 $0x30000, s30;
	s3 =	sadd.s32 @p1 $0xFFFA0000, s3;
	s6 =	sshrl.u32 @p1 s6, $0x3  }
0x14f: {  	s7 =	sor.u32 @p1 $0x1C04, s7;
	s3 =	sshrl.u32 @p1 s3, $0x3;
	s6 =	sadd.s32 @p1 s23, s6  }
0x150: {  	[hbm:s6], [sflag:s7] =	dma.local @p1 [spmem:s3], $0x600  }
0x151: {  	s5 =	simm.s32 @!p0 $0x0;
	p0 =	slt.u32 s4, $0x8;
	s3 =	simm.s32 $0x1  }
0x152: {  	s3 =	simm.s32 @!p0 $0x0;
	p0 =	seq.s32 s30, $0x4B0000  }
.Ltmp2:
0x153: {  	_ = 	snop;
	(pc) =	sbr.rel @!p0 .LBB2_2-.Ltmp2, $4  }
0x154: {  	s4 =	simm.s32 $0x1;
	s1 =	sadd.s32 s5, s1;
	s5 =	rddreg [dreg:$0x6]  }
0x155: {  	s4 =	simm.s32 @!p1 $0x0;
	s29 =	rddreg [dreg:$0x13]  }
0x156: {  	s1 =	sadd.s32 s4, s1;
	s31 =	rddreg [dreg:$0x14]  }
0x157: {  	s28 =	sadd.s32 s3, s0;
	s4 =	sadd.s32 $0x1, s31;
	s0 =	sadd.s32 $0x10, s29  }
0x158: {  	p0 =	sgt.s32 s1, $0x0  }
.Ltmp3:
0x159: {  	_ = 	snop;
	(pc) =	sbr.rel @!p0 .LBB2_7-.Ltmp3, $2  }
0x15a: {  	_ =	sdelay $0x2  }
0x15b: {  	s3 =	simm.s32 $0x0  }
0x15c: {  	s3 =	sadd.s32 $0x1, s3  }
0x15d: {  	p0 =	slt.s32 s3, s1  }
.Ltmp4:
0x15e: {  	_ = 	snop;
	(pc) =	sbr.rel @!p0 .LBB2_6-.Ltmp4, $3  }
0x15f: {  	_ =	sdelay $0x1  }
0x160: {  	_ =	swait.ge [sflag:s22], $0x600  }
0x161: {  	[sflag:s22] =	ssyncset.done $0x0  }
.LBB2_5:
0x162: {  	s3 =	sadd.s32 $0x1, s3  }
0x163: {  	[sflag:s22] =	ssyncadd.s32 $0xFFFFFA00;
	p0 =	slt.s32 s3, s1  }
.Ltmp5:
0x164: {  	(pc) =	sbr.rel @p0 .LBB2_5-.Ltmp5, $3  }
0x165: {  	_ =	sdelay $0x1  }
0x166: {  	_ =	swait.ge [sflag:s22], $0x600  }
0x167: {  	[sflag:s22] =	ssyncset.done $0x0  }
.LBB2_6:
0x168: {  	[sflag:s22] =	ssyncadd.s32 $0xFFFFFA00  }
.LBB2_7:
0x169: {  	[bflag:$0x0] =	sbarrier.arrive $0xFFFF  }
0x16a: {  	s0 =	sshll.u32 s20, $0x6;
	s1 =	rddreg [dreg:$0xa]  }
0x16b: {  	s31 =	simm.s32 $0x5;
	s0 =	sor.u32 $0x1C05, s0;
	s3 =	rddreg [dreg:$0x11]  }
0x16c: {  	[spmem:s3], [sflag:s0] =	dma.local [hbm:s1], $0xC00  }
0x16d: {  	_ =	swait.ge [sflag:s31], $0xC00  }
0x16e: {  	p0 =	slt.u32 s2, s5;
	[sflag:s31] =	ssyncset.done $0x0  }
.Ltmp6:
0x16f: {  	[sflag:s31] =	ssyncadd.s32 $0xFFFFF400;
	(pc) =	sbr.rel @!p0 .LBB2_13-.Ltmp6, $4  }
0x170: {  	[bflag:$0x0] =	sbarrier.arrive $0xFFFF  }
0x171: {  	s1 =	rddreg [dreg:$0xe]  }
0x172: {  	s3 =	rddreg [dreg:$0xd]  }
0x173: {  	s10 =	simm.s32 $0x0;
	s8 =	rddreg [dreg:$0xc]  }
.LBB2_8:
0x174: {  	v1 =	vld [tilespmem:s1+$0x0];
	_ =	sdelay $0x4  }
0x175: {  	(v2sf) =	vpush v1, $0x0;
	_ =	sdelay $0xe  }
0x176: {  	s11 =	spop (v2sf)  }
0x177: {  	p0 =	slt.s32 s11, $0x29  }
0x178: {  	s0 =	smul.u32 @!p0 $0xC000, s11;
	_ =	sdelay $0x1  }
0x179: {  	s0 =	sshra.s32 @!p0 s0, $0x2  }
0x17a: {  	s0 =	sadd.s32 @!p0 s0, s9  }
0x17b: {  	s4 =	sshrl.u32 @!p0 s3, $0x3;
	s5 =	sshll.u32 @!p0 s20, $0x6;
	s0 =	sadd.s32 @!p0 $0xFFF85000, s0  }
0x17c: {  	s4 =	sadd.s32 @!p0 s23, s4;
	s5 =	sor.u32 @!p0 $0x1C04, s5;
	s0 =	sshrl.u32 @!p0 s0, $0x3  }
0x17d: {  	[hbm:s4], [sflag:s5] =	dma.local @!p0 [spmem:s0], $0x600  }
0x17e: {  	(v2sf) =	vpush v1, $0x1;
	_ =	sdelay $0xe  }
0x17f: {  	s12 =	spop (v2sf)  }
0x180: {  	p0 =	slt.s32 s12, $0x29  }
0x181: {  	s0 =	smul.u32 @!p0 $0xC000, s12;
	_ =	sdelay $0x1  }
0x182: {  	s0 =	sshra.s32 @!p0 s0, $0x2  }
0x183: {  	s4 =	sadd.s32 @!p0 $0x3000, s3;
	s0 =	sadd.s32 @!p0 s0, s9  }
0x184: {  	s5 =	sshll.u32 @!p0 s20, $0x6;
	s4 =	sshrl.u32 @!p0 s4, $0x3;
	s0 =	sadd.s32 @!p0 $0xFFF85000, s0  }
0x185: {  	s5 =	sor.u32 @!p0 $0x1C04, s5;
	s4 =	sadd.s32 @!p0 s23, s4;
	s0 =	sshrl.u32 @!p0 s0, $0x3  }
0x186: {  	[hbm:s4], [sflag:s5] =	dma.local @!p0 [spmem:s0], $0x600  }
0x187: {  	(v2sf) =	vpush v1, $0x2;
	_ =	sdelay $0xe  }
0x188: {  	s13 =	spop (v2sf)  }
0x189: {  	p0 =	slt.s32 s13, $0x29  }
0x18a: {  	s0 =	smul.u32 @!p0 $0xC000, s13;
	_ =	sdelay $0x1  }
0x18b: {  	s0 =	sshra.s32 @!p0 s0, $0x2  }
0x18c: {  	s4 =	sadd.s32 @!p0 $0x6000, s3;
	s0 =	sadd.s32 @!p0 s0, s9  }
0x18d: {  	s5 =	sshll.u32 @!p0 s20, $0x6;
	s4 =	sshrl.u32 @!p0 s4, $0x3;
	s0 =	sadd.s32 @!p0 $0xFFF85000, s0  }
0x18e: {  	s5 =	sor.u32 @!p0 $0x1C04, s5;
	s4 =	sadd.s32 @!p0 s23, s4;
	s0 =	sshrl.u32 @!p0 s0, $0x3  }
0x18f: {  	[hbm:s4], [sflag:s5] =	dma.local @!p0 [spmem:s0], $0x600  }
0x190: {  	(v2sf) =	vpush v1, $0x3;
	_ =	sdelay $0xe  }
0x191: {  	s15 =	spop (v2sf)  }
0x192: {  	p0 =	slt.s32 s15, $0x29  }
0x193: {  	s0 =	smul.u32 @!p0 $0xC000, s15;
	_ =	sdelay $0x1  }
0x194: {  	s0 =	sshra.s32 @!p0 s0, $0x2  }
0x195: {  	s4 =	sadd.s32 @!p0 $0x9000, s3;
	s0 =	sadd.s32 @!p0 s0, s9  }
0x196: {  	s5 =	sshll.u32 @!p0 s20, $0x6;
	s4 =	sshrl.u32 @!p0 s4, $0x3;
	s0 =	sadd.s32 @!p0 $0xFFF85000, s0  }
0x197: {  	s5 =	sor.u32 @!p0 $0x1C04, s5;
	s4 =	sadd.s32 @!p0 s23, s4;
	s0 =	sshrl.u32 @!p0 s0, $0x3  }
0x198: {  	[hbm:s4], [sflag:s5] =	dma.local @!p0 [spmem:s0], $0x600  }
0x199: {  	(v2sf) =	vpush v1, $0x4;
	_ =	sdelay $0xe  }
0x19a: {  	s16 =	spop (v2sf)  }
0x19b: {  	p0 =	slt.s32 s16, $0x29  }
0x19c: {  	s0 =	smul.u32 @!p0 $0xC000, s16;
	_ =	sdelay $0x1  }
0x19d: {  	s0 =	sshra.s32 @!p0 s0, $0x2  }
0x19e: {  	s4 =	sadd.s32 @!p0 $0xC000, s3;
	s0 =	sadd.s32 @!p0 s0, s9  }
0x19f: {  	s5 =	sshll.u32 @!p0 s20, $0x6;
	s4 =	sshrl.u32 @!p0 s4, $0x3;
	s0 =	sadd.s32 @!p0 $0xFFF85000, s0  }
0x1a0: {  	s5 =	sor.u32 @!p0 $0x1C04, s5;
	s4 =	sadd.s32 @!p0 s23, s4;
	s0 =	sshrl.u32 @!p0 s0, $0x3  }
0x1a1: {  	[hbm:s4], [sflag:s5] =	dma.local @!p0 [spmem:s0], $0x600  }
0x1a2: {  	(v2sf) =	vpush v1, $0x5;
	_ =	sdelay $0xe  }
0x1a3: {  	s18 =	spop (v2sf)  }
0x1a4: {  	p0 =	slt.s32 s18, $0x29  }
0x1a5: {  	s0 =	smul.u32 @!p0 $0xC000, s18;
	_ =	sdelay $0x1  }
0x1a6: {  	s0 =	sshra.s32 @!p0 s0, $0x2  }
0x1a7: {  	s4 =	sadd.s32 @!p0 $0xF000, s3;
	s0 =	sadd.s32 @!p0 s0, s9  }
0x1a8: {  	s5 =	sshll.u32 @!p0 s20, $0x6;
	s4 =	sshrl.u32 @!p0 s4, $0x3;
	s0 =	sadd.s32 @!p0 $0xFFF85000, s0  }
0x1a9: {  	s5 =	sor.u32 @!p0 $0x1C04, s5;
	s4 =	sadd.s32 @!p0 s23, s4;
	s0 =	sshrl.u32 @!p0 s0, $0x3  }
0x1aa: {  	[hbm:s4], [sflag:s5] =	dma.local @!p0 [spmem:s0], $0x600  }
0x1ab: {  	(v2sf) =	vpush v1, $0x6;
	_ =	sdelay $0xe  }
0x1ac: {  	s17 =	spop (v2sf)  }
0x1ad: {  	p0 =	slt.s32 s17, $0x29  }
0x1ae: {  	s0 =	smul.u32 @!p0 $0xC000, s17;
	_ =	sdelay $0x1  }
0x1af: {  	s0 =	sshra.s32 @!p0 s0, $0x2  }
0x1b0: {  	s4 =	sadd.s32 @!p0 $0x12000, s3;
	s0 =	sadd.s32 @!p0 s0, s9  }
0x1b1: {  	s5 =	sshll.u32 @!p0 s20, $0x6;
	s4 =	sshrl.u32 @!p0 s4, $0x3;
	s0 =	sadd.s32 @!p0 $0xFFF85000, s0  }
0x1b2: {  	s5 =	sor.u32 @!p0 $0x1C04, s5;
	s4 =	sadd.s32 @!p0 s23, s4;
	s0 =	sshrl.u32 @!p0 s0, $0x3  }
0x1b3: {  	[hbm:s4], [sflag:s5] =	dma.local @!p0 [spmem:s0], $0x600  }
0x1b4: {  	(v2sf) =	vpush v1, $0x7;
	_ =	sdelay $0xe  }
0x1b5: {  	s0 =	spop (v2sf)  }
0x1b6: {  	p0 =	slt.s32 s0, $0x29  }
0x1b7: {  	s4 =	smul.u32 @!p0 $0xC000, s0;
	_ =	sdelay $0x1  }
0x1b8: {  	s4 =	sshra.s32 @!p0 s4, $0x2  }
0x1b9: {  	s5 =	sadd.s32 @!p0 $0x15000, s3;
	s4 =	sadd.s32 @!p0 s4, s9  }
0x1ba: {  	s6 =	sshll.u32 @!p0 s20, $0x6;
	s5 =	sshrl.u32 @!p0 s5, $0x3;
	s4 =	sadd.s32 @!p0 $0xFFF85000, s4  }
0x1bb: {  	s6 =	sor.u32 @!p0 $0x1C04, s6;
	s5 =	sadd.s32 @!p0 s23, s5;
	s4 =	sshrl.u32 @!p0 s4, $0x3  }
0x1bc: {  	[hbm:s5], [sflag:s6] =	dma.local @!p0 [spmem:s4], $0x600  }
0x1bd: {  	(v2sf) =	vpush v1, $0x8;
	_ =	sdelay $0xe  }
0x1be: {  	s4 =	spop (v2sf)  }
0x1bf: {  	p0 =	slt.s32 s4, $0x29  }
0x1c0: {  	s5 =	smul.u32 @!p0 $0xC000, s4;
	_ =	sdelay $0x1  }
0x1c1: {  	s5 =	sshra.s32 @!p0 s5, $0x2  }
0x1c2: {  	s6 =	sadd.s32 @!p0 $0x18000, s3;
	s5 =	sadd.s32 @!p0 s5, s9  }
0x1c3: {  	s7 =	sshll.u32 @!p0 s20, $0x6;
	s6 =	sshrl.u32 @!p0 s6, $0x3;
	s5 =	sadd.s32 @!p0 $0xFFF85000, s5  }
0x1c4: {  	s7 =	sor.u32 @!p0 $0x1C04, s7;
	s6 =	sadd.s32 @!p0 s23, s6;
	s5 =	sshrl.u32 @!p0 s5, $0x3  }
0x1c5: {  	[hbm:s6], [sflag:s7] =	dma.local @!p0 [spmem:s5], $0x600  }
0x1c6: {  	(v2sf) =	vpush v1, $0x9;
	_ =	sdelay $0xe  }
0x1c7: {  	s5 =	spop (v2sf)  }
0x1c8: {  	p0 =	slt.s32 s5, $0x29  }
0x1c9: {  	s6 =	smul.u32 @!p0 $0xC000, s5;
	_ =	sdelay $0x1  }
0x1ca: {  	s6 =	sshra.s32 @!p0 s6, $0x2  }
0x1cb: {  	s7 =	sadd.s32 @!p0 $0x1B000, s3;
	s6 =	sadd.s32 @!p0 s6, s9  }
0x1cc: {  	s19 =	sshll.u32 @!p0 s20, $0x6;
	s7 =	sshrl.u32 @!p0 s7, $0x3;
	s6 =	sadd.s32 @!p0 $0xFFF85000, s6  }
0x1cd: {  	s19 =	sor.u32 @!p0 $0x1C04, s19;
	s7 =	sadd.s32 @!p0 s23, s7;
	s6 =	sshrl.u32 @!p0 s6, $0x3  }
0x1ce: {  	[hbm:s7], [sflag:s19] =	dma.local @!p0 [spmem:s6], $0x600  }
0x1cf: {  	(v2sf) =	vpush v1, $0xA;
	_ =	sdelay $0xe  }
0x1d0: {  	s2 =	spop (v2sf)  }
0x1d1: {  	p0 =	slt.s32 s2, $0x29  }
0x1d2: {  	s6 =	smul.u32 @!p0 $0xC000, s2;
	_ =	sdelay $0x1  }
0x1d3: {  	s6 =	sshra.s32 @!p0 s6, $0x2  }
0x1d4: {  	s7 =	sadd.s32 @!p0 $0x1E000, s3;
	s6 =	sadd.s32 @!p0 s6, s9  }
0x1d5: {  	s19 =	sshll.u32 @!p0 s20, $0x6;
	s7 =	sshrl.u32 @!p0 s7, $0x3;
	s6 =	sadd.s32 @!p0 $0xFFF85000, s6  }
0x1d6: {  	s19 =	sor.u32 @!p0 $0x1C04, s19;
	s7 =	sadd.s32 @!p0 s23, s7;
	s6 =	sshrl.u32 @!p0 s6, $0x3  }
0x1d7: {  	[hbm:s7], [sflag:s19] =	dma.local @!p0 [spmem:s6], $0x600  }
0x1d8: {  	(v2sf) =	vpush v1, $0xB;
	_ =	sdelay $0xe  }
0x1d9: {  	s29 =	spop (v2sf)  }
0x1da: {  	p0 =	slt.s32 s29, $0x29  }
0x1db: {  	s6 =	smul.u32 @!p0 $0xC000, s29;
	_ =	sdelay $0x1  }
0x1dc: {  	s6 =	sshra.s32 @!p0 s6, $0x2  }
0x1dd: {  	s7 =	sadd.s32 @!p0 $0x21000, s3;
	s6 =	sadd.s32 @!p0 s6, s9  }
0x1de: {  	s19 =	sshll.u32 @!p0 s20, $0x6;
	s7 =	sshrl.u32 @!p0 s7, $0x3;
	s6 =	sadd.s32 @!p0 $0xFFF85000, s6  }
0x1df: {  	s19 =	sor.u32 @!p0 $0x1C04, s19;
	s7 =	sadd.s32 @!p0 s23, s7;
	s6 =	sshrl.u32 @!p0 s6, $0x3  }
0x1e0: {  	[hbm:s7], [sflag:s19] =	dma.local @!p0 [spmem:s6], $0x600  }
0x1e1: {  	(v2sf) =	vpush v1, $0xC;
	_ =	sdelay $0xe  }
0x1e2: {  	s30 =	spop (v2sf)  }
0x1e3: {  	p0 =	slt.s32 s30, $0x29  }
0x1e4: {  	s6 =	smul.u32 @!p0 $0xC000, s30;
	_ =	sdelay $0x1  }
0x1e5: {  	s6 =	sshra.s32 @!p0 s6, $0x2  }
0x1e6: {  	s7 =	sadd.s32 @!p0 $0x24000, s3;
	s6 =	sadd.s32 @!p0 s6, s9  }
0x1e7: {  	s19 =	sshll.u32 @!p0 s20, $0x6;
	s7 =	sshrl.u32 @!p0 s7, $0x3;
	s6 =	sadd.s32 @!p0 $0xFFF85000, s6  }
0x1e8: {  	s19 =	sor.u32 @!p0 $0x1C04, s19;
	s7 =	sadd.s32 @!p0 s23, s7;
	s6 =	sshrl.u32 @!p0 s6, $0x3  }
0x1e9: {  	[hbm:s7], [sflag:s19] =	dma.local @!p0 [spmem:s6], $0x600  }
0x1ea: {  	(v2sf) =	vpush v1, $0xD;
	_ =	sdelay $0xe  }
0x1eb: {  	s31 =	spop (v2sf)  }
0x1ec: {  	p0 =	slt.s32 s31, $0x29  }
0x1ed: {  	s6 =	smul.u32 @!p0 $0xC000, s31;
	_ =	sdelay $0x1  }
0x1ee: {  	s6 =	sshra.s32 @!p0 s6, $0x2  }
0x1ef: {  	s7 =	sadd.s32 @!p0 $0x27000, s3;
	s6 =	sadd.s32 @!p0 s6, s9  }
0x1f0: {  	s19 =	sshll.u32 @!p0 s20, $0x6;
	s7 =	sshrl.u32 @!p0 s7, $0x3;
	s6 =	sadd.s32 @!p0 $0xFFF85000, s6  }
0x1f1: {  	s19 =	sor.u32 @!p0 $0x1C04, s19;
	s7 =	sadd.s32 @!p0 s23, s7;
	s6 =	sshrl.u32 @!p0 s6, $0x3  }
0x1f2: {  	[hbm:s7], [sflag:s19] =	dma.local @!p0 [spmem:s6], $0x600  }
0x1f3: {  	(v2sf) =	vpush v1, $0xE;
	_ =	sdelay $0xe  }
0x1f4: {  	s21 =	spop (v2sf)  }
0x1f5: {  	p0 =	slt.s32 s21, $0x29  }
0x1f6: {  	s6 =	smul.u32 @!p0 $0xC000, s21;
	_ =	sdelay $0x1  }
0x1f7: {  	s6 =	sshra.s32 @!p0 s6, $0x2  }
0x1f8: {  	s7 =	sadd.s32 @!p0 $0x2A000, s3;
	s6 =	sadd.s32 @!p0 s6, s9  }
0x1f9: {  	s19 =	sshll.u32 @!p0 s20, $0x6;
	s7 =	sshrl.u32 @!p0 s7, $0x3;
	s6 =	sadd.s32 @!p0 $0xFFF85000, s6  }
0x1fa: {  	s19 =	sor.u32 @!p0 $0x1C04, s19;
	s7 =	sadd.s32 @!p0 s23, s7;
	s6 =	sshrl.u32 @!p0 s6, $0x3  }
0x1fb: {  	[hbm:s7], [sflag:s19] =	dma.local @!p0 [spmem:s6], $0x600  }
0x1fc: {  	(v2sf) =	vpush v1, $0xF;
	_ =	sdelay $0xe  }
0x1fd: {  	s24 =	spop (v2sf)  }
0x1fe: {  	p0 =	slt.s32 s24, $0x29  }
0x1ff: {  	s6 =	smul.u32 @!p0 $0xC000, s24;
	_ =	sdelay $0x1  }
0x200: {  	s6 =	sshra.s32 @!p0 s6, $0x2  }
0x201: {  	s7 =	sadd.s32 @!p0 $0x2D000, s3;
	s6 =	sadd.s32 @!p0 s6, s9  }
0x202: {  	s19 =	sshll.u32 @!p0 s20, $0x6;
	s7 =	sshrl.u32 @!p0 s7, $0x3;
	s6 =	sadd.s32 @!p0 $0xFFF85000, s6  }
0x203: {  	s19 =	sor.u32 @!p0 $0x1C04, s19;
	s7 =	sadd.s32 @!p0 s23, s7;
	s6 =	sshrl.u32 @!p0 s6, $0x3  }
0x204: {  	[hbm:s7], [sflag:s19] =	dma.local @!p0 [spmem:s6], $0x600  }
0x205: {  	p0 =	sgt.s32 s11, $0x28;
	s6 =	simm.s32 $0x1  }
0x206: {  	s6 =	simm.s32 @!p0 $0x0  }
0x207: {  	s7 =	simm.s32 $0x1;
	p0 =	sgt.s32 s12, $0x28;
	s6 =	sadd.s32 s6, s10  }
0x208: {  	s7 =	simm.s32 @!p0 $0x0;
	p0 =	sgt.s32 s13, $0x28;
	s10 =	simm.s32 $0x1  }
0x209: {  	s6 =	sadd.s32 s7, s6;
	s10 =	simm.s32 @!p0 $0x0  }
0x20a: {  	p0 =	sgt.s32 s15, $0x28;
	s7 =	simm.s32 $0x1;
	s6 =	sadd.s32 s10, s6  }
0x20b: {  	s7 =	simm.s32 @!p0 $0x0;
	p0 =	sgt.s32 s16, $0x28;
	s10 =	simm.s32 $0x1  }
0x20c: {  	s6 =	sadd.s32 s7, s6;
	s10 =	simm.s32 @!p0 $0x0  }
0x20d: {  	p0 =	sgt.s32 s18, $0x28;
	s7 =	simm.s32 $0x1;
	s6 =	sadd.s32 s10, s6  }
0x20e: {  	s7 =	simm.s32 @!p0 $0x0;
	p0 =	sgt.s32 s17, $0x28;
	s10 =	simm.s32 $0x1  }
0x20f: {  	s6 =	sadd.s32 s7, s6;
	s10 =	simm.s32 @!p0 $0x0  }
0x210: {  	p0 =	sgt.s32 s0, $0x28;
	s0 =	simm.s32 $0x1;
	s6 =	sadd.s32 s10, s6  }
0x211: {  	s0 =	simm.s32 @!p0 $0x0;
	p0 =	sgt.s32 s4, $0x28;
	s4 =	simm.s32 $0x1  }
0x212: {  	s0 =	sadd.s32 s0, s6;
	s4 =	simm.s32 @!p0 $0x0  }
0x213: {  	p0 =	sgt.s32 s5, $0x28;
	s0 =	sadd.s32 s4, s0;
	s4 =	simm.s32 $0x1  }
0x214: {  	s4 =	simm.s32 @!p0 $0x0  }
0x215: {  	s5 =	simm.s32 $0x1;
	p0 =	sgt.s32 s2, $0x28;
	s0 =	sadd.s32 s4, s0  }
0x216: {  	s5 =	simm.s32 @!p0 $0x0;
	p0 =	sgt.s32 s29, $0x28;
	s4 =	simm.s32 $0x1  }
0x217: {  	s0 =	sadd.s32 s5, s0;
	s4 =	simm.s32 @!p0 $0x0  }
0x218: {  	p0 =	sgt.s32 s30, $0x28;
	s5 =	simm.s32 $0x1;
	s0 =	sadd.s32 s4, s0  }
0x219: {  	s5 =	simm.s32 @!p0 $0x0;
	p0 =	sgt.s32 s31, $0x28;
	s4 =	simm.s32 $0x1  }
0x21a: {  	s8 =	sadd.s32 $0xFFFFFFFF, s8;
	s0 =	sadd.s32 s5, s0;
	s4 =	simm.s32 @!p0 $0x0  }
0x21b: {  	p0 =	sgt.s32 s21, $0x28;
	s5 =	simm.s32 $0x1;
	s0 =	sadd.s32 s4, s0  }
0x21c: {  	s5 =	simm.s32 @!p0 $0x0;
	p0 =	sgt.s32 s24, $0x28;
	s4 =	simm.s32 $0x1  }
0x21d: {  	s4 =	simm.s32 @!p0 $0x0;
	p0 =	seq.s32 s8, $0x0  }
.Ltmp7:
0x21e: {  	_ = 	snop;
	(pc) =	sbr.rel @!p0 .LBB2_8-.Ltmp7, $3  }
0x21f: {  	_ =	sdelay $0x1  }
0x220: {  	s11 =	sadd.s32 s5, s0  }
0x221: {  	s1 =	sadd.s32 $0x10, s1;
	s3 =	sadd.s32 $0x30000, s3;
	s10 =	sadd.s32 s4, s11  }
0x222: {  	p0 =	slt.s32 s10, $0x1  }
.Ltmp8:
0x223: {  	_ = 	snop;
	(pc) =	sbr.rel @p0 .LBB2_13-.Ltmp8, $1  }
0x224: {  	_ =	sdelay $0x3  }
0x225: {  	s1 =	sadd.s32 s4, s11  }
0x226: {  	p0 =	seq.s32 s1, $0x1  }
.Ltmp9:
0x227: {  	_ = 	snop;
	(pc) =	sbr.rel @p0 .LBB2_12-.Ltmp9, $3  }
0x228: {  	_ =	sdelay $0x1  }
0x229: {  	_ =	swait.ge [sflag:s22], $0x600  }
0x22a: {  	s1 =	sadd.s32 $0xFFFFFFFF, s1;
	[sflag:s22] =	ssyncset.done $0x0  }
.LBB2_11:
0x22b: {  	p0 =	seq.s32 s1, $0x1;
	s1 =	sadd.s32 $0xFFFFFFFF, s1;
	[sflag:s22] =	ssyncadd.s32 $0xFFFFFA00  }
.Ltmp10:
0x22c: {  	(pc) =	sbr.rel @!p0 .LBB2_11-.Ltmp10, $3  }
0x22d: {  	_ =	sdelay $0x1  }
0x22e: {  	_ =	swait.ge [sflag:s22], $0x600  }
0x22f: {  	[sflag:s22] =	ssyncset.done $0x0  }
.LBB2_12:
0x230: {  	[sflag:s22] =	ssyncadd.s32 $0xFFFFFA00  }
.LBB2_13:
0x231: {  	p0 =	sgt.s32 s28, $0x0  }
.Ltmp11:
0x232: {  	_ = 	snop;
	(pc) =	sbr.rel @!p0 .LBB2_17-.Ltmp11, $2  }
0x233: {  	_ =	sdelay $0x2  }
0x234: {  	s1 =	simm.s32 $0x0;
	s3 =	rddreg [dreg:$0x12]  }
0x235: {  	s1 =	sadd.s32 $0x1, s1  }
0x236: {  	p0 =	slt.s32 s1, s28  }
.Ltmp12:
0x237: {  	_ = 	snop;
	(pc) =	sbr.rel @!p0 .LBB2_16-.Ltmp12, $3  }
0x238: {  	_ =	sdelay $0x1  }
0x239: {  	_ =	swait.ge [sflag:s25], $0x3000  }
0x23a: {  	[sflag:s25] =	ssyncset.done $0x0  }
.LBB2_15:
0x23b: {  	s1 =	sadd.s32 $0x1, s1  }
0x23c: {  	[sflag:s25] =	ssyncadd.s32 $0xFFFFD000;
	p0 =	slt.s32 s1, s28  }
.Ltmp13:
0x23d: {  	(pc) =	sbr.rel @p0 .LBB2_15-.Ltmp13, $3  }
0x23e: {  	_ =	sdelay $0x1  }
0x23f: {  	_ =	swait.ge [sflag:s25], $0x3000  }
0x240: {  	[sflag:s25] =	ssyncset.done $0x0  }
.Ltmp14:
0x241: {  	_ = 	snop;
	(pc) =	sbr.rel .LBB2_16-.Ltmp14, $1  }
0x242: {  	_ =	sdelay $0x3  }
.LBB2_18:
0x243: {  	_ =	sfence.sel $0x180000  }
0x244: {  	[bflag:$0x0] =	sbarrier.arrive $0xFFFF  }
0x245: {  	_ =	strace $0x90000047  }
0x246: {  	[bflag:$0x2] =	sbarrier.arrive $0xFFFF  }
0x247: {  	p0 =	sne.s32 s20, $0x0;
	s0 =	rddreg [dreg:$0x4]  }
0x248: {  	s0 =	sadd.s32 @!p0 $0x100000, s0  }
0x249: {  	[sflag:s0] =	ssyncadd.tile.s32 @!p0 $0x1;
	_ =	shalt  }
.Lfunc_end2:
_tile_overlayer_lowered:
.L_overlay_start_2:
0x24a: {  	(tag) =	ssettag $0x2  }
0x24b: {  	s0 =	rddreg [dreg:$0x0];
	s2 =	stileid.u32  }
0x24c: {  	s1 =	rddreg [dreg:$0x1];
	p0 =	sne.s32 s2, $0x0  }
0x24d: {  	s3 =	rddreg [dreg:$0x2];
	[bflag:$0x3] =	sbarrier.arrive $0xFFFF;
	s2 =	simm.s32 @!p0 $0x1C06  }
0x24e: {  	[timem:s3], [sflag:s2] =	dma.local @!p0 [hbm:s0], s1  }
0x24f: {  	s0 =	simm.s32 @!p0 $0x6  }
0x250: {  	_ =	swait.ge @!p0 [sflag:s0], s1  }
0x251: {  	s1 =	ssub.s32 @!p0 $0x0, s1;
	[sflag:s0] =	ssyncset.done @!p0 $0x0  }
0x252: {  	[sflag:s0] =	ssyncadd.s32 @!p0 s1  }
0x253: {  	[bflag:$0x3] =	sbarrier.arrive $0xFFFF  }
0x254: {  	_ =	shalt  }

</sc_bundles>
